<compile_context>
chip_gen: v7x
topology: tpu7x:2x2x1
jax: 0.10.2.dev20260603
libtpu: 0.0.44.dev20260713+nightly
codegen_flags: <defaults>
</compile_context>

<pallas_src>
import functools

import jax
import jax.numpy as jnp
from jax import lax
from jax.experimental import pallas as pl
from jax.experimental.pallas import tpu as pltpu
from jax.experimental.pallas import tpu_sc as plsc

B = 2
N = 8192
C_IN = 64
K = 32
S = N // 4
RADII = (0.05, 0.1, 0.2)



def _run_fps(points):
    pts_t = jnp.transpose(points, (0, 2, 1))

    def one(pts):
        def step(carry, _):
            dists, far = carry
            c = pts[far]
            d = jnp.sum((pts - c) ** 2, axis=1)
            dists = jnp.minimum(dists, d)
            nxt = jnp.argmax(dists).astype(jnp.int32)
            return (dists, nxt), far

        init = (jnp.full((N,), 1e10, dtype=pts.dtype), jnp.int32(0))
        (_, _), idx = lax.scan(step, init, None, length=S)
        return pts[idx]

    return jnp.stack([one(pts_t[b]) for b in range(B)])



SB = 256
W = 2048


def _cumsum_lanes(x):
    sh = 1
    while sh < x.shape[1]:
        shifted = jnp.concatenate(
            [jnp.zeros((x.shape[0], sh), x.dtype), x[:, :-sh]], axis=1)
        x = x + shifted
        sh *= 2
    return x


def _ballq_body(cent_ref, pts_ref, o0_ref, o1_ref, o2_ref,
                cnt_ref, a0_ref, a1_ref, a2_ref):
    ci = pl.program_id(2)
    nch = pl.num_programs(2)
    acc_refs = (a0_ref, a1_ref, a2_ref)

    @pl.when(ci == 0)
    def _init():
        cnt_ref[...] = jnp.zeros((SB, 8), jnp.int32)
        for a in acc_refs:
            a[...] = jnp.zeros((SB, K), jnp.int32)

    c = cent_ref[0]
    cx, cy, cz = c[:, 0:1], c[:, 1:2], c[:, 2:3]
    cc = (cx * cx + cy * cy) + cz * cz

    px = pts_ref[0, 0:1, :]
    py = pts_ref[0, 1:2, :]
    pz = pts_ref[0, 2:3, :]
    pp = (px * px + py * py) + pz * pz
    rb = lambda v: v.astype(jnp.bfloat16).astype(jnp.float32)
    dot = rb(cx) * rb(px) + rb(cy) * rb(py) + rb(cz) * rb(pz)
    d2 = (cc + pp) - 2.0 * dot

    for r, rad in enumerate(RADII):
        mask = d2 <= rad * rad
        mi = mask.astype(jnp.int32)
        incl = _cumsum_lanes(mi) + cnt_ref[:, r:r + 1]
        for k in range(K):
            acc_refs[r][:, k:k + 1] += jnp.sum(
                (incl <= k).astype(jnp.int32), axis=1, keepdims=True)
        cnt_ref[:, r:r + 1] = incl[:, W - 1:W]

    @pl.when(ci == nch - 1)
    def _finish():
        base = pl.program_id(0) * N
        kk = lax.broadcasted_iota(jnp.int32, (SB, K), 1)
        for r, out_ref in enumerate((o0_ref, o1_ref, o2_ref)):
            acc = acc_refs[r][...]
            cnt = jnp.minimum(cnt_ref[:, r:r + 1], K)
            res = jnp.where(kk < cnt, acc, acc[:, 0:1])
            res = jnp.where(cnt == 0, N - 1, res)
            out_ref[0] = res + base


def _run_ballq(cent, points):
    outs = pl.pallas_call(
        _ballq_body,
        grid=(B, S // SB, N // W),
        in_specs=[
            pl.BlockSpec((1, SB, 3), lambda b, s, ci: (b, s, 0)),
            pl.BlockSpec((1, 3, W), lambda b, s, ci: (b, 0, ci)),
        ],
        out_specs=[
            pl.BlockSpec((1, SB, K), lambda b, s, ci: (b, s, 0))
            for _ in RADII
        ],
        out_shape=[
            jax.ShapeDtypeStruct((B, S, K), jnp.int32) for _ in RADII
        ],
        scratch_shapes=[
            pltpu.VMEM((SB, 8), jnp.int32),
            pltpu.VMEM((SB, K), jnp.int32),
            pltpu.VMEM((SB, K), jnp.int32),
            pltpu.VMEM((SB, K), jnp.int32),
        ],
    )(cent, points)
    return outs



NB = 2048


def _tables_body(pts_ref, feat_ref, w0_ref, w1_ref, w2_ref,
                 t0_ref, t1_ref, t2_ref):
    xp = pts_ref[0]
    xf = feat_ref[0]
    for w_ref, t_ref in ((w0_ref, t0_ref), (w1_ref, t1_ref), (w2_ref, t2_ref)):
        w = w_ref[...]
        wx = w[:, :3]
        wf = w[:, 3:]
        tx = lax.dot_general(xp, wx, (((0,), (1,)), ((), ())),
                             preferred_element_type=jnp.float32)
        tf = lax.dot_general(xf, wf, (((0,), (1,)), ((), ())),
                             preferred_element_type=jnp.float32)
        t_ref[0] = tx + tf


def _run_tables(points, feats, w0s):
    outs = pl.pallas_call(
        _tables_body,
        grid=(B, N // NB),
        in_specs=[
            pl.BlockSpec((1, 3, NB), lambda b, n: (b, 0, n)),
            pl.BlockSpec((1, C_IN, NB), lambda b, n: (b, 0, n)),
        ] + [
            pl.BlockSpec((C_IN, C_IN + 3), lambda b, n: (0, 0))
            for _ in range(3)
        ],
        out_specs=[
            pl.BlockSpec((1, NB, C_IN), lambda b, n: (b, n, 0))
            for _ in range(3)
        ],
        out_shape=[
            jax.ShapeDtypeStruct((B, N, C_IN), jnp.float32)
            for _ in range(3)
        ],
    )(points, feats, *w0s)
    return outs



GTOT = B * S * K
GCHUNK = 128


def _make_gather():
    info = plsc.get_sparse_core_info()
    nw = info.num_cores * info.num_subcores
    per_w = GTOT // nw
    nchunk = per_w // GCHUNK
    mesh = plsc.VectorSubcoreMesh(core_axis_name="c", subcore_axis_name="s")

    @functools.partial(
        pl.kernel,
        mesh=mesh,
        compiler_params=pltpu.CompilerParams(use_tc_tiling_on_sc=False),
        out_type=jax.ShapeDtypeStruct((GTOT, C_IN), jnp.float32),
        scratch_types=[
            pltpu.VMEM((GCHUNK,), jnp.int32),
            pltpu.VMEM((GCHUNK, C_IN), jnp.float32),
            pltpu.SemaphoreType.DMA,
        ],
    )
    def gather(table_hbm, idx_hbm, out_hbm, idx_v, rows_v, sem):
        wid = lax.axis_index("s") * info.num_cores + lax.axis_index("c")
        base = wid * per_w

        def body(i, carry):
            st = base + i * GCHUNK
            pltpu.sync_copy(idx_hbm.at[pl.ds(st, GCHUNK)], idx_v)
            pltpu.async_copy(table_hbm.at[idx_v], rows_v, sem).wait()
            pltpu.sync_copy(rows_v, out_hbm.at[pl.ds(st, GCHUNK)])
            return carry

        lax.fori_loop(0, nchunk, body, 0)

    return gather


_gather_cache = []


def _get_gather():
    if not _gather_cache:
        _gather_cache.append(_make_gather())
    return _gather_cache[0]



SB2 = 256


def _make_mlp_body(out_ch):
    def body(g_ref, cent_ref, w0_ref, b0_ref, w1_ref, b1_ref, w2_ref, b2_ref,
             out_ref):
        c = cent_ref[0]
        w0 = w0_ref[...]
        wx = w0[:, :3]
        q = lax.dot_general(c, wx, (((1,), (1,)), ((), ())),
                            preferred_element_type=jnp.float32)
        g = g_ref[0]
        g3 = g.reshape(SB2, K, C_IN)
        b0 = b0_ref[...].reshape(1, 1, C_IN)
        h1 = jnp.maximum(g3 - q[:, jnp.newaxis, :] + b0, 0.0)
        h1 = h1.reshape(SB2 * K, C_IN)
        h2 = lax.dot_general(h1, w1_ref[...], (((1,), (1,)), ((), ())),
                             preferred_element_type=jnp.float32)
        h2 = jnp.maximum(h2 + b1_ref[...], 0.0)
        h3 = lax.dot_general(h2, w2_ref[...], (((1,), (1,)), ((), ())),
                             preferred_element_type=jnp.float32)
        h3 = h3 + b2_ref[...]
        out_ref[0] = jnp.max(h3.reshape(SB2, K, out_ch), axis=1)

    return body


def _run_mlp(g, cent, w0, b0, w1, b1, w2, b2):
    out_ch = w2.shape[0]
    out = pl.pallas_call(
        _make_mlp_body(out_ch),
        grid=(B, S // SB2),
        in_specs=[
            pl.BlockSpec((1, SB2 * K, C_IN), lambda b, s: (b, s, 0)),
            pl.BlockSpec((1, SB2, 3), lambda b, s: (b, s, 0)),
            pl.BlockSpec((C_IN, C_IN + 3), lambda b, s: (0, 0)),
            pl.BlockSpec((1, C_IN), lambda b, s: (0, 0)),
            pl.BlockSpec((C_IN, C_IN), lambda b, s: (0, 0)),
            pl.BlockSpec((1, C_IN), lambda b, s: (0, 0)),
            pl.BlockSpec((out_ch, C_IN), lambda b, s: (0, 0)),
            pl.BlockSpec((1, out_ch), lambda b, s: (0, 0)),
        ],
        out_specs=pl.BlockSpec((1, SB2, out_ch), lambda b, s: (b, s, 0)),
        out_shape=jax.ShapeDtypeStruct((B, S, out_ch), jnp.float32),
    )(g, cent, w0, b0.reshape(1, C_IN), w1, b1.reshape(1, C_IN),
      w2, b2.reshape(1, out_ch))
    return out




def kernel(points, point_features,
           w0_0, b0_0, w0_1, b0_1, w0_2, b0_2,
           w1_0, b1_0, w1_1, b1_1, w1_2, b1_2,
           w2_0, b2_0, w2_1, b2_1, w2_2, b2_2):
    cent = _run_fps(points)
    idxs = _run_ballq(cent, points)
    tables = _run_tables(points, point_features, (w0_0, w1_0, w2_0))
    scale_ws = (
        (w0_0, b0_0, w0_1, b0_1, w0_2, b0_2),
        (w1_0, b1_0, w1_1, b1_1, w1_2, b1_2),
        (w2_0, b2_0, w2_1, b2_1, w2_2, b2_2),
    )
    feats_out = []
    for sidx in range(3):
        table = tables[sidx].reshape(B * N, C_IN)
        flat_idx = idxs[sidx].reshape(GTOT)
        g = _get_gather()(table, flat_idx)
        g = g.reshape(B, S * K, C_IN)
        w0, b0, w1, b1, w2, b2 = scale_ws[sidx]
        f = _run_mlp(g, cent, w0, b0, w1, b1, w2, b2)
        feats_out.append(jnp.transpose(f, (0, 2, 1)))
    centroid_features = jnp.concatenate(feats_out, axis=1)
    centroids_out = jnp.reshape(cent, (B, 3, S))
    return centroids_out, centroid_features

# --- scband reference (transcript-rebuilt; emitter-appended) ---
"""Pipeline reference for scband-msgset-abstraction-46145128628930 (READ-ONLY COPY).

The authoritative reference and input builder live on the scoring server;
editing this copy changes nothing except your own understanding.
"""

import jax, jax.numpy as jnp
import numpy as np

B = 2
N = 8192
C_IN = 64
OUT = 128
K = 32
RADII = [0.05, 0.1, 0.2]
OUTS = [OUT // 2, OUT // 4, OUT // 4]


def fps(pts, S):
    n = pts.shape[0]

    def step(carry, _):
        dists, far = carry
        c = pts[far]
        d = jnp.sum((pts - c) ** 2, axis=1)
        dists = jnp.minimum(dists, d)
        nxt = jnp.argmax(dists).astype(jnp.int32)
        return (dists, nxt), far

    (_, _), idx = jax.lax.scan(step, (jnp.full((n,), 1e10, dtype=pts.dtype), jnp.int32(0)), None, length=S)
    return idx


def ball_query(radius, cent, pts, k):
    n = pts.shape[0]
    cc = jnp.sum(cent * cent, axis=1)
    pp = jnp.sum(pts * pts, axis=1)
    d2 = cc[:, None] + pp[None, :] - 2.0 * (cent @ pts.T)
    idx = jnp.where(d2 <= radius * radius, jnp.arange(n, dtype=jnp.int32)[None, :], n)
    idx = jnp.sort(idx, axis=1)[:, :k]
    first = idx[:, :1]
    idx = jnp.where(idx >= n, jnp.broadcast_to(first, idx.shape), idx)
    return idx


def setup_inputs(seed: int = 0):
    key = jax.random.key(seed)
    ks = jax.random.split(key, 24)
    inp = {}
    inp['points'] = jax.random.uniform(ks[0], (B, 3, N), dtype=jnp.float32)
    inp['point_features'] = jax.random.normal(ks[1], (B, C_IN, N), dtype=jnp.float32)
    ki = 2
    for s in range(3):
        dims = [(C_IN, C_IN + 3), (C_IN, C_IN), (OUTS[s], C_IN)]
        for l, (o, c) in enumerate(dims):
            bound = float(np.sqrt(6.0 / (o + c)))
            inp['w%d_%d' % (s, l)] = jax.random.uniform(ks[ki], (o, c), dtype=jnp.float32, minval=-bound, maxval=bound)
            inp['b%d_%d' % (s, l)] = jnp.zeros((o,), dtype=jnp.float32)
            ki += 1
    return inp


def _forward(points, point_features, ws):
    S = N // 4
    pts = jnp.transpose(points, (0, 2, 1))
    feats = jnp.transpose(point_features, (0, 2, 1))
    cents = []
    for b in range(B):
        idx = fps(jax.lax.stop_gradient(pts[b]), S)
        cents.append(pts[b][idx])
    centroids = jnp.stack(cents)
    scale_feats = []
    for s in range(3):
        w0, b0, w1, b1, w2, b2 = ws[6 * s:6 * s + 6]
        regions = []
        for b in range(B):
            gi = ball_query(RADII[s], jax.lax.stop_gradient(centroids[b]), jax.lax.stop_gradient(pts[b]), K)
            gxyz = pts[b][gi] - centroids[b][:, None, :]
            gfeat = feats[b][gi]
            regions.append(jnp.concatenate([gxyz, gfeat], axis=-1))
        reg = jnp.stack(regions)
        x = jnp.transpose(reg, (0, 3, 2, 1))
        x = jnp.einsum('oc,bcks->boks', w0, x) + b0[None, :, None, None]
        x = jax.nn.relu(x)
        x = jnp.einsum('oc,bcks->boks', w1, x) + b1[None, :, None, None]
        x = jax.nn.relu(x)
        x = jnp.einsum('oc,bcks->boks', w2, x) + b2[None, :, None, None]
        x = jnp.max(x, axis=2)
        scale_feats.append(x)
    centroid_features = jnp.concatenate(scale_feats, axis=1)
    centroids_out = jnp.reshape(centroids, (B, 3, S))
    return (centroids_out, centroid_features)


def reference(points, point_features, w0_0, b0_0, w0_1, b0_1, w0_2, b0_2, w1_0, b1_0, w1_1, b1_1, w1_2, b1_2, w2_0, b2_0, w2_1, b2_1, w2_2, b2_2):
    ws = (w0_0, b0_0, w0_1, b0_1, w0_2, b0_2, w1_0, b1_0, w1_1, b1_1, w1_2, b1_2, w2_0, b2_0, w2_1, b2_1, w2_2, b2_2)
    return _forward(points, point_features, ws)

if __name__ == "__main__":
    import jax
    _d = setup_inputs()
    print(jax.jit(kernel)(*tuple(_d.values())))

</pallas_src>

<mosaic_0001>
#map = affine_map<(d0, d1) -> (0, 0)>
#map1 = affine_map<(d0, d1) -> (0)>
module attributes {stable_mosaic.version = 14 : i64} {
  func.func @gather(%arg0: i32, %arg1: i32, %arg2: memref<16384x64xf32, #tpu.memory_space<hbm>>, %arg3: memref<131072xi32, #tpu.memory_space<hbm>>, %arg4: memref<131072x64xf32, #tpu.memory_space<hbm>>, %arg5: memref<128xi32, #tpu.memory_space<vmem>>, %arg6: memref<128x64xf32, #tpu.memory_space<vmem>>, %arg7: memref<!tpu.dma_semaphore, #tpu.memory_space<semaphore_mem>>) attributes {dimension_semantics = [#tpu.dimension_semantics<core_parallel>, #tpu.dimension_semantics<subcore_parallel>], iteration_bounds = array<i64: 2, 16>, scalar_prefetch = 0 : i64, scratch_operands = 3 : i64, tpu.core_type = #tpu.core_type<sc_vector_subcore>, window_params = [{transform_indices = #map}, {transform_indices = #map1}, {transform_indices = #map}]} {
    %mul3A = arith.constant 2 : i32
    %mul3A_0 = arith.muli %arg1, %mul3A : i32
    %add3A = arith.addi %mul3A_0, %arg0 : i32
    %mul3A_1 = arith.constant 4096 : i32
    %mul3A_2 = arith.muli %add3A, %mul3A_1 : i32
    %scan3A = arith.constant 0 : i32
    %scan3A_3 = arith.constant 0 : i32
    %scan3A_4 = arith.constant 32 : i32
    %scan3A_5 = arith.addi %scan3A_3, %scan3A_4 : i32
    %scan3A_6 = arith.constant 1 : i32
    scf.for %scan3A_8 = %scan3A_3 to %scan3A_5 step %scan3A_6  : i32 {
      %mul3A_9 = arith.constant 128 : i32
      %mul3A_10 = arith.muli %scan3A_8, %mul3A_9 : i32
      %add3A_11 = arith.addi %mul3A_2, %mul3A_10 : i32
      "tpu.region"() ({
        %run_scoped3A = tpu.sem_alloc : memref<!tpu.dma_semaphore, #tpu.memory_space<semaphore_mem>>
        %dma_start3A_16 = tpu.memref_slice %arg3[%add3A_11] : memref<131072xi32, #tpu.memory_space<hbm>> -> memref<128xi32, #tpu.memory_space<hbm>>
        %dma_start3A_17 = tpu.memref_slice %arg3[%add3A_11] : memref<131072xi32, #tpu.memory_space<hbm>> -> memref<128xi32, #tpu.memory_space<hbm>>
        tpu.enqueue_dma source(%dma_start3A_17 : memref<128xi32, #tpu.memory_space<hbm>>) target(%arg5 : memref<128xi32, #tpu.memory_space<vmem>>) target_semaphore(%run_scoped3A : memref<!tpu.dma_semaphore, #tpu.memory_space<semaphore_mem>>)
        %dma_wait3A_18 = tpu.memref_slice %arg3[%add3A_11] : memref<131072xi32, #tpu.memory_space<hbm>> -> memref<128xi32, #tpu.memory_space<hbm>>
        %dma_wait3A_19 = tpu.memref_slice %arg3[%add3A_11] : memref<131072xi32, #tpu.memory_space<hbm>> -> memref<128xi32, #tpu.memory_space<hbm>>
        tpu.wait_dma2 semaphore(%run_scoped3A : memref<!tpu.dma_semaphore, #tpu.memory_space<semaphore_mem>>) src(%dma_wait3A_19 : memref<128xi32, #tpu.memory_space<hbm>>) dst(%arg5 : memref<128xi32, #tpu.memory_space<vmem>>)
        tpu.yield
      }) : () -> ()
      %dma_start3A = arith.constant 0 : i32
      %dma_start3A_12 = arith.constant 0 : i32
      %dma_start3A_13 = tpu.memref_slice %arg2[%dma_start3A, %dma_start3A_12] : memref<16384x64xf32, #tpu.memory_space<hbm>> -> memref<16384x64xf32, #tpu.memory_space<hbm>>
      tpu.enqueue_indirect_dma source(%dma_start3A_13 : memref<16384x64xf32, #tpu.memory_space<hbm>>) target(%arg6 : memref<128x64xf32, #tpu.memory_space<vmem>>) offsets(%arg5 : memref<128xi32, #tpu.memory_space<vmem>>) semaphore(%arg7 : memref<!tpu.dma_semaphore, #tpu.memory_space<semaphore_mem>>)
      %dma_wait3A = arith.constant 0 : i32
      %dma_wait3A_14 = arith.constant 0 : i32
      %dma_wait3A_15 = tpu.memref_slice %arg2[%dma_wait3A, %dma_wait3A_14] : memref<16384x64xf32, #tpu.memory_space<hbm>> -> memref<16384x64xf32, #tpu.memory_space<hbm>>
      tpu.wait_indirect_dma semaphore(%arg7 : memref<!tpu.dma_semaphore, #tpu.memory_space<semaphore_mem>>) src(%dma_wait3A_15 : memref<16384x64xf32, #tpu.memory_space<hbm>>) dst(%arg6 : memref<128x64xf32, #tpu.memory_space<vmem>>)
      "tpu.region"() ({
        %run_scoped3A = tpu.sem_alloc : memref<!tpu.dma_semaphore, #tpu.memory_space<semaphore_mem>>
        %dma_start3A_16 = arith.constant 0 : i32
        %dma_start3A_17 = tpu.memref_slice %arg4[%add3A_11, %dma_start3A_16] : memref<131072x64xf32, #tpu.memory_space<hbm>> -> memref<128x64xf32, #tpu.memory_space<hbm>>
        %dma_start3A_18 = arith.constant 0 : i32
        %dma_start3A_19 = tpu.memref_slice %arg4[%add3A_11, %dma_start3A_18] : memref<131072x64xf32, #tpu.memory_space<hbm>> -> memref<128x64xf32, #tpu.memory_space<hbm>>
        tpu.enqueue_dma source(%arg6 : memref<128x64xf32, #tpu.memory_space<vmem>>) target(%dma_start3A_19 : memref<128x64xf32, #tpu.memory_space<hbm>>) target_semaphore(%run_scoped3A : memref<!tpu.dma_semaphore, #tpu.memory_space<semaphore_mem>>)
        %dma_wait3A_20 = arith.constant 0 : i32
        %dma_wait3A_21 = tpu.memref_slice %arg4[%add3A_11, %dma_wait3A_20] : memref<131072x64xf32, #tpu.memory_space<hbm>> -> memref<128x64xf32, #tpu.memory_space<hbm>>
        %dma_wait3A_22 = arith.constant 0 : i32
        %dma_wait3A_23 = tpu.memref_slice %arg4[%add3A_11, %dma_wait3A_22] : memref<131072x64xf32, #tpu.memory_space<hbm>> -> memref<128x64xf32, #tpu.memory_space<hbm>>
        tpu.wait_dma2 semaphore(%run_scoped3A : memref<!tpu.dma_semaphore, #tpu.memory_space<semaphore_mem>>) src(%arg6 : memref<128x64xf32, #tpu.memory_space<vmem>>) dst(%dma_wait3A_23 : memref<128x64xf32, #tpu.memory_space<hbm>>)
        tpu.yield
      }) : () -> ()
    }
    %scan3A_7 = arith.constant 32 : i32
    return
  }
}

#map = affine_map<(d0, d1) -> (0, 0)>
#map1 = affine_map<(d0, d1) -> (0)>
module attributes {stable_mosaic.version = 14 : i64} {
  func.func @gather(%arg0: i32, %arg1: i32, %arg2: memref<16384x64xf32, #tpu.memory_space<hbm>>, %arg3: memref<131072xi32, #tpu.memory_space<hbm>>, %arg4: memref<131072x64xf32, #tpu.memory_space<hbm>>, %arg5: memref<128xi32, #tpu.memory_space<vmem>>, %arg6: memref<128x64xf32, #tpu.memory_space<vmem>>, %arg7: memref<!tpu.dma_semaphore, #tpu.memory_space<semaphore_mem>>) attributes {dimension_semantics = [#tpu.dimension_semantics<core_parallel>, #tpu.dimension_semantics<subcore_parallel>], iteration_bounds = array<i64: 2, 16>, scalar_prefetch = 0 : i64, scratch_operands = 3 : i64, tpu.core_type = #tpu.core_type<sc_vector_subcore>, window_params = [{transform_indices = #map}, {transform_indices = #map1}, {transform_indices = #map}]} {
    %mul3A = arith.constant 2 : i32
    %mul3A_0 = arith.muli %arg1, %mul3A : i32
    %add3A = arith.addi %mul3A_0, %arg0 : i32
    %mul3A_1 = arith.constant 4096 : i32
    %mul3A_2 = arith.muli %add3A, %mul3A_1 : i32
    %scan3A = arith.constant 0 : i32
    %scan3A_3 = arith.constant 0 : i32
    %scan3A_4 = arith.constant 32 : i32
    %scan3A_5 = arith.addi %scan3A_3, %scan3A_4 : i32
    %scan3A_6 = arith.constant 1 : i32
    scf.for %scan3A_8 = %scan3A_3 to %scan3A_5 step %scan3A_6  : i32 {
      %mul3A_9 = arith.constant 128 : i32
      %mul3A_10 = arith.muli %scan3A_8, %mul3A_9 : i32
      %add3A_11 = arith.addi %mul3A_2, %mul3A_10 : i32
      "tpu.region"() ({
        %run_scoped3A = tpu.sem_alloc : memref<!tpu.dma_semaphore, #tpu.memory_space<semaphore_mem>>
        %dma_start3A_16 = tpu.memref_slice %arg3[%add3A_11] : memref<131072xi32, #tpu.memory_space<hbm>> -> memref<128xi32, #tpu.memory_space<hbm>>
        %dma_start3A_17 = tpu.memref_slice %arg3[%add3A_11] : memref<131072xi32, #tpu.memory_space<hbm>> -> memref<128xi32, #tpu.memory_space<hbm>>
        tpu.enqueue_dma source(%dma_start3A_17 : memref<128xi32, #tpu.memory_space<hbm>>) target(%arg5 : memref<128xi32, #tpu.memory_space<vmem>>) target_semaphore(%run_scoped3A : memref<!tpu.dma_semaphore, #tpu.memory_space<semaphore_mem>>)
        %dma_wait3A_18 = tpu.memref_slice %arg3[%add3A_11] : memref<131072xi32, #tpu.memory_space<hbm>> -> memref<128xi32, #tpu.memory_space<hbm>>
        %dma_wait3A_19 = tpu.memref_slice %arg3[%add3A_11] : memref<131072xi32, #tpu.memory_space<hbm>> -> memref<128xi32, #tpu.memory_space<hbm>>
        tpu.wait_dma2 semaphore(%run_scoped3A : memref<!tpu.dma_semaphore, #tpu.memory_space<semaphore_mem>>) src(%dma_wait3A_19 : memref<128xi32, #tpu.memory_space<hbm>>) dst(%arg5 : memref<128xi32, #tpu.memory_space<vmem>>)
        tpu.yield
      }) : () -> ()
      %dma_start3A = arith.constant 0 : i32
      %dma_start3A_12 = arith.constant 0 : i32
      %dma_start3A_13 = tpu.memref_slice %arg2[%dma_start3A, %dma_start3A_12] : memref<16384x64xf32, #tpu.memory_space<hbm>> -> memref<16384x64xf32, #tpu.memory_space<hbm>>
      tpu.enqueue_indirect_dma source(%dma_start3A_13 : memref<16384x64xf32, #tpu.memory_space<hbm>>) target(%arg6 : memref<128x64xf32, #tpu.memory_space<vmem>>) offsets(%arg5 : memref<128xi32, #tpu.memory_space<vmem>>) semaphore(%arg7 : memref<!tpu.dma_semaphore, #tpu.memory_space<semaphore_mem>>)
      %dma_wait3A = arith.constant 0 : i32
      %dma_wait3A_14 = arith.constant 0 : i32
      %dma_wait3A_15 = tpu.memref_slice %arg2[%dma_wait3A, %dma_wait3A_14] : memref<16384x64xf32, #tpu.memory_space<hbm>> -> memref<16384x64xf32, #tpu.memory_space<hbm>>
      tpu.wait_indirect_dma semaphore(%arg7 : memref<!tpu.dma_semaphore, #tpu.memory_space<semaphore_mem>>) src(%dma_wait3A_15 : memref<16384x64xf32, #tpu.memory_space<hbm>>) dst(%arg6 : memref<128x64xf32, #tpu.memory_space<vmem>>)
      "tpu.region"() ({
        %run_scoped3A = tpu.sem_alloc : memref<!tpu.dma_semaphore, #tpu.memory_space<semaphore_mem>>
        %dma_start3A_16 = arith.constant 0 : i32
        %dma_start3A_17 = tpu.memref_slice %arg4[%add3A_11, %dma_start3A_16] : memref<131072x64xf32, #tpu.memory_space<hbm>> -> memref<128x64xf32, #tpu.memory_space<hbm>>
        %dma_start3A_18 = arith.constant 0 : i32
        %dma_start3A_19 = tpu.memref_slice %arg4[%add3A_11, %dma_start3A_18] : memref<131072x64xf32, #tpu.memory_space<hbm>> -> memref<128x64xf32, #tpu.memory_space<hbm>>
        tpu.enqueue_dma source(%arg6 : memref<128x64xf32, #tpu.memory_space<vmem>>) target(%dma_start3A_19 : memref<128x64xf32, #tpu.memory_space<hbm>>) target_semaphore(%run_scoped3A : memref<!tpu.dma_semaphore, #tpu.memory_space<semaphore_mem>>)
        %dma_wait3A_20 = arith.constant 0 : i32
        %dma_wait3A_21 = tpu.memref_slice %arg4[%add3A_11, %dma_wait3A_20] : memref<131072x64xf32, #tpu.memory_space<hbm>> -> memref<128x64xf32, #tpu.memory_space<hbm>>
        %dma_wait3A_22 = arith.constant 0 : i32
        %dma_wait3A_23 = tpu.memref_slice %arg4[%add3A_11, %dma_wait3A_22] : memref<131072x64xf32, #tpu.memory_space<hbm>> -> memref<128x64xf32, #tpu.memory_space<hbm>>
        tpu.wait_dma2 semaphore(%run_scoped3A : memref<!tpu.dma_semaphore, #tpu.memory_space<semaphore_mem>>) src(%arg6 : memref<128x64xf32, #tpu.memory_space<vmem>>) dst(%dma_wait3A_23 : memref<128x64xf32, #tpu.memory_space<hbm>>)
        tpu.yield
      }) : () -> ()
    }
    %scan3A_7 = arith.constant 32 : i32
    return
  }
}

#map = affine_map<(d0, d1) -> (0, 0)>
#map1 = affine_map<(d0, d1) -> (0)>
module attributes {stable_mosaic.version = 14 : i64} {
  func.func @gather(%arg0: i32, %arg1: i32, %arg2: memref<16384x64xf32, #tpu.memory_space<hbm>>, %arg3: memref<131072xi32, #tpu.memory_space<hbm>>, %arg4: memref<131072x64xf32, #tpu.memory_space<hbm>>, %arg5: memref<128xi32, #tpu.memory_space<vmem>>, %arg6: memref<128x64xf32, #tpu.memory_space<vmem>>, %arg7: memref<!tpu.dma_semaphore, #tpu.memory_space<semaphore_mem>>) attributes {dimension_semantics = [#tpu.dimension_semantics<core_parallel>, #tpu.dimension_semantics<subcore_parallel>], iteration_bounds = array<i64: 2, 16>, scalar_prefetch = 0 : i64, scratch_operands = 3 : i64, tpu.core_type = #tpu.core_type<sc_vector_subcore>, window_params = [{transform_indices = #map}, {transform_indices = #map1}, {transform_indices = #map}]} {
    %mul3A = arith.constant 2 : i32
    %mul3A_0 = arith.muli %arg1, %mul3A : i32
    %add3A = arith.addi %mul3A_0, %arg0 : i32
    %mul3A_1 = arith.constant 4096 : i32
    %mul3A_2 = arith.muli %add3A, %mul3A_1 : i32
    %scan3A = arith.constant 0 : i32
    %scan3A_3 = arith.constant 0 : i32
    %scan3A_4 = arith.constant 32 : i32
    %scan3A_5 = arith.addi %scan3A_3, %scan3A_4 : i32
    %scan3A_6 = arith.constant 1 : i32
    scf.for %scan3A_8 = %scan3A_3 to %scan3A_5 step %scan3A_6  : i32 {
      %mul3A_9 = arith.constant 128 : i32
      %mul3A_10 = arith.muli %scan3A_8, %mul3A_9 : i32
      %add3A_11 = arith.addi %mul3A_2, %mul3A_10 : i32
      "tpu.region"() ({
        %run_scoped3A = tpu.sem_alloc : memref<!tpu.dma_semaphore, #tpu.memory_space<semaphore_mem>>
        %dma_start3A_16 = tpu.memref_slice %arg3[%add3A_11] : memref<131072xi32, #tpu.memory_space<hbm>> -> memref<128xi32, #tpu.memory_space<hbm>>
        %dma_start3A_17 = tpu.memref_slice %arg3[%add3A_11] : memref<131072xi32, #tpu.memory_space<hbm>> -> memref<128xi32, #tpu.memory_space<hbm>>
        tpu.enqueue_dma source(%dma_start3A_17 : memref<128xi32, #tpu.memory_space<hbm>>) target(%arg5 : memref<128xi32, #tpu.memory_space<vmem>>) target_semaphore(%run_scoped3A : memref<!tpu.dma_semaphore, #tpu.memory_space<semaphore_mem>>)
        %dma_wait3A_18 = tpu.memref_slice %arg3[%add3A_11] : memref<131072xi32, #tpu.memory_space<hbm>> -> memref<128xi32, #tpu.memory_space<hbm>>
        %dma_wait3A_19 = tpu.memref_slice %arg3[%add3A_11] : memref<131072xi32, #tpu.memory_space<hbm>> -> memref<128xi32, #tpu.memory_space<hbm>>
        tpu.wait_dma2 semaphore(%run_scoped3A : memref<!tpu.dma_semaphore, #tpu.memory_space<semaphore_mem>>) src(%dma_wait3A_19 : memref<128xi32, #tpu.memory_space<hbm>>) dst(%arg5 : memref<128xi32, #tpu.memory_space<vmem>>)
        tpu.yield
      }) : () -> ()
      %dma_start3A = arith.constant 0 : i32
      %dma_start3A_12 = arith.constant 0 : i32
      %dma_start3A_13 = tpu.memref_slice %arg2[%dma_start3A, %dma_start3A_12] : memref<16384x64xf32, #tpu.memory_space<hbm>> -> memref<16384x64xf32, #tpu.memory_space<hbm>>
      tpu.enqueue_indirect_dma source(%dma_start3A_13 : memref<16384x64xf32, #tpu.memory_space<hbm>>) target(%arg6 : memref<128x64xf32, #tpu.memory_space<vmem>>) offsets(%arg5 : memref<128xi32, #tpu.memory_space<vmem>>) semaphore(%arg7 : memref<!tpu.dma_semaphore, #tpu.memory_space<semaphore_mem>>)
      %dma_wait3A = arith.constant 0 : i32
      %dma_wait3A_14 = arith.constant 0 : i32
      %dma_wait3A_15 = tpu.memref_slice %arg2[%dma_wait3A, %dma_wait3A_14] : memref<16384x64xf32, #tpu.memory_space<hbm>> -> memref<16384x64xf32, #tpu.memory_space<hbm>>
      tpu.wait_indirect_dma semaphore(%arg7 : memref<!tpu.dma_semaphore, #tpu.memory_space<semaphore_mem>>) src(%dma_wait3A_15 : memref<16384x64xf32, #tpu.memory_space<hbm>>) dst(%arg6 : memref<128x64xf32, #tpu.memory_space<vmem>>)
      "tpu.region"() ({
        %run_scoped3A = tpu.sem_alloc : memref<!tpu.dma_semaphore, #tpu.memory_space<semaphore_mem>>
        %dma_start3A_16 = arith.constant 0 : i32
        %dma_start3A_17 = tpu.memref_slice %arg4[%add3A_11, %dma_start3A_16] : memref<131072x64xf32, #tpu.memory_space<hbm>> -> memref<128x64xf32, #tpu.memory_space<hbm>>
        %dma_start3A_18 = arith.constant 0 : i32
        %dma_start3A_19 = tpu.memref_slice %arg4[%add3A_11, %dma_start3A_18] : memref<131072x64xf32, #tpu.memory_space<hbm>> -> memref<128x64xf32, #tpu.memory_space<hbm>>
        tpu.enqueue_dma source(%arg6 : memref<128x64xf32, #tpu.memory_space<vmem>>) target(%dma_start3A_19 : memref<128x64xf32, #tpu.memory_space<hbm>>) target_semaphore(%run_scoped3A : memref<!tpu.dma_semaphore, #tpu.memory_space<semaphore_mem>>)
        %dma_wait3A_20 = arith.constant 0 : i32
        %dma_wait3A_21 = tpu.memref_slice %arg4[%add3A_11, %dma_wait3A_20] : memref<131072x64xf32, #tpu.memory_space<hbm>> -> memref<128x64xf32, #tpu.memory_space<hbm>>
        %dma_wait3A_22 = arith.constant 0 : i32
        %dma_wait3A_23 = tpu.memref_slice %arg4[%add3A_11, %dma_wait3A_22] : memref<131072x64xf32, #tpu.memory_space<hbm>> -> memref<128x64xf32, #tpu.memory_space<hbm>>
        tpu.wait_dma2 semaphore(%run_scoped3A : memref<!tpu.dma_semaphore, #tpu.memory_space<semaphore_mem>>) src(%arg6 : memref<128x64xf32, #tpu.memory_space<vmem>>) dst(%dma_wait3A_23 : memref<128x64xf32, #tpu.memory_space<hbm>>)
        tpu.yield
      }) : () -> ()
    }
    %scan3A_7 = arith.constant 32 : i32
    return
  }
}

module attributes {stable_mosaic.version = 14 : i64} {
  func.func @_tables_body(%arg0: i32, %arg1: i32, %arg2: memref<1x3x2048xf32, #tpu.memory_space<vmem>>, %arg3: memref<1x64x2048xf32, #tpu.memory_space<vmem>>, %arg4: memref<64x67xf32, #tpu.memory_space<vmem>>, %arg5: memref<64x67xf32, #tpu.memory_space<vmem>>, %arg6: memref<64x67xf32, #tpu.memory_space<vmem>>, %arg7: memref<1x2048x64xf32, #tpu.memory_space<vmem>>, %arg8: memref<1x2048x64xf32, #tpu.memory_space<vmem>>, %arg9: memref<1x2048x64xf32, #tpu.memory_space<vmem>>) attributes {dimension_semantics = [#tpu.dimension_semantics<arbitrary>, #tpu.dimension_semantics<arbitrary>], iteration_bounds = array<i64: 2, 4>, scalar_prefetch = 0 : i64, scratch_operands = 0 : i64, tpu.core_type = #tpu.core_type<tc>, window_params = [{transform_indices = @transform_0, window_bounds = array<i64: 1, 3, 2048>}, {transform_indices = @transform_1, window_bounds = array<i64: 1, 64, 2048>}, {pipeline_mode = #tpu.pipeline_mode<synchronous>, transform_indices = @transform_2, window_bounds = array<i64: 64, 67>}, {pipeline_mode = #tpu.pipeline_mode<synchronous>, transform_indices = @transform_3, window_bounds = array<i64: 64, 67>}, {pipeline_mode = #tpu.pipeline_mode<synchronous>, transform_indices = @transform_4, window_bounds = array<i64: 64, 67>}, {transform_indices = @transform_5, window_bounds = array<i64: 1, 2048, 64>}, {transform_indices = @transform_6, window_bounds = array<i64: 1, 2048, 64>}, {transform_indices = @transform_7, window_bounds = array<i64: 1, 2048, 64>}]} {
    %get3A = arith.constant 0 : index
    %get3A_0 = arith.constant 0 : index
    %get3A_1 = arith.constant 0 : index
    %get3A_2 = vector.load %arg2[%get3A, %get3A_0, %get3A_1] : memref<1x3x2048xf32, #tpu.memory_space<vmem>>, vector<1x3x2048xf32>
    %get3A_3 = vector.shape_cast %get3A_2 : vector<1x3x2048xf32> to vector<3x2048xf32>
    %get3A_4 = arith.constant 0 : index
    %get3A_5 = arith.constant 0 : index
    %get3A_6 = arith.constant 0 : index
    %get3A_7 = vector.load %arg3[%get3A_4, %get3A_5, %get3A_6] : memref<1x64x2048xf32, #tpu.memory_space<vmem>>, vector<1x64x2048xf32>
    %get3A_8 = vector.shape_cast %get3A_7 : vector<1x64x2048xf32> to vector<64x2048xf32>
    %get3A_9 = arith.constant 0 : index
    %get3A_10 = arith.constant 0 : index
    %get3A_11 = vector.load %arg4[%get3A_9, %get3A_10] : memref<64x67xf32, #tpu.memory_space<vmem>>, vector<64x67xf32>
    %slice3A = vector.extract_strided_slice %get3A_11 {offsets = [0, 0], sizes = [64, 3], strides = [1, 1]} : vector<64x67xf32> to vector<64x3xf32>
    %slice3A_12 = vector.extract_strided_slice %get3A_11 {offsets = [0, 3], sizes = [64, 64], strides = [1, 1]} : vector<64x67xf32> to vector<64x64xf32>
    %dot_general3A = arith.constant dense<0.000000e+00> : vector<2048x64xf32>
    %dot_general3A_13 = tpu.matmul %get3A_3, %slice3A, %dot_general3A {dimension_numbers = #tpu.dot_dimension_numbers<[0], [1], [1], [0], [0, 1, 1, 0], [], []>, transpose_lhs_hint = false} : vector<3x2048xf32>, vector<64x3xf32>, vector<2048x64xf32> -> vector<2048x64xf32>
    %dot_general3A_14 = arith.constant dense<0.000000e+00> : vector<2048x64xf32>
    %dot_general3A_15 = tpu.matmul %get3A_8, %slice3A_12, %dot_general3A_14 {dimension_numbers = #tpu.dot_dimension_numbers<[0], [1], [1], [0], [0, 1, 1, 0], [], []>, transpose_lhs_hint = false} : vector<64x2048xf32>, vector<64x64xf32>, vector<2048x64xf32> -> vector<2048x64xf32>
    %add3A = arith.addf %dot_general3A_13, %dot_general3A_15 : vector<2048x64xf32>
    %swap3A = arith.constant 0 : index
    %swap3A_16 = arith.constant 0 : index
    %swap3A_17 = arith.constant 0 : index
    %swap3A_18 = vector.load %arg7[%swap3A, %swap3A_16, %swap3A_17] : memref<1x2048x64xf32, #tpu.memory_space<vmem>>, vector<1x2048x64xf32>
    %swap3A_19 = vector.shape_cast %swap3A_18 : vector<1x2048x64xf32> to vector<2048x64xf32>
    %swap3A_20 = vector.shape_cast %add3A : vector<2048x64xf32> to vector<1x2048x64xf32>
    tpu.vector_store %arg7[%swap3A, %swap3A_16, %swap3A_17], %swap3A_20 {strides = array<i32>} : memref<1x2048x64xf32, #tpu.memory_space<vmem>>, vector<1x2048x64xf32>,
    %get3A_21 = arith.constant 0 : index
    %get3A_22 = arith.constant 0 : index
    %get3A_23 = vector.load %arg5[%get3A_21, %get3A_22] : memref<64x67xf32, #tpu.memory_space<vmem>>, vector<64x67xf32>
    %slice3A_24 = vector.extract_strided_slice %get3A_23 {offsets = [0, 0], sizes = [64, 3], strides = [1, 1]} : vector<64x67xf32> to vector<64x3xf32>
    %slice3A_25 = vector.extract_strided_slice %get3A_23 {offsets = [0, 3], sizes = [64, 64], strides = [1, 1]} : vector<64x67xf32> to vector<64x64xf32>
    %dot_general3A_26 = arith.constant dense<0.000000e+00> : vector<2048x64xf32>
    %dot_general3A_27 = tpu.matmul %get3A_3, %slice3A_24, %dot_general3A_26 {dimension_numbers = #tpu.dot_dimension_numbers<[0], [1], [1], [0], [0, 1, 1, 0], [], []>, transpose_lhs_hint = false} : vector<3x2048xf32>, vector<64x3xf32>, vector<2048x64xf32> -> vector<2048x64xf32>
    %dot_general3A_28 = arith.constant dense<0.000000e+00> : vector<2048x64xf32>
    %dot_general3A_29 = tpu.matmul %get3A_8, %slice3A_25, %dot_general3A_28 {dimension_numbers = #tpu.dot_dimension_numbers<[0], [1], [1], [0], [0, 1, 1, 0], [], []>, transpose_lhs_hint = false} : vector<64x2048xf32>, vector<64x64xf32>, vector<2048x64xf32> -> vector<2048x64xf32>
    %add3A_30 = arith.addf %dot_general3A_27, %dot_general3A_29 : vector<2048x64xf32>
    %swap3A_31 = arith.constant 0 : index
    %swap3A_32 = arith.constant 0 : index
    %swap3A_33 = arith.constant 0 : index
    %swap3A_34 = vector.load %arg8[%swap3A_31, %swap3A_32, %swap3A_33] : memref<1x2048x64xf32, #tpu.memory_space<vmem>>, vector<1x2048x64xf32>
    %swap3A_35 = vector.shape_cast %swap3A_34 : vector<1x2048x64xf32> to vector<2048x64xf32>
    %swap3A_36 = vector.shape_cast %add3A_30 : vector<2048x64xf32> to vector<1x2048x64xf32>
    tpu.vector_store %arg8[%swap3A_31, %swap3A_32, %swap3A_33], %swap3A_36 {strides = array<i32>} : memref<1x2048x64xf32, #tpu.memory_space<vmem>>, vector<1x2048x64xf32>,
    %get3A_37 = arith.constant 0 : index
    %get3A_38 = arith.constant 0 : index
    %get3A_39 = vector.load %arg6[%get3A_37, %get3A_38] : memref<64x67xf32, #tpu.memory_space<vmem>>, vector<64x67xf32>
    %slice3A_40 = vector.extract_strided_slice %get3A_39 {offsets = [0, 0], sizes = [64, 3], strides = [1, 1]} : vector<64x67xf32> to vector<64x3xf32>
    %slice3A_41 = vector.extract_strided_slice %get3A_39 {offsets = [0, 3], sizes = [64, 64], strides = [1, 1]} : vector<64x67xf32> to vector<64x64xf32>
    %dot_general3A_42 = arith.constant dense<0.000000e+00> : vector<2048x64xf32>
    %dot_general3A_43 = tpu.matmul %get3A_3, %slice3A_40, %dot_general3A_42 {dimension_numbers = #tpu.dot_dimension_numbers<[0], [1], [1], [0], [0, 1, 1, 0], [], []>, transpose_lhs_hint = false} : vector<3x2048xf32>, vector<64x3xf32>, vector<2048x64xf32> -> vector<2048x64xf32>
    %dot_general3A_44 = arith.constant dense<0.000000e+00> : vector<2048x64xf32>
    %dot_general3A_45 = tpu.matmul %get3A_8, %slice3A_41, %dot_general3A_44 {dimension_numbers = #tpu.dot_dimension_numbers<[0], [1], [1], [0], [0, 1, 1, 0], [], []>, transpose_lhs_hint = false} : vector<64x2048xf32>, vector<64x64xf32>, vector<2048x64xf32> -> vector<2048x64xf32>
    %add3A_46 = arith.addf %dot_general3A_43, %dot_general3A_45 : vector<2048x64xf32>
    %swap3A_47 = arith.constant 0 : index
    %swap3A_48 = arith.constant 0 : index
    %swap3A_49 = arith.constant 0 : index
    %swap3A_50 = vector.load %arg9[%swap3A_47, %swap3A_48, %swap3A_49] : memref<1x2048x64xf32, #tpu.memory_space<vmem>>, vector<1x2048x64xf32>
    %swap3A_51 = vector.shape_cast %swap3A_50 : vector<1x2048x64xf32> to vector<2048x64xf32>
    %swap3A_52 = vector.shape_cast %add3A_46 : vector<2048x64xf32> to vector<1x2048x64xf32>
    tpu.vector_store %arg9[%swap3A_47, %swap3A_48, %swap3A_49], %swap3A_52 {strides = array<i32>} : memref<1x2048x64xf32, #tpu.memory_space<vmem>>, vector<1x2048x64xf32>,
    return
  }
  func.func @transform_0(%arg0: i32, %arg1: i32) -> (i32, i32, i32) {
    %c0_i32 = arith.constant 0 : i32
    %c0_i32_0 = arith.constant 0 : i32
    return %arg0, %c0_i32, %arg1 : i32, i32, i32
  }
  func.func @transform_1(%arg0: i32, %arg1: i32) -> (i32, i32, i32) {
    %c0_i32 = arith.constant 0 : i32
    %c0_i32_0 = arith.constant 0 : i32
    return %arg0, %c0_i32, %arg1 : i32, i32, i32
  }
  func.func @transform_2(%arg0: i32, %arg1: i32) -> (i32, i32) {
    %c0_i32 = arith.constant 0 : i32
    %c0_i32_0 = arith.constant 0 : i32
    %c0_i32_1 = arith.constant 0 : i32
    return %c0_i32, %c0_i32_0 : i32, i32
  }
  func.func @transform_3(%arg0: i32, %arg1: i32) -> (i32, i32) {
    %c0_i32 = arith.constant 0 : i32
    %c0_i32_0 = arith.constant 0 : i32
    %c0_i32_1 = arith.constant 0 : i32
    return %c0_i32, %c0_i32_0 : i32, i32
  }
  func.func @transform_4(%arg0: i32, %arg1: i32) -> (i32, i32) {
    %c0_i32 = arith.constant 0 : i32
    %c0_i32_0 = arith.constant 0 : i32
    %c0_i32_1 = arith.constant 0 : i32
    return %c0_i32, %c0_i32_0 : i32, i32
  }
  func.func @transform_5(%arg0: i32, %arg1: i32) -> (i32, i32, i32) {
    %c0_i32 = arith.constant 0 : i32
    %c0_i32_0 = arith.constant 0 : i32
    return %arg0, %arg1, %c0_i32 : i32, i32, i32
  }
  func.func @transform_6(%arg0: i32, %arg1: i32) -> (i32, i32, i32) {
    %c0_i32 = arith.constant 0 : i32
    %c0_i32_0 = arith.constant 0 : i32
    return %arg0, %arg1, %c0_i32 : i32, i32, i32
  }
  func.func @transform_7(%arg0: i32, %arg1: i32) -> (i32, i32, i32) {
    %c0_i32 = arith.constant 0 : i32
    %c0_i32_0 = arith.constant 0 : i32
    return %arg0, %arg1, %c0_i32 : i32, i32, i32
  }
}

module attributes {stable_mosaic.version = 14 : i64} {
  func.func @_ballq_body(%arg0: i32, %arg1: i32, %arg2: i32, %arg3: memref<1x256x3xf32, #tpu.memory_space<vmem>>, %arg4: memref<1x3x2048xf32, #tpu.memory_space<vmem>>, %arg5: memref<1x256x32xi32, #tpu.memory_space<vmem>>, %arg6: memref<1x256x32xi32, #tpu.memory_space<vmem>>, %arg7: memref<1x256x32xi32, #tpu.memory_space<vmem>>, %arg8: memref<256x8xi32, #tpu.memory_space<vmem>>, %arg9: memref<256x32xi32, #tpu.memory_space<vmem>>, %arg10: memref<256x32xi32, #tpu.memory_space<vmem>>, %arg11: memref<256x32xi32, #tpu.memory_space<vmem>>) attributes {dimension_semantics = [#tpu.dimension_semantics<arbitrary>, #tpu.dimension_semantics<arbitrary>, #tpu.dimension_semantics<arbitrary>], iteration_bounds = array<i64: 2, 8, 4>, scalar_prefetch = 0 : i64, scratch_operands = 4 : i64, tpu.core_type = #tpu.core_type<tc>, window_params = [{transform_indices = @transform_0, window_bounds = array<i64: 1, 256, 3>}, {transform_indices = @transform_1, window_bounds = array<i64: 1, 3, 2048>}, {transform_indices = @transform_2, window_bounds = array<i64: 1, 256, 32>}, {transform_indices = @transform_3, window_bounds = array<i64: 1, 256, 32>}, {transform_indices = @transform_4, window_bounds = array<i64: 1, 256, 32>}]} {
    %eq3A = arith.constant 0 : i32
    %eq3A_0 = arith.cmpi eq, %arg2, %eq3A : i32
    %convert_element_type3A = arith.extui %eq3A_0 : i1 to i32
    %cond3A = arith.constant 0 : i32
    %cond3A_1 = arith.cmpi ne, %convert_element_type3A, %cond3A : i32
    scf.if %cond3A_1 {
      %broadcast_in_dim3A_1608 = arith.constant 0 : i32
      %broadcast_in_dim3A_1609 = vector.broadcast %broadcast_in_dim3A_1608 : i32 to vector<256x8xi32>
      %swap3A_1610 = arith.constant 0 : index
      %swap3A_1611 = arith.constant 0 : index
      %swap3A_1612 = vector.load %arg8[%swap3A_1610, %swap3A_1611] : memref<256x8xi32, #tpu.memory_space<vmem>>, vector<256x8xi32>
      tpu.vector_store %arg8[%swap3A_1610, %swap3A_1611], %broadcast_in_dim3A_1609 {strides = array<i32>} : memref<256x8xi32, #tpu.memory_space<vmem>>, vector<256x8xi32>,
      %broadcast_in_dim3A_1613 = arith.constant 0 : i32
      %broadcast_in_dim3A_1614 = vector.broadcast %broadcast_in_dim3A_1613 : i32 to vector<256x32xi32>
      %swap3A_1615 = arith.constant 0 : index
      %swap3A_1616 = arith.constant 0 : index
      %swap3A_1617 = vector.load %arg9[%swap3A_1615, %swap3A_1616] : memref<256x32xi32, #tpu.memory_space<vmem>>, vector<256x32xi32>
      tpu.vector_store %arg9[%swap3A_1615, %swap3A_1616], %broadcast_in_dim3A_1614 {strides = array<i32>} : memref<256x32xi32, #tpu.memory_space<vmem>>, vector<256x32xi32>,
      %broadcast_in_dim3A_1618 = arith.constant 0 : i32
      %broadcast_in_dim3A_1619 = vector.broadcast %broadcast_in_dim3A_1618 : i32 to vector<256x32xi32>
      %swap3A_1620 = arith.constant 0 : index
      %swap3A_1621 = arith.constant 0 : index
      %swap3A_1622 = vector.load %arg10[%swap3A_1620, %swap3A_1621] : memref<256x32xi32, #tpu.memory_space<vmem>>, vector<256x32xi32>
      tpu.vector_store %arg10[%swap3A_1620, %swap3A_1621], %broadcast_in_dim3A_1619 {strides = array<i32>} : memref<256x32xi32, #tpu.memory_space<vmem>>, vector<256x32xi32>,
      %broadcast_in_dim3A_1623 = arith.constant 0 : i32
      %broadcast_in_dim3A_1624 = vector.broadcast %broadcast_in_dim3A_1623 : i32 to vector<256x32xi32>
      %swap3A_1625 = arith.constant 0 : index
      %swap3A_1626 = arith.constant 0 : index
      %swap3A_1627 = vector.load %arg11[%swap3A_1625, %swap3A_1626] : memref<256x32xi32, #tpu.memory_space<vmem>>, vector<256x32xi32>
      tpu.vector_store %arg11[%swap3A_1625, %swap3A_1626], %broadcast_in_dim3A_1624 {strides = array<i32>} : memref<256x32xi32, #tpu.memory_space<vmem>>, vector<256x32xi32>,
    } else {
    }
    %get3A = arith.constant 0 : index
    %get3A_2 = arith.constant 0 : index
    %get3A_3 = arith.constant 0 : index
    %get3A_4 = vector.load %arg3[%get3A, %get3A_2, %get3A_3] : memref<1x256x3xf32, #tpu.memory_space<vmem>>, vector<1x256x3xf32>
    %get3A_5 = vector.shape_cast %get3A_4 : vector<1x256x3xf32> to vector<256x3xf32>
    %slice3A = vector.extract_strided_slice %get3A_5 {offsets = [0, 0], sizes = [256, 1], strides = [1, 1]} : vector<256x3xf32> to vector<256x1xf32>
    %slice3A_6 = vector.extract_strided_slice %get3A_5 {offsets = [0, 1], sizes = [256, 1], strides = [1, 1]} : vector<256x3xf32> to vector<256x1xf32>
    %slice3A_7 = vector.extract_strided_slice %get3A_5 {offsets = [0, 2], sizes = [256, 1], strides = [1, 1]} : vector<256x3xf32> to vector<256x1xf32>
    %mul3A = arith.mulf %slice3A, %slice3A : vector<256x1xf32>
    %mul3A_8 = arith.mulf %slice3A_6, %slice3A_6 : vector<256x1xf32>
    %add3A = arith.addf %mul3A, %mul3A_8 : vector<256x1xf32>
    %mul3A_9 = arith.mulf %slice3A_7, %slice3A_7 : vector<256x1xf32>
    %add3A_10 = arith.addf %add3A, %mul3A_9 : vector<256x1xf32>
    %get3A_11 = arith.constant 0 : index
    %get3A_12 = arith.constant 0 : index
    %get3A_13 = arith.constant 0 : index
    %get3A_14 = vector.load %arg4[%get3A_11, %get3A_12, %get3A_13] : memref<1x3x2048xf32, #tpu.memory_space<vmem>>, vector<1x1x2048xf32>
    %get3A_15 = vector.shape_cast %get3A_14 : vector<1x1x2048xf32> to vector<1x2048xf32>
    %get3A_16 = arith.constant 0 : index
    %get3A_17 = arith.constant 1 : index
    %get3A_18 = arith.constant 0 : index
    %get3A_19 = vector.load %arg4[%get3A_16, %get3A_17, %get3A_18] : memref<1x3x2048xf32, #tpu.memory_space<vmem>>, vector<1x1x2048xf32>
    %get3A_20 = vector.shape_cast %get3A_19 : vector<1x1x2048xf32> to vector<1x2048xf32>
    %get3A_21 = arith.constant 0 : index
    %get3A_22 = arith.constant 2 : index
    %get3A_23 = arith.constant 0 : index
    %get3A_24 = vector.load %arg4[%get3A_21, %get3A_22, %get3A_23] : memref<1x3x2048xf32, #tpu.memory_space<vmem>>, vector<1x1x2048xf32>
    %get3A_25 = vector.shape_cast %get3A_24 : vector<1x1x2048xf32> to vector<1x2048xf32>
    %mul3A_26 = arith.mulf %get3A_15, %get3A_15 : vector<1x2048xf32>
    %mul3A_27 = arith.mulf %get3A_20, %get3A_20 : vector<1x2048xf32>
    %add3A_28 = arith.addf %mul3A_26, %mul3A_27 : vector<1x2048xf32>
    %mul3A_29 = arith.mulf %get3A_25, %get3A_25 : vector<1x2048xf32>
    %add3A_30 = arith.addf %add3A_28, %mul3A_29 : vector<1x2048xf32>
    %convert_element_type3A_31 = arith.truncf %slice3A : vector<256x1xf32> to vector<256x1xbf16>
    %convert_element_type3A_32 = arith.extf %convert_element_type3A_31 : vector<256x1xbf16> to vector<256x1xf32>
    %convert_element_type3A_33 = arith.truncf %get3A_15 : vector<1x2048xf32> to vector<1x2048xbf16>
    %convert_element_type3A_34 = arith.extf %convert_element_type3A_33 : vector<1x2048xbf16> to vector<1x2048xf32>
    %mul3A_35 = vector.broadcast %convert_element_type3A_32 : vector<256x1xf32> to vector<256x2048xf32>
    %mul3A_36 = vector.broadcast %convert_element_type3A_34 : vector<1x2048xf32> to vector<256x2048xf32>
    %mul3A_37 = arith.mulf %mul3A_35, %mul3A_36 : vector<256x2048xf32>
    %convert_element_type3A_38 = arith.truncf %slice3A_6 : vector<256x1xf32> to vector<256x1xbf16>
    %convert_element_type3A_39 = arith.extf %convert_element_type3A_38 : vector<256x1xbf16> to vector<256x1xf32>
    %convert_element_type3A_40 = arith.truncf %get3A_20 : vector<1x2048xf32> to vector<1x2048xbf16>
    %convert_element_type3A_41 = arith.extf %convert_element_type3A_40 : vector<1x2048xbf16> to vector<1x2048xf32>
    %mul3A_42 = vector.broadcast %convert_element_type3A_39 : vector<256x1xf32> to vector<256x2048xf32>
    %mul3A_43 = vector.broadcast %convert_element_type3A_41 : vector<1x2048xf32> to vector<256x2048xf32>
    %mul3A_44 = arith.mulf %mul3A_42, %mul3A_43 : vector<256x2048xf32>
    %add3A_45 = arith.addf %mul3A_37, %mul3A_44 : vector<256x2048xf32>
    %convert_element_type3A_46 = arith.truncf %slice3A_7 : vector<256x1xf32> to vector<256x1xbf16>
    %convert_element_type3A_47 = arith.extf %convert_element_type3A_46 : vector<256x1xbf16> to vector<256x1xf32>
    %convert_element_type3A_48 = arith.truncf %get3A_25 : vector<1x2048xf32> to vector<1x2048xbf16>
    %convert_element_type3A_49 = arith.extf %convert_element_type3A_48 : vector<1x2048xbf16> to vector<1x2048xf32>
    %mul3A_50 = vector.broadcast %convert_element_type3A_47 : vector<256x1xf32> to vector<256x2048xf32>
    %mul3A_51 = vector.broadcast %convert_element_type3A_49 : vector<1x2048xf32> to vector<256x2048xf32>
    %mul3A_52 = arith.mulf %mul3A_50, %mul3A_51 : vector<256x2048xf32>
    %add3A_53 = arith.addf %add3A_45, %mul3A_52 : vector<256x2048xf32>
    %add3A_54 = vector.broadcast %add3A_10 : vector<256x1xf32> to vector<256x2048xf32>
    %add3A_55 = vector.broadcast %add3A_30 : vector<1x2048xf32> to vector<256x2048xf32>
    %add3A_56 = arith.addf %add3A_54, %add3A_55 : vector<256x2048xf32>
    %mul3A_57 = arith.constant 2.000000e+00 : f32
    %mul3A_58 = vector.broadcast %mul3A_57 : f32 to vector<256x2048xf32>
    %mul3A_59 = arith.mulf %mul3A_58, %add3A_53 : vector<256x2048xf32>
    %sub3A = arith.subf %add3A_56, %mul3A_59 : vector<256x2048xf32>
    %le3A = arith.constant 2.500000e-03 : f32
    %le3A_60 = vector.broadcast %le3A : f32 to vector<256x2048xf32>
    %le3A_61 = arith.cmpf ole, %sub3A, %le3A_60 : vector<256x2048xf32>
    %convert_element_type3A_62 = arith.extui %le3A_61 : vector<256x2048xi1> to vector<256x2048xi32>
    %broadcast_in_dim3A = arith.constant 0 : i32
    %broadcast_in_dim3A_63 = vector.broadcast %broadcast_in_dim3A : i32 to vector<256x1xi32>
    %slice3A_64 = vector.extract_strided_slice %convert_element_type3A_62 {offsets = [0, 0], sizes = [256, 2047], strides = [1, 1]} : vector<256x2048xi32> to vector<256x2047xi32>
    %concatenate3A = tpu.concatenate %broadcast_in_dim3A_63, %slice3A_64 in 1 : vector<256x1xi32>, vector<256x2047xi32> -> vector<256x2048xi32>
    %add3A_65 = arith.addi %convert_element_type3A_62, %concatenate3A : vector<256x2048xi32>
    %broadcast_in_dim3A_66 = arith.constant 0 : i32
    %broadcast_in_dim3A_67 = vector.broadcast %broadcast_in_dim3A_66 : i32 to vector<256x2xi32>
    %slice3A_68 = vector.extract_strided_slice %add3A_65 {offsets = [0, 0], sizes = [256, 2046], strides = [1, 1]} : vector<256x2048xi32> to vector<256x2046xi32>
    %concatenate3A_69 = tpu.concatenate %broadcast_in_dim3A_67, %slice3A_68 in 1 : vector<256x2xi32>, vector<256x2046xi32> -> vector<256x2048xi32>
    %add3A_70 = arith.addi %add3A_65, %concatenate3A_69 : vector<256x2048xi32>
    %broadcast_in_dim3A_71 = arith.constant 0 : i32
    %broadcast_in_dim3A_72 = vector.broadcast %broadcast_in_dim3A_71 : i32 to vector<256x4xi32>
    %slice3A_73 = vector.extract_strided_slice %add3A_70 {offsets = [0, 0], sizes = [256, 2044], strides = [1, 1]} : vector<256x2048xi32> to vector<256x2044xi32>
    %concatenate3A_74 = tpu.concatenate %broadcast_in_dim3A_72, %slice3A_73 in 1 : vector<256x4xi32>, vector<256x2044xi32> -> vector<256x2048xi32>
    %add3A_75 = arith.addi %add3A_70, %concatenate3A_74 : vector<256x2048xi32>
    %broadcast_in_dim3A_76 = arith.constant 0 : i32
    %broadcast_in_dim3A_77 = vector.broadcast %broadcast_in_dim3A_76 : i32 to vector<256x8xi32>
    %slice3A_78 = vector.extract_strided_slice %add3A_75 {offsets = [0, 0], sizes = [256, 2040], strides = [1, 1]} : vector<256x2048xi32> to vector<256x2040xi32>
    %concatenate3A_79 = tpu.concatenate %broadcast_in_dim3A_77, %slice3A_78 in 1 : vector<256x8xi32>, vector<256x2040xi32> -> vector<256x2048xi32>
    %add3A_80 = arith.addi %add3A_75, %concatenate3A_79 : vector<256x2048xi32>
    %broadcast_in_dim3A_81 = arith.constant 0 : i32
    %broadcast_in_dim3A_82 = vector.broadcast %broadcast_in_dim3A_81 : i32 to vector<256x16xi32>
    %slice3A_83 = vector.extract_strided_slice %add3A_80 {offsets = [0, 0], sizes = [256, 2032], strides = [1, 1]} : vector<256x2048xi32> to vector<256x2032xi32>
    %concatenate3A_84 = tpu.concatenate %broadcast_in_dim3A_82, %slice3A_83 in 1 : vector<256x16xi32>, vector<256x2032xi32> -> vector<256x2048xi32>
    %add3A_85 = arith.addi %add3A_80, %concatenate3A_84 : vector<256x2048xi32>
    %broadcast_in_dim3A_86 = arith.constant 0 : i32
    %broadcast_in_dim3A_87 = vector.broadcast %broadcast_in_dim3A_86 : i32 to vector<256x32xi32>
    %slice3A_88 = vector.extract_strided_slice %add3A_85 {offsets = [0, 0], sizes = [256, 2016], strides = [1, 1]} : vector<256x2048xi32> to vector<256x2016xi32>
    %concatenate3A_89 = tpu.concatenate %broadcast_in_dim3A_87, %slice3A_88 in 1 : vector<256x32xi32>, vector<256x2016xi32> -> vector<256x2048xi32>
    %add3A_90 = arith.addi %add3A_85, %concatenate3A_89 : vector<256x2048xi32>
    %broadcast_in_dim3A_91 = arith.constant 0 : i32
    %broadcast_in_dim3A_92 = vector.broadcast %broadcast_in_dim3A_91 : i32 to vector<256x64xi32>
    %slice3A_93 = vector.extract_strided_slice %add3A_90 {offsets = [0, 0], sizes = [256, 1984], strides = [1, 1]} : vector<256x2048xi32> to vector<256x1984xi32>
    %concatenate3A_94 = tpu.concatenate %broadcast_in_dim3A_92, %slice3A_93 in 1 : vector<256x64xi32>, vector<256x1984xi32> -> vector<256x2048xi32>
    %add3A_95 = arith.addi %add3A_90, %concatenate3A_94 : vector<256x2048xi32>
    %broadcast_in_dim3A_96 = arith.constant 0 : i32
    %broadcast_in_dim3A_97 = vector.broadcast %broadcast_in_dim3A_96 : i32 to vector<256x128xi32>
    %slice3A_98 = vector.extract_strided_slice %add3A_95 {offsets = [0, 0], sizes = [256, 1920], strides = [1, 1]} : vector<256x2048xi32> to vector<256x1920xi32>
    %concatenate3A_99 = tpu.concatenate %broadcast_in_dim3A_97, %slice3A_98 in 1 : vector<256x128xi32>, vector<256x1920xi32> -> vector<256x2048xi32>
    %add3A_100 = arith.addi %add3A_95, %concatenate3A_99 : vector<256x2048xi32>
    %broadcast_in_dim3A_101 = arith.constant 0 : i32
    %broadcast_in_dim3A_102 = vector.broadcast %broadcast_in_dim3A_101 : i32 to vector<256x256xi32>
    %slice3A_103 = vector.extract_strided_slice %add3A_100 {offsets = [0, 0], sizes = [256, 1792], strides = [1, 1]} : vector<256x2048xi32> to vector<256x1792xi32>
    %concatenate3A_104 = tpu.concatenate %broadcast_in_dim3A_102, %slice3A_103 in 1 : vector<256x256xi32>, vector<256x1792xi32> -> vector<256x2048xi32>
    %add3A_105 = arith.addi %add3A_100, %concatenate3A_104 : vector<256x2048xi32>
    %broadcast_in_dim3A_106 = arith.constant 0 : i32
    %broadcast_in_dim3A_107 = vector.broadcast %broadcast_in_dim3A_106 : i32 to vector<256x512xi32>
    %slice3A_108 = vector.extract_strided_slice %add3A_105 {offsets = [0, 0], sizes = [256, 1536], strides = [1, 1]} : vector<256x2048xi32> to vector<256x1536xi32>
    %concatenate3A_109 = tpu.concatenate %broadcast_in_dim3A_107, %slice3A_108 in 1 : vector<256x512xi32>, vector<256x1536xi32> -> vector<256x2048xi32>
    %add3A_110 = arith.addi %add3A_105, %concatenate3A_109 : vector<256x2048xi32>
    %broadcast_in_dim3A_111 = arith.constant 0 : i32
    %broadcast_in_dim3A_112 = vector.broadcast %broadcast_in_dim3A_111 : i32 to vector<256x1024xi32>
    %slice3A_113 = vector.extract_strided_slice %add3A_110 {offsets = [0, 0], sizes = [256, 1024], strides = [1, 1]} : vector<256x2048xi32> to vector<256x1024xi32>
    %concatenate3A_114 = tpu.concatenate %broadcast_in_dim3A_112, %slice3A_113 in 1 : vector<256x1024xi32>, vector<256x1024xi32> -> vector<256x2048xi32>
    %add3A_115 = arith.addi %add3A_110, %concatenate3A_114 : vector<256x2048xi32>
    %get3A_116 = arith.constant 0 : index
    %get3A_117 = arith.constant 0 : index
    %get3A_118 = vector.load %arg8[%get3A_116, %get3A_117] : memref<256x8xi32, #tpu.memory_space<vmem>>, vector<256x1xi32>
    %add3A_119 = vector.broadcast %get3A_118 : vector<256x1xi32> to vector<256x2048xi32>
    %add3A_120 = arith.addi %add3A_115, %add3A_119 : vector<256x2048xi32>
    %get3A_121 = arith.constant 0 : index
    %get3A_122 = arith.constant 0 : index
    %get3A_123 = vector.load %arg9[%get3A_121, %get3A_122] : memref<256x32xi32, #tpu.memory_space<vmem>>, vector<256x1xi32>
    %le3A_124 = arith.constant 0 : i32
    %le3A_125 = vector.broadcast %le3A_124 : i32 to vector<256x2048xi32>
    %le3A_126 = arith.cmpi sle, %add3A_120, %le3A_125 : vector<256x2048xi32>
    %convert_element_type3A_127 = arith.extui %le3A_126 : vector<256x2048xi1> to vector<256x2048xi32>
    %reduce_sum3A = arith.constant dense<0> : vector<256xi32>
    %reduce_sum3A_128 = vector.multi_reduction <add>, %convert_element_type3A_127, %reduce_sum3A [1] : vector<256x2048xi32> to vector<256xi32>
    %broadcast_in_dim3A_129 = vector.shape_cast %reduce_sum3A_128 : vector<256xi32> to vector<256x1xi32>
    %add3A_130 = arith.addi %get3A_123, %broadcast_in_dim3A_129 : vector<256x1xi32>
    %swap3A = arith.constant 0 : index
    %swap3A_131 = arith.constant 0 : index
    %swap3A_132 = vector.load %arg9[%swap3A, %swap3A_131] : memref<256x32xi32, #tpu.memory_space<vmem>>, vector<256x1xi32>
    tpu.vector_store %arg9[%swap3A, %swap3A_131], %add3A_130 {strides = array<i32>} : memref<256x32xi32, #tpu.memory_space<vmem>>, vector<256x1xi32>,
    %get3A_133 = arith.constant 0 : index
    %get3A_134 = arith.constant 1 : index
    %get3A_135 = vector.load %arg9[%get3A_133, %get3A_134] : memref<256x32xi32, #tpu.memory_space<vmem>>, vector<256x1xi32>
    %le3A_136 = arith.constant 1 : i32
    %le3A_137 = vector.broadcast %le3A_136 : i32 to vector<256x2048xi32>
    %le3A_138 = arith.cmpi sle, %add3A_120, %le3A_137 : vector<256x2048xi32>
    %convert_element_type3A_139 = arith.extui %le3A_138 : vector<256x2048xi1> to vector<256x2048xi32>
    %reduce_sum3A_140 = arith.constant dense<0> : vector<256xi32>
    %reduce_sum3A_141 = vector.multi_reduction <add>, %convert_element_type3A_139, %reduce_sum3A_140 [1] : vector<256x2048xi32> to vector<256xi32>
    %broadcast_in_dim3A_142 = vector.shape_cast %reduce_sum3A_141 : vector<256xi32> to vector<256x1xi32>
    %add3A_143 = arith.addi %get3A_135, %broadcast_in_dim3A_142 : vector<256x1xi32>
    %swap3A_144 = arith.constant 0 : index
    %swap3A_145 = arith.constant 1 : index
    %swap3A_146 = vector.load %arg9[%swap3A_144, %swap3A_145] : memref<256x32xi32, #tpu.memory_space<vmem>>, vector<256x1xi32>
    tpu.vector_store %arg9[%swap3A_144, %swap3A_145], %add3A_143 {strides = array<i32>} : memref<256x32xi32, #tpu.memory_space<vmem>>, vector<256x1xi32>,
    %get3A_147 = arith.constant 0 : index
    %get3A_148 = arith.constant 2 : index
    %get3A_149 = vector.load %arg9[%get3A_147, %get3A_148] : memref<256x32xi32, #tpu.memory_space<vmem>>, vector<256x1xi32>
    %le3A_150 = arith.constant 2 : i32
    %le3A_151 = vector.broadcast %le3A_150 : i32 to vector<256x2048xi32>
    %le3A_152 = arith.cmpi sle, %add3A_120, %le3A_151 : vector<256x2048xi32>
    %convert_element_type3A_153 = arith.extui %le3A_152 : vector<256x2048xi1> to vector<256x2048xi32>
    %reduce_sum3A_154 = arith.constant dense<0> : vector<256xi32>
    %reduce_sum3A_155 = vector.multi_reduction <add>, %convert_element_type3A_153, %reduce_sum3A_154 [1] : vector<256x2048xi32> to vector<256xi32>
    %broadcast_in_dim3A_156 = vector.shape_cast %reduce_sum3A_155 : vector<256xi32> to vector<256x1xi32>
    %add3A_157 = arith.addi %get3A_149, %broadcast_in_dim3A_156 : vector<256x1xi32>
    %swap3A_158 = arith.constant 0 : index
    %swap3A_159 = arith.constant 2 : index
    %swap3A_160 = vector.load %arg9[%swap3A_158, %swap3A_159] : memref<256x32xi32, #tpu.memory_space<vmem>>, vector<256x1xi32>
    tpu.vector_store %arg9[%swap3A_158, %swap3A_159], %add3A_157 {strides = array<i32>} : memref<256x32xi32, #tpu.memory_space<vmem>>, vector<256x1xi32>,
    %get3A_161 = arith.constant 0 : index
    %get3A_162 = arith.constant 3 : index
    %get3A_163 = vector.load %arg9[%get3A_161, %get3A_162] : memref<256x32xi32, #tpu.memory_space<vmem>>, vector<256x1xi32>
    %le3A_164 = arith.constant 3 : i32
    %le3A_165 = vector.broadcast %le3A_164 : i32 to vector<256x2048xi32>
    %le3A_166 = arith.cmpi sle, %add3A_120, %le3A_165 : vector<256x2048xi32>
    %convert_element_type3A_167 = arith.extui %le3A_166 : vector<256x2048xi1> to vector<256x2048xi32>
    %reduce_sum3A_168 = arith.constant dense<0> : vector<256xi32>
    %reduce_sum3A_169 = vector.multi_reduction <add>, %convert_element_type3A_167, %reduce_sum3A_168 [1] : vector<256x2048xi32> to vector<256xi32>
    %broadcast_in_dim3A_170 = vector.shape_cast %reduce_sum3A_169 : vector<256xi32> to vector<256x1xi32>
    %add3A_171 = arith.addi %get3A_163, %broadcast_in_dim3A_170 : vector<256x1xi32>
    %swap3A_172 = arith.constant 0 : index
    %swap3A_173 = arith.constant 3 : index
    %swap3A_174 = vector.load %arg9[%swap3A_172, %swap3A_173] : memref<256x32xi32, #tpu.memory_space<vmem>>, vector<256x1xi32>
    tpu.vector_store %arg9[%swap3A_172, %swap3A_173], %add3A_171 {strides = array<i32>} : memref<256x32xi32, #tpu.memory_space<vmem>>, vector<256x1xi32>,
    %get3A_175 = arith.constant 0 : index
    %get3A_176 = arith.constant 4 : index
    %get3A_177 = vector.load %arg9[%get3A_175, %get3A_176] : memref<256x32xi32, #tpu.memory_space<vmem>>, vector<256x1xi32>
    %le3A_178 = arith.constant 4 : i32
    %le3A_179 = vector.broadcast %le3A_178 : i32 to vector<256x2048xi32>
    %le3A_180 = arith.cmpi sle, %add3A_120, %le3A_179 : vector<256x2048xi32>
    %convert_element_type3A_181 = arith.extui %le3A_180 : vector<256x2048xi1> to vector<256x2048xi32>
    %reduce_sum3A_182 = arith.constant dense<0> : vector<256xi32>
    %reduce_sum3A_183 = vector.multi_reduction <add>, %convert_element_type3A_181, %reduce_sum3A_182 [1] : vector<256x2048xi32> to vector<256xi32>
    %broadcast_in_dim3A_184 = vector.shape_cast %reduce_sum3A_183 : vector<256xi32> to vector<256x1xi32>
    %add3A_185 = arith.addi %get3A_177, %broadcast_in_dim3A_184 : vector<256x1xi32>
    %swap3A_186 = arith.constant 0 : index
    %swap3A_187 = arith.constant 4 : index
    %swap3A_188 = vector.load %arg9[%swap3A_186, %swap3A_187] : memref<256x32xi32, #tpu.memory_space<vmem>>, vector<256x1xi32>
    tpu.vector_store %arg9[%swap3A_186, %swap3A_187], %add3A_185 {strides = array<i32>} : memref<256x32xi32, #tpu.memory_space<vmem>>, vector<256x1xi32>,
    %get3A_189 = arith.constant 0 : index
    %get3A_190 = arith.constant 5 : index
    %get3A_191 = vector.load %arg9[%get3A_189, %get3A_190] : memref<256x32xi32, #tpu.memory_space<vmem>>, vector<256x1xi32>
    %le3A_192 = arith.constant 5 : i32
    %le3A_193 = vector.broadcast %le3A_192 : i32 to vector<256x2048xi32>
    %le3A_194 = arith.cmpi sle, %add3A_120, %le3A_193 : vector<256x2048xi32>
    %convert_element_type3A_195 = arith.extui %le3A_194 : vector<256x2048xi1> to vector<256x2048xi32>
    %reduce_sum3A_196 = arith.constant dense<0> : vector<256xi32>
    %reduce_sum3A_197 = vector.multi_reduction <add>, %convert_element_type3A_195, %reduce_sum3A_196 [1] : vector<256x2048xi32> to vector<256xi32>
    %broadcast_in_dim3A_198 = vector.shape_cast %reduce_sum3A_197 : vector<256xi32> to vector<256x1xi32>
    %add3A_199 = arith.addi %get3A_191, %broadcast_in_dim3A_198 : vector<256x1xi32>
    %swap3A_200 = arith.constant 0 : index
    %swap3A_201 = arith.constant 5 : index
    %swap3A_202 = vector.load %arg9[%swap3A_200, %swap3A_201] : memref<256x32xi32, #tpu.memory_space<vmem>>, vector<256x1xi32>
    tpu.vector_store %arg9[%swap3A_200, %swap3A_201], %add3A_199 {strides = array<i32>} : memref<256x32xi32, #tpu.memory_space<vmem>>, vector<256x1xi32>,
    %get3A_203 = arith.constant 0 : index
    %get3A_204 = arith.constant 6 : index
    %get3A_205 = vector.load %arg9[%get3A_203, %get3A_204] : memref<256x32xi32, #tpu.memory_space<vmem>>, vector<256x1xi32>
    %le3A_206 = arith.constant 6 : i32
    %le3A_207 = vector.broadcast %le3A_206 : i32 to vector<256x2048xi32>
    %le3A_208 = arith.cmpi sle, %add3A_120, %le3A_207 : vector<256x2048xi32>
    %convert_element_type3A_209 = arith.extui %le3A_208 : vector<256x2048xi1> to vector<256x2048xi32>
    %reduce_sum3A_210 = arith.constant dense<0> : vector<256xi32>
    %reduce_sum3A_211 = vector.multi_reduction <add>, %convert_element_type3A_209, %reduce_sum3A_210 [1] : vector<256x2048xi32> to vector<256xi32>
    %broadcast_in_dim3A_212 = vector.shape_cast %reduce_sum3A_211 : vector<256xi32> to vector<256x1xi32>
    %add3A_213 = arith.addi %get3A_205, %broadcast_in_dim3A_212 : vector<256x1xi32>
    %swap3A_214 = arith.constant 0 : index
    %swap3A_215 = arith.constant 6 : index
    %swap3A_216 = vector.load %arg9[%swap3A_214, %swap3A_215] : memref<256x32xi32, #tpu.memory_space<vmem>>, vector<256x1xi32>
    tpu.vector_store %arg9[%swap3A_214, %swap3A_215], %add3A_213 {strides = array<i32>} : memref<256x32xi32, #tpu.memory_space<vmem>>, vector<256x1xi32>,
    %get3A_217 = arith.constant 0 : index
    %get3A_218 = arith.constant 7 : index
    %get3A_219 = vector.load %arg9[%get3A_217, %get3A_218] : memref<256x32xi32, #tpu.memory_space<vmem>>, vector<256x1xi32>
    %le3A_220 = arith.constant 7 : i32
    %le3A_221 = vector.broadcast %le3A_220 : i32 to vector<256x2048xi32>
    %le3A_222 = arith.cmpi sle, %add3A_120, %le3A_221 : vector<256x2048xi32>
    %convert_element_type3A_223 = arith.extui %le3A_222 : vector<256x2048xi1> to vector<256x2048xi32>
    %reduce_sum3A_224 = arith.constant dense<0> : vector<256xi32>
    %reduce_sum3A_225 = vector.multi_reduction <add>, %convert_element_type3A_223, %reduce_sum3A_224 [1] : vector<256x2048xi32> to vector<256xi32>
    %broadcast_in_dim3A_226 = vector.shape_cast %reduce_sum3A_225 : vector<256xi32> to vector<256x1xi32>
    %add3A_227 = arith.addi %get3A_219, %broadcast_in_dim3A_226 : vector<256x1xi32>
    %swap3A_228 = arith.constant 0 : index
    %swap3A_229 = arith.constant 7 : index
    %swap3A_230 = vector.load %arg9[%swap3A_228, %swap3A_229] : memref<256x32xi32, #tpu.memory_space<vmem>>, vector<256x1xi32>
    tpu.vector_store %arg9[%swap3A_228, %swap3A_229], %add3A_227 {strides = array<i32>} : memref<256x32xi32, #tpu.memory_space<vmem>>, vector<256x1xi32>,
    %get3A_231 = arith.constant 0 : index
    %get3A_232 = arith.constant 8 : index
    %get3A_233 = vector.load %arg9[%get3A_231, %get3A_232] : memref<256x32xi32, #tpu.memory_space<vmem>>, vector<256x1xi32>
    %le3A_234 = arith.constant 8 : i32
    %le3A_235 = vector.broadcast %le3A_234 : i32 to vector<256x2048xi32>
    %le3A_236 = arith.cmpi sle, %add3A_120, %le3A_235 : vector<256x2048xi32>
    %convert_element_type3A_237 = arith.extui %le3A_236 : vector<256x2048xi1> to vector<256x2048xi32>
    %reduce_sum3A_238 = arith.constant dense<0> : vector<256xi32>
    %reduce_sum3A_239 = vector.multi_reduction <add>, %convert_element_type3A_237, %reduce_sum3A_238 [1] : vector<256x2048xi32> to vector<256xi32>
    %broadcast_in_dim3A_240 = vector.shape_cast %reduce_sum3A_239 : vector<256xi32> to vector<256x1xi32>
    %add3A_241 = arith.addi %get3A_233, %broadcast_in_dim3A_240 : vector<256x1xi32>
    %swap3A_242 = arith.constant 0 : index
    %swap3A_243 = arith.constant 8 : index
    %swap3A_244 = vector.load %arg9[%swap3A_242, %swap3A_243] : memref<256x32xi32, #tpu.memory_space<vmem>>, vector<256x1xi32>
    tpu.vector_store %arg9[%swap3A_242, %swap3A_243], %add3A_241 {strides = array<i32>} : memref<256x32xi32, #tpu.memory_space<vmem>>, vector<256x1xi32>,
    %get3A_245 = arith.constant 0 : index
    %get3A_246 = arith.constant 9 : index
    %get3A_247 = vector.load %arg9[%get3A_245, %get3A_246] : memref<256x32xi32, #tpu.memory_space<vmem>>, vector<256x1xi32>
    %le3A_248 = arith.constant 9 : i32
    %le3A_249 = vector.broadcast %le3A_248 : i32 to vector<256x2048xi32>
    %le3A_250 = arith.cmpi sle, %add3A_120, %le3A_249 : vector<256x2048xi32>
    %convert_element_type3A_251 = arith.extui %le3A_250 : vector<256x2048xi1> to vector<256x2048xi32>
    %reduce_sum3A_252 = arith.constant dense<0> : vector<256xi32>
    %reduce_sum3A_253 = vector.multi_reduction <add>, %convert_element_type3A_251, %reduce_sum3A_252 [1] : vector<256x2048xi32> to vector<256xi32>
    %broadcast_in_dim3A_254 = vector.shape_cast %reduce_sum3A_253 : vector<256xi32> to vector<256x1xi32>
    %add3A_255 = arith.addi %get3A_247, %broadcast_in_dim3A_254 : vector<256x1xi32>
    %swap3A_256 = arith.constant 0 : index
    %swap3A_257 = arith.constant 9 : index
    %swap3A_258 = vector.load %arg9[%swap3A_256, %swap3A_257] : memref<256x32xi32, #tpu.memory_space<vmem>>, vector<256x1xi32>
    tpu.vector_store %arg9[%swap3A_256, %swap3A_257], %add3A_255 {strides = array<i32>} : memref<256x32xi32, #tpu.memory_space<vmem>>, vector<256x1xi32>,
    %get3A_259 = arith.constant 0 : index
    %get3A_260 = arith.constant 10 : index
    %get3A_261 = vector.load %arg9[%get3A_259, %get3A_260] : memref<256x32xi32, #tpu.memory_space<vmem>>, vector<256x1xi32>
    %le3A_262 = arith.constant 10 : i32
    %le3A_263 = vector.broadcast %le3A_262 : i32 to vector<256x2048xi32>
    %le3A_264 = arith.cmpi sle, %add3A_120, %le3A_263 : vector<256x2048xi32>
    %convert_element_type3A_265 = arith.extui %le3A_264 : vector<256x2048xi1> to vector<256x2048xi32>
    %reduce_sum3A_266 = arith.constant dense<0> : vector<256xi32>
    %reduce_sum3A_267 = vector.multi_reduction <add>, %convert_element_type3A_265, %reduce_sum3A_266 [1] : vector<256x2048xi32> to vector<256xi32>
    %broadcast_in_dim3A_268 = vector.shape_cast %reduce_sum3A_267 : vector<256xi32> to vector<256x1xi32>
    %add3A_269 = arith.addi %get3A_261, %broadcast_in_dim3A_268 : vector<256x1xi32>
    %swap3A_270 = arith.constant 0 : index
    %swap3A_271 = arith.constant 10 : index
    %swap3A_272 = vector.load %arg9[%swap3A_270, %swap3A_271] : memref<256x32xi32, #tpu.memory_space<vmem>>, vector<256x1xi32>
    tpu.vector_store %arg9[%swap3A_270, %swap3A_271], %add3A_269 {strides = array<i32>} : memref<256x32xi32, #tpu.memory_space<vmem>>, vector<256x1xi32>,
    %get3A_273 = arith.constant 0 : index
    %get3A_274 = arith.constant 11 : index
    %get3A_275 = vector.load %arg9[%get3A_273, %get3A_274] : memref<256x32xi32, #tpu.memory_space<vmem>>, vector<256x1xi32>
    %le3A_276 = arith.constant 11 : i32
    %le3A_277 = vector.broadcast %le3A_276 : i32 to vector<256x2048xi32>
    %le3A_278 = arith.cmpi sle, %add3A_120, %le3A_277 : vector<256x2048xi32>
    %convert_element_type3A_279 = arith.extui %le3A_278 : vector<256x2048xi1> to vector<256x2048xi32>
    %reduce_sum3A_280 = arith.constant dense<0> : vector<256xi32>
    %reduce_sum3A_281 = vector.multi_reduction <add>, %convert_element_type3A_279, %reduce_sum3A_280 [1] : vector<256x2048xi32> to vector<256xi32>
    %broadcast_in_dim3A_282 = vector.shape_cast %reduce_sum3A_281 : vector<256xi32> to vector<256x1xi32>
    %add3A_283 = arith.addi %get3A_275, %broadcast_in_dim3A_282 : vector<256x1xi32>
    %swap3A_284 = arith.constant 0 : index
    %swap3A_285 = arith.constant 11 : index
    %swap3A_286 = vector.load %arg9[%swap3A_284, %swap3A_285] : memref<256x32xi32, #tpu.memory_space<vmem>>, vector<256x1xi32>
    tpu.vector_store %arg9[%swap3A_284, %swap3A_285], %add3A_283 {strides = array<i32>} : memref<256x32xi32, #tpu.memory_space<vmem>>, vector<256x1xi32>,
    %get3A_287 = arith.constant 0 : index
    %get3A_288 = arith.constant 12 : index
    %get3A_289 = vector.load %arg9[%get3A_287, %get3A_288] : memref<256x32xi32, #tpu.memory_space<vmem>>, vector<256x1xi32>
    %le3A_290 = arith.constant 12 : i32
    %le3A_291 = vector.broadcast %le3A_290 : i32 to vector<256x2048xi32>
    %le3A_292 = arith.cmpi sle, %add3A_120, %le3A_291 : vector<256x2048xi32>
    %convert_element_type3A_293 = arith.extui %le3A_292 : vector<256x2048xi1> to vector<256x2048xi32>
    %reduce_sum3A_294 = arith.constant dense<0> : vector<256xi32>
    %reduce_sum3A_295 = vector.multi_reduction <add>, %convert_element_type3A_293, %reduce_sum3A_294 [1] : vector<256x2048xi32> to vector<256xi32>
    %broadcast_in_dim3A_296 = vector.shape_cast %reduce_sum3A_295 : vector<256xi32> to vector<256x1xi32>
    %add3A_297 = arith.addi %get3A_289, %broadcast_in_dim3A_296 : vector<256x1xi32>
    %swap3A_298 = arith.constant 0 : index
    %swap3A_299 = arith.constant 12 : index
    %swap3A_300 = vector.load %arg9[%swap3A_298, %swap3A_299] : memref<256x32xi32, #tpu.memory_space<vmem>>, vector<256x1xi32>
    tpu.vector_store %arg9[%swap3A_298, %swap3A_299], %add3A_297 {strides = array<i32>} : memref<256x32xi32, #tpu.memory_space<vmem>>, vector<256x1xi32>,
    %get3A_301 = arith.constant 0 : index
    %get3A_302 = arith.constant 13 : index
    %get3A_303 = vector.load %arg9[%get3A_301, %get3A_302] : memref<256x32xi32, #tpu.memory_space<vmem>>, vector<256x1xi32>
    %le3A_304 = arith.constant 13 : i32
    %le3A_305 = vector.broadcast %le3A_304 : i32 to vector<256x2048xi32>
    %le3A_306 = arith.cmpi sle, %add3A_120, %le3A_305 : vector<256x2048xi32>
    %convert_element_type3A_307 = arith.extui %le3A_306 : vector<256x2048xi1> to vector<256x2048xi32>
    %reduce_sum3A_308 = arith.constant dense<0> : vector<256xi32>
    %reduce_sum3A_309 = vector.multi_reduction <add>, %convert_element_type3A_307, %reduce_sum3A_308 [1] : vector<256x2048xi32> to vector<256xi32>
    %broadcast_in_dim3A_310 = vector.shape_cast %reduce_sum3A_309 : vector<256xi32> to vector<256x1xi32>
    %add3A_311 = arith.addi %get3A_303, %broadcast_in_dim3A_310 : vector<256x1xi32>
    %swap3A_312 = arith.constant 0 : index
    %swap3A_313 = arith.constant 13 : index
    %swap3A_314 = vector.load %arg9[%swap3A_312, %swap3A_313] : memref<256x32xi32, #tpu.memory_space<vmem>>, vector<256x1xi32>
    tpu.vector_store %arg9[%swap3A_312, %swap3A_313], %add3A_311 {strides = array<i32>} : memref<256x32xi32, #tpu.memory_space<vmem>>, vector<256x1xi32>,
    %get3A_315 = arith.constant 0 : index
    %get3A_316 = arith.constant 14 : index
    %get3A_317 = vector.load %arg9[%get3A_315, %get3A_316] : memref<256x32xi32, #tpu.memory_space<vmem>>, vector<256x1xi32>
    %le3A_318 = arith.constant 14 : i32
    %le3A_319 = vector.broadcast %le3A_318 : i32 to vector<256x2048xi32>
    %le3A_320 = arith.cmpi sle, %add3A_120, %le3A_319 : vector<256x2048xi32>
    %convert_element_type3A_321 = arith.extui %le3A_320 : vector<256x2048xi1> to vector<256x2048xi32>
    %reduce_sum3A_322 = arith.constant dense<0> : vector<256xi32>
    %reduce_sum3A_323 = vector.multi_reduction <add>, %convert_element_type3A_321, %reduce_sum3A_322 [1] : vector<256x2048xi32> to vector<256xi32>
    %broadcast_in_dim3A_324 = vector.shape_cast %reduce_sum3A_323 : vector<256xi32> to vector<256x1xi32>
    %add3A_325 = arith.addi %get3A_317, %broadcast_in_dim3A_324 : vector<256x1xi32>
    %swap3A_326 = arith.constant 0 : index
    %swap3A_327 = arith.constant 14 : index
    %swap3A_328 = vector.load %arg9[%swap3A_326, %swap3A_327] : memref<256x32xi32, #tpu.memory_space<vmem>>, vector<256x1xi32>
    tpu.vector_store %arg9[%swap3A_326, %swap3A_327], %add3A_325 {strides = array<i32>} : memref<256x32xi32, #tpu.memory_space<vmem>>, vector<256x1xi32>,
    %get3A_329 = arith.constant 0 : index
    %get3A_330 = arith.constant 15 : index
    %get3A_331 = vector.load %arg9[%get3A_329, %get3A_330] : memref<256x32xi32, #tpu.memory_space<vmem>>, vector<256x1xi32>
    %le3A_332 = arith.constant 15 : i32
    %le3A_333 = vector.broadcast %le3A_332 : i32 to vector<256x2048xi32>
    %le3A_334 = arith.cmpi sle, %add3A_120, %le3A_333 : vector<256x2048xi32>
    %convert_element_type3A_335 = arith.extui %le3A_334 : vector<256x2048xi1> to vector<256x2048xi32>
    %reduce_sum3A_336 = arith.constant dense<0> : vector<256xi32>
    %reduce_sum3A_337 = vector.multi_reduction <add>, %convert_element_type3A_335, %reduce_sum3A_336 [1] : vector<256x2048xi32> to vector<256xi32>
    %broadcast_in_dim3A_338 = vector.shape_cast %reduce_sum3A_337 : vector<256xi32> to vector<256x1xi32>
    %add3A_339 = arith.addi %get3A_331, %broadcast_in_dim3A_338 : vector<256x1xi32>
    %swap3A_340 = arith.constant 0 : index
    %swap3A_341 = arith.constant 15 : index
    %swap3A_342 = vector.load %arg9[%swap3A_340, %swap3A_341] : memref<256x32xi32, #tpu.memory_space<vmem>>, vector<256x1xi32>
    tpu.vector_store %arg9[%swap3A_340, %swap3A_341], %add3A_339 {strides = array<i32>} : memref<256x32xi32, #tpu.memory_space<vmem>>, vector<256x1xi32>,
    %get3A_343 = arith.constant 0 : index
    %get3A_344 = arith.constant 16 : index
    %get3A_345 = vector.load %arg9[%get3A_343, %get3A_344] : memref<256x32xi32, #tpu.memory_space<vmem>>, vector<256x1xi32>
    %le3A_346 = arith.constant 16 : i32
    %le3A_347 = vector.broadcast %le3A_346 : i32 to vector<256x2048xi32>
    %le3A_348 = arith.cmpi sle, %add3A_120, %le3A_347 : vector<256x2048xi32>
    %convert_element_type3A_349 = arith.extui %le3A_348 : vector<256x2048xi1> to vector<256x2048xi32>
    %reduce_sum3A_350 = arith.constant dense<0> : vector<256xi32>
    %reduce_sum3A_351 = vector.multi_reduction <add>, %convert_element_type3A_349, %reduce_sum3A_350 [1] : vector<256x2048xi32> to vector<256xi32>
    %broadcast_in_dim3A_352 = vector.shape_cast %reduce_sum3A_351 : vector<256xi32> to vector<256x1xi32>
    %add3A_353 = arith.addi %get3A_345, %broadcast_in_dim3A_352 : vector<256x1xi32>
    %swap3A_354 = arith.constant 0 : index
    %swap3A_355 = arith.constant 16 : index
    %swap3A_356 = vector.load %arg9[%swap3A_354, %swap3A_355] : memref<256x32xi32, #tpu.memory_space<vmem>>, vector<256x1xi32>
    tpu.vector_store %arg9[%swap3A_354, %swap3A_355], %add3A_353 {strides = array<i32>} : memref<256x32xi32, #tpu.memory_space<vmem>>, vector<256x1xi32>,
    %get3A_357 = arith.constant 0 : index
    %get3A_358 = arith.constant 17 : index
    %get3A_359 = vector.load %arg9[%get3A_357, %get3A_358] : memref<256x32xi32, #tpu.memory_space<vmem>>, vector<256x1xi32>
    %le3A_360 = arith.constant 17 : i32
    %le3A_361 = vector.broadcast %le3A_360 : i32 to vector<256x2048xi32>
    %le3A_362 = arith.cmpi sle, %add3A_120, %le3A_361 : vector<256x2048xi32>
    %convert_element_type3A_363 = arith.extui %le3A_362 : vector<256x2048xi1> to vector<256x2048xi32>
    %reduce_sum3A_364 = arith.constant dense<0> : vector<256xi32>
    %reduce_sum3A_365 = vector.multi_reduction <add>, %convert_element_type3A_363, %reduce_sum3A_364 [1] : vector<256x2048xi32> to vector<256xi32>
    %broadcast_in_dim3A_366 = vector.shape_cast %reduce_sum3A_365 : vector<256xi32> to vector<256x1xi32>
    %add3A_367 = arith.addi %get3A_359, %broadcast_in_dim3A_366 : vector<256x1xi32>
    %swap3A_368 = arith.constant 0 : index
    %swap3A_369 = arith.constant 17 : index
    %swap3A_370 = vector.load %arg9[%swap3A_368, %swap3A_369] : memref<256x32xi32, #tpu.memory_space<vmem>>, vector<256x1xi32>
    tpu.vector_store %arg9[%swap3A_368, %swap3A_369], %add3A_367 {strides = array<i32>} : memref<256x32xi32, #tpu.memory_space<vmem>>, vector<256x1xi32>,
    %get3A_371 = arith.constant 0 : index
    %get3A_372 = arith.constant 18 : index
    %get3A_373 = vector.load %arg9[%get3A_371, %get3A_372] : memref<256x32xi32, #tpu.memory_space<vmem>>, vector<256x1xi32>
    %le3A_374 = arith.constant 18 : i32
    %le3A_375 = vector.broadcast %le3A_374 : i32 to vector<256x2048xi32>
    %le3A_376 = arith.cmpi sle, %add3A_120, %le3A_375 : vector<256x2048xi32>
    %convert_element_type3A_377 = arith.extui %le3A_376 : vector<256x2048xi1> to vector<256x2048xi32>
    %reduce_sum3A_378 = arith.constant dense<0> : vector<256xi32>
    %reduce_sum3A_379 = vector.multi_reduction <add>, %convert_element_type3A_377, %reduce_sum3A_378 [1] : vector<256x2048xi32> to vector<256xi32>
    %broadcast_in_dim3A_380 = vector.shape_cast %reduce_sum3A_379 : vector<256xi32> to vector<256x1xi32>
    %add3A_381 = arith.addi %get3A_373, %broadcast_in_dim3A_380 : vector<256x1xi32>
    %swap3A_382 = arith.constant 0 : index
    %swap3A_383 = arith.constant 18 : index
    %swap3A_384 = vector.load %arg9[%swap3A_382, %swap3A_383] : memref<256x32xi32, #tpu.memory_space<vmem>>, vector<256x1xi32>
    tpu.vector_store %arg9[%swap3A_382, %swap3A_383], %add3A_381 {strides = array<i32>} : memref<256x32xi32, #tpu.memory_space<vmem>>, vector<256x1xi32>,
    %get3A_385 = arith.constant 0 : index
    %get3A_386 = arith.constant 19 : index
    %get3A_387 = vector.load %arg9[%get3A_385, %get3A_386] : memref<256x32xi32, #tpu.memory_space<vmem>>, vector<256x1xi32>
    %le3A_388 = arith.constant 19 : i32
    %le3A_389 = vector.broadcast %le3A_388 : i32 to vector<256x2048xi32>
    %le3A_390 = arith.cmpi sle, %add3A_120, %le3A_389 : vector<256x2048xi32>
    %convert_element_type3A_391 = arith.extui %le3A_390 : vector<256x2048xi1> to vector<256x2048xi32>
    %reduce_sum3A_392 = arith.constant dense<0> : vector<256xi32>
    %reduce_sum3A_393 = vector.multi_reduction <add>, %convert_element_type3A_391, %reduce_sum3A_392 [1] : vector<256x2048xi32> to vector<256xi32>
    %broadcast_in_dim3A_394 = vector.shape_cast %reduce_sum3A_393 : vector<256xi32> to vector<256x1xi32>
    %add3A_395 = arith.addi %get3A_387, %broadcast_in_dim3A_394 : vector<256x1xi32>
    %swap3A_396 = arith.constant 0 : index
    %swap3A_397 = arith.constant 19 : index
    %swap3A_398 = vector.load %arg9[%swap3A_396, %swap3A_397] : memref<256x32xi32, #tpu.memory_space<vmem>>, vector<256x1xi32>
    tpu.vector_store %arg9[%swap3A_396, %swap3A_397], %add3A_395 {strides = array<i32>} : memref<256x32xi32, #tpu.memory_space<vmem>>, vector<256x1xi32>,
    %get3A_399 = arith.constant 0 : index
    %get3A_400 = arith.constant 20 : index
    %get3A_401 = vector.load %arg9[%get3A_399, %get3A_400] : memref<256x32xi32, #tpu.memory_space<vmem>>, vector<256x1xi32>
    %le3A_402 = arith.constant 20 : i32
    %le3A_403 = vector.broadcast %le3A_402 : i32 to vector<256x2048xi32>
    %le3A_404 = arith.cmpi sle, %add3A_120, %le3A_403 : vector<256x2048xi32>
    %convert_element_type3A_405 = arith.extui %le3A_404 : vector<256x2048xi1> to vector<256x2048xi32>
    %reduce_sum3A_406 = arith.constant dense<0> : vector<256xi32>
    %reduce_sum3A_407 = vector.multi_reduction <add>, %convert_element_type3A_405, %reduce_sum3A_406 [1] : vector<256x2048xi32> to vector<256xi32>
    %broadcast_in_dim3A_408 = vector.shape_cast %reduce_sum3A_407 : vector<256xi32> to vector<256x1xi32>
    %add3A_409 = arith.addi %get3A_401, %broadcast_in_dim3A_408 : vector<256x1xi32>
    %swap3A_410 = arith.constant 0 : index
    %swap3A_411 = arith.constant 20 : index
    %swap3A_412 = vector.load %arg9[%swap3A_410, %swap3A_411] : memref<256x32xi32, #tpu.memory_space<vmem>>, vector<256x1xi32>
    tpu.vector_store %arg9[%swap3A_410, %swap3A_411], %add3A_409 {strides = array<i32>} : memref<256x32xi32, #tpu.memory_space<vmem>>, vector<256x1xi32>,
    %get3A_413 = arith.constant 0 : index
    %get3A_414 = arith.constant 21 : index
    %get3A_415 = vector.load %arg9[%get3A_413, %get3A_414] : memref<256x32xi32, #tpu.memory_space<vmem>>, vector<256x1xi32>
    %le3A_416 = arith.constant 21 : i32
    %le3A_417 = vector.broadcast %le3A_416 : i32 to vector<256x2048xi32>
    %le3A_418 = arith.cmpi sle, %add3A_120, %le3A_417 : vector<256x2048xi32>
    %convert_element_type3A_419 = arith.extui %le3A_418 : vector<256x2048xi1> to vector<256x2048xi32>
    %reduce_sum3A_420 = arith.constant dense<0> : vector<256xi32>
    %reduce_sum3A_421 = vector.multi_reduction <add>, %convert_element_type3A_419, %reduce_sum3A_420 [1] : vector<256x2048xi32> to vector<256xi32>
    %broadcast_in_dim3A_422 = vector.shape_cast %reduce_sum3A_421 : vector<256xi32> to vector<256x1xi32>
    %add3A_423 = arith.addi %get3A_415, %broadcast_in_dim3A_422 : vector<256x1xi32>
    %swap3A_424 = arith.constant 0 : index
    %swap3A_425 = arith.constant 21 : index
    %swap3A_426 = vector.load %arg9[%swap3A_424, %swap3A_425] : memref<256x32xi32, #tpu.memory_space<vmem>>, vector<256x1xi32>
    tpu.vector_store %arg9[%swap3A_424, %swap3A_425], %add3A_423 {strides = array<i32>} : memref<256x32xi32, #tpu.memory_space<vmem>>, vector<256x1xi32>,
    %get3A_427 = arith.constant 0 : index
    %get3A_428 = arith.constant 22 : index
    %get3A_429 = vector.load %arg9[%get3A_427, %get3A_428] : memref<256x32xi32, #tpu.memory_space<vmem>>, vector<256x1xi32>
    %le3A_430 = arith.constant 22 : i32
    %le3A_431 = vector.broadcast %le3A_430 : i32 to vector<256x2048xi32>
    %le3A_432 = arith.cmpi sle, %add3A_120, %le3A_431 : vector<256x2048xi32>
    %convert_element_type3A_433 = arith.extui %le3A_432 : vector<256x2048xi1> to vector<256x2048xi32>
    %reduce_sum3A_434 = arith.constant dense<0> : vector<256xi32>
    %reduce_sum3A_435 = vector.multi_reduction <add>, %convert_element_type3A_433, %reduce_sum3A_434 [1] : vector<256x2048xi32> to vector<256xi32>
    %broadcast_in_dim3A_436 = vector.shape_cast %reduce_sum3A_435 : vector<256xi32> to vector<256x1xi32>
    %add3A_437 = arith.addi %get3A_429, %broadcast_in_dim3A_436 : vector<256x1xi32>
    %swap3A_438 = arith.constant 0 : index
    %swap3A_439 = arith.constant 22 : index
    %swap3A_440 = vector.load %arg9[%swap3A_438, %swap3A_439] : memref<256x32xi32, #tpu.memory_space<vmem>>, vector<256x1xi32>
    tpu.vector_store %arg9[%swap3A_438, %swap3A_439], %add3A_437 {strides = array<i32>} : memref<256x32xi32, #tpu.memory_space<vmem>>, vector<256x1xi32>,
    %get3A_441 = arith.constant 0 : index
    %get3A_442 = arith.constant 23 : index
    %get3A_443 = vector.load %arg9[%get3A_441, %get3A_442] : memref<256x32xi32, #tpu.memory_space<vmem>>, vector<256x1xi32>
    %le3A_444 = arith.constant 23 : i32
    %le3A_445 = vector.broadcast %le3A_444 : i32 to vector<256x2048xi32>
    %le3A_446 = arith.cmpi sle, %add3A_120, %le3A_445 : vector<256x2048xi32>
    %convert_element_type3A_447 = arith.extui %le3A_446 : vector<256x2048xi1> to vector<256x2048xi32>
    %reduce_sum3A_448 = arith.constant dense<0> : vector<256xi32>
    %reduce_sum3A_449 = vector.multi_reduction <add>, %convert_element_type3A_447, %reduce_sum3A_448 [1] : vector<256x2048xi32> to vector<256xi32>
    %broadcast_in_dim3A_450 = vector.shape_cast %reduce_sum3A_449 : vector<256xi32> to vector<256x1xi32>
    %add3A_451 = arith.addi %get3A_443, %broadcast_in_dim3A_450 : vector<256x1xi32>
    %swap3A_452 = arith.constant 0 : index
    %swap3A_453 = arith.constant 23 : index
    %swap3A_454 = vector.load %arg9[%swap3A_452, %swap3A_453] : memref<256x32xi32, #tpu.memory_space<vmem>>, vector<256x1xi32>
    tpu.vector_store %arg9[%swap3A_452, %swap3A_453], %add3A_451 {strides = array<i32>} : memref<256x32xi32, #tpu.memory_space<vmem>>, vector<256x1xi32>,
    %get3A_455 = arith.constant 0 : index
    %get3A_456 = arith.constant 24 : index
    %get3A_457 = vector.load %arg9[%get3A_455, %get3A_456] : memref<256x32xi32, #tpu.memory_space<vmem>>, vector<256x1xi32>
    %le3A_458 = arith.constant 24 : i32
    %le3A_459 = vector.broadcast %le3A_458 : i32 to vector<256x2048xi32>
    %le3A_460 = arith.cmpi sle, %add3A_120, %le3A_459 : vector<256x2048xi32>
    %convert_element_type3A_461 = arith.extui %le3A_460 : vector<256x2048xi1> to vector<256x2048xi32>
    %reduce_sum3A_462 = arith.constant dense<0> : vector<256xi32>
    %reduce_sum3A_463 = vector.multi_reduction <add>, %convert_element_type3A_461, %reduce_sum3A_462 [1] : vector<256x2048xi32> to vector<256xi32>
    %broadcast_in_dim3A_464 = vector.shape_cast %reduce_sum3A_463 : vector<256xi32> to vector<256x1xi32>
    %add3A_465 = arith.addi %get3A_457, %broadcast_in_dim3A_464 : vector<256x1xi32>
    %swap3A_466 = arith.constant 0 : index
    %swap3A_467 = arith.constant 24 : index
    %swap3A_468 = vector.load %arg9[%swap3A_466, %swap3A_467] : memref<256x32xi32, #tpu.memory_space<vmem>>, vector<256x1xi32>
    tpu.vector_store %arg9[%swap3A_466, %swap3A_467], %add3A_465 {strides = array<i32>} : memref<256x32xi32, #tpu.memory_space<vmem>>, vector<256x1xi32>,
    %get3A_469 = arith.constant 0 : index
    %get3A_470 = arith.constant 25 : index
    %get3A_471 = vector.load %arg9[%get3A_469, %get3A_470] : memref<256x32xi32, #tpu.memory_space<vmem>>, vector<256x1xi32>
    %le3A_472 = arith.constant 25 : i32
    %le3A_473 = vector.broadcast %le3A_472 : i32 to vector<256x2048xi32>
    %le3A_474 = arith.cmpi sle, %add3A_120, %le3A_473 : vector<256x2048xi32>
    %convert_element_type3A_475 = arith.extui %le3A_474 : vector<256x2048xi1> to vector<256x2048xi32>
    %reduce_sum3A_476 = arith.constant dense<0> : vector<256xi32>
    %reduce_sum3A_477 = vector.multi_reduction <add>, %convert_element_type3A_475, %reduce_sum3A_476 [1] : vector<256x2048xi32> to vector<256xi32>
    %broadcast_in_dim3A_478 = vector.shape_cast %reduce_sum3A_477 : vector<256xi32> to vector<256x1xi32>
    %add3A_479 = arith.addi %get3A_471, %broadcast_in_dim3A_478 : vector<256x1xi32>
    %swap3A_480 = arith.constant 0 : index
    %swap3A_481 = arith.constant 25 : index
    %swap3A_482 = vector.load %arg9[%swap3A_480, %swap3A_481] : memref<256x32xi32, #tpu.memory_space<vmem>>, vector<256x1xi32>
    tpu.vector_store %arg9[%swap3A_480, %swap3A_481], %add3A_479 {strides = array<i32>} : memref<256x32xi32, #tpu.memory_space<vmem>>, vector<256x1xi32>,
    %get3A_483 = arith.constant 0 : index
    %get3A_484 = arith.constant 26 : index
    %get3A_485 = vector.load %arg9[%get3A_483, %get3A_484] : memref<256x32xi32, #tpu.memory_space<vmem>>, vector<256x1xi32>
    %le3A_486 = arith.constant 26 : i32
    %le3A_487 = vector.broadcast %le3A_486 : i32 to vector<256x2048xi32>
    %le3A_488 = arith.cmpi sle, %add3A_120, %le3A_487 : vector<256x2048xi32>
    %convert_element_type3A_489 = arith.extui %le3A_488 : vector<256x2048xi1> to vector<256x2048xi32>
    %reduce_sum3A_490 = arith.constant dense<0> : vector<256xi32>
    %reduce_sum3A_491 = vector.multi_reduction <add>, %convert_element_type3A_489, %reduce_sum3A_490 [1] : vector<256x2048xi32> to vector<256xi32>
    %broadcast_in_dim3A_492 = vector.shape_cast %reduce_sum3A_491 : vector<256xi32> to vector<256x1xi32>
    %add3A_493 = arith.addi %get3A_485, %broadcast_in_dim3A_492 : vector<256x1xi32>
    %swap3A_494 = arith.constant 0 : index
    %swap3A_495 = arith.constant 26 : index
    %swap3A_496 = vector.load %arg9[%swap3A_494, %swap3A_495] : memref<256x32xi32, #tpu.memory_space<vmem>>, vector<256x1xi32>
    tpu.vector_store %arg9[%swap3A_494, %swap3A_495], %add3A_493 {strides = array<i32>} : memref<256x32xi32, #tpu.memory_space<vmem>>, vector<256x1xi32>,
    %get3A_497 = arith.constant 0 : index
    %get3A_498 = arith.constant 27 : index
    %get3A_499 = vector.load %arg9[%get3A_497, %get3A_498] : memref<256x32xi32, #tpu.memory_space<vmem>>, vector<256x1xi32>
    %le3A_500 = arith.constant 27 : i32
    %le3A_501 = vector.broadcast %le3A_500 : i32 to vector<256x2048xi32>
    %le3A_502 = arith.cmpi sle, %add3A_120, %le3A_501 : vector<256x2048xi32>
    %convert_element_type3A_503 = arith.extui %le3A_502 : vector<256x2048xi1> to vector<256x2048xi32>
    %reduce_sum3A_504 = arith.constant dense<0> : vector<256xi32>
    %reduce_sum3A_505 = vector.multi_reduction <add>, %convert_element_type3A_503, %reduce_sum3A_504 [1] : vector<256x2048xi32> to vector<256xi32>
    %broadcast_in_dim3A_506 = vector.shape_cast %reduce_sum3A_505 : vector<256xi32> to vector<256x1xi32>
    %add3A_507 = arith.addi %get3A_499, %broadcast_in_dim3A_506 : vector<256x1xi32>
    %swap3A_508 = arith.constant 0 : index
    %swap3A_509 = arith.constant 27 : index
    %swap3A_510 = vector.load %arg9[%swap3A_508, %swap3A_509] : memref<256x32xi32, #tpu.memory_space<vmem>>, vector<256x1xi32>
    tpu.vector_store %arg9[%swap3A_508, %swap3A_509], %add3A_507 {strides = array<i32>} : memref<256x32xi32, #tpu.memory_space<vmem>>, vector<256x1xi32>,
    %get3A_511 = arith.constant 0 : index
    %get3A_512 = arith.constant 28 : index
    %get3A_513 = vector.load %arg9[%get3A_511, %get3A_512] : memref<256x32xi32, #tpu.memory_space<vmem>>, vector<256x1xi32>
    %le3A_514 = arith.constant 28 : i32
    %le3A_515 = vector.broadcast %le3A_514 : i32 to vector<256x2048xi32>
    %le3A_516 = arith.cmpi sle, %add3A_120, %le3A_515 : vector<256x2048xi32>
    %convert_element_type3A_517 = arith.extui %le3A_516 : vector<256x2048xi1> to vector<256x2048xi32>
    %reduce_sum3A_518 = arith.constant dense<0> : vector<256xi32>
    %reduce_sum3A_519 = vector.multi_reduction <add>, %convert_element_type3A_517, %reduce_sum3A_518 [1] : vector<256x2048xi32> to vector<256xi32>
    %broadcast_in_dim3A_520 = vector.shape_cast %reduce_sum3A_519 : vector<256xi32> to vector<256x1xi32>
    %add3A_521 = arith.addi %get3A_513, %broadcast_in_dim3A_520 : vector<256x1xi32>
    %swap3A_522 = arith.constant 0 : index
    %swap3A_523 = arith.constant 28 : index
    %swap3A_524 = vector.load %arg9[%swap3A_522, %swap3A_523] : memref<256x32xi32, #tpu.memory_space<vmem>>, vector<256x1xi32>
    tpu.vector_store %arg9[%swap3A_522, %swap3A_523], %add3A_521 {strides = array<i32>} : memref<256x32xi32, #tpu.memory_space<vmem>>, vector<256x1xi32>,
    %get3A_525 = arith.constant 0 : index
    %get3A_526 = arith.constant 29 : index
    %get3A_527 = vector.load %arg9[%get3A_525, %get3A_526] : memref<256x32xi32, #tpu.memory_space<vmem>>, vector<256x1xi32>
    %le3A_528 = arith.constant 29 : i32
    %le3A_529 = vector.broadcast %le3A_528 : i32 to vector<256x2048xi32>
    %le3A_530 = arith.cmpi sle, %add3A_120, %le3A_529 : vector<256x2048xi32>
    %convert_element_type3A_531 = arith.extui %le3A_530 : vector<256x2048xi1> to vector<256x2048xi32>
    %reduce_sum3A_532 = arith.constant dense<0> : vector<256xi32>
    %reduce_sum3A_533 = vector.multi_reduction <add>, %convert_element_type3A_531, %reduce_sum3A_532 [1] : vector<256x2048xi32> to vector<256xi32>
    %broadcast_in_dim3A_534 = vector.shape_cast %reduce_sum3A_533 : vector<256xi32> to vector<256x1xi32>
    %add3A_535 = arith.addi %get3A_527, %broadcast_in_dim3A_534 : vector<256x1xi32>
    %swap3A_536 = arith.constant 0 : index
    %swap3A_537 = arith.constant 29 : index
    %swap3A_538 = vector.load %arg9[%swap3A_536, %swap3A_537] : memref<256x32xi32, #tpu.memory_space<vmem>>, vector<256x1xi32>
    tpu.vector_store %arg9[%swap3A_536, %swap3A_537], %add3A_535 {strides = array<i32>} : memref<256x32xi32, #tpu.memory_space<vmem>>, vector<256x1xi32>,
    %get3A_539 = arith.constant 0 : index
    %get3A_540 = arith.constant 30 : index
    %get3A_541 = vector.load %arg9[%get3A_539, %get3A_540] : memref<256x32xi32, #tpu.memory_space<vmem>>, vector<256x1xi32>
    %le3A_542 = arith.constant 30 : i32
    %le3A_543 = vector.broadcast %le3A_542 : i32 to vector<256x2048xi32>
    %le3A_544 = arith.cmpi sle, %add3A_120, %le3A_543 : vector<256x2048xi32>
    %convert_element_type3A_545 = arith.extui %le3A_544 : vector<256x2048xi1> to vector<256x2048xi32>
    %reduce_sum3A_546 = arith.constant dense<0> : vector<256xi32>
    %reduce_sum3A_547 = vector.multi_reduction <add>, %convert_element_type3A_545, %reduce_sum3A_546 [1] : vector<256x2048xi32> to vector<256xi32>
    %broadcast_in_dim3A_548 = vector.shape_cast %reduce_sum3A_547 : vector<256xi32> to vector<256x1xi32>
    %add3A_549 = arith.addi %get3A_541, %broadcast_in_dim3A_548 : vector<256x1xi32>
    %swap3A_550 = arith.constant 0 : index
    %swap3A_551 = arith.constant 30 : index
    %swap3A_552 = vector.load %arg9[%swap3A_550, %swap3A_551] : memref<256x32xi32, #tpu.memory_space<vmem>>, vector<256x1xi32>
    tpu.vector_store %arg9[%swap3A_550, %swap3A_551], %add3A_549 {strides = array<i32>} : memref<256x32xi32, #tpu.memory_space<vmem>>, vector<256x1xi32>,
    %get3A_553 = arith.constant 0 : index
    %get3A_554 = arith.constant 31 : index
    %get3A_555 = vector.load %arg9[%get3A_553, %get3A_554] : memref<256x32xi32, #tpu.memory_space<vmem>>, vector<256x1xi32>
    %le3A_556 = arith.constant 31 : i32
    %le3A_557 = vector.broadcast %le3A_556 : i32 to vector<256x2048xi32>
    %le3A_558 = arith.cmpi sle, %add3A_120, %le3A_557 : vector<256x2048xi32>
    %convert_element_type3A_559 = arith.extui %le3A_558 : vector<256x2048xi1> to vector<256x2048xi32>
    %reduce_sum3A_560 = arith.constant dense<0> : vector<256xi32>
    %reduce_sum3A_561 = vector.multi_reduction <add>, %convert_element_type3A_559, %reduce_sum3A_560 [1] : vector<256x2048xi32> to vector<256xi32>
    %broadcast_in_dim3A_562 = vector.shape_cast %reduce_sum3A_561 : vector<256xi32> to vector<256x1xi32>
    %add3A_563 = arith.addi %get3A_555, %broadcast_in_dim3A_562 : vector<256x1xi32>
    %swap3A_564 = arith.constant 0 : index
    %swap3A_565 = arith.constant 31 : index
    %swap3A_566 = vector.load %arg9[%swap3A_564, %swap3A_565] : memref<256x32xi32, #tpu.memory_space<vmem>>, vector<256x1xi32>
    tpu.vector_store %arg9[%swap3A_564, %swap3A_565], %add3A_563 {strides = array<i32>} : memref<256x32xi32, #tpu.memory_space<vmem>>, vector<256x1xi32>,
    %slice3A_567 = vector.extract_strided_slice %add3A_120 {offsets = [0, 2047], sizes = [256, 1], strides = [1, 1]} : vector<256x2048xi32> to vector<256x1xi32>
    %swap3A_568 = arith.constant 0 : index
    %swap3A_569 = arith.constant 0 : index
    %swap3A_570 = vector.load %arg8[%swap3A_568, %swap3A_569] : memref<256x8xi32, #tpu.memory_space<vmem>>, vector<256x1xi32>
    tpu.vector_store %arg8[%swap3A_568, %swap3A_569], %slice3A_567 {strides = array<i32>} : memref<256x8xi32, #tpu.memory_space<vmem>>, vector<256x1xi32>,
    %le3A_571 = arith.constant 0.00999999977 : f32
    %le3A_572 = vector.broadcast %le3A_571 : f32 to vector<256x2048xf32>
    %le3A_573 = arith.cmpf ole, %sub3A, %le3A_572 : vector<256x2048xf32>
    %convert_element_type3A_574 = arith.extui %le3A_573 : vector<256x2048xi1> to vector<256x2048xi32>
    %broadcast_in_dim3A_575 = arith.constant 0 : i32
    %broadcast_in_dim3A_576 = vector.broadcast %broadcast_in_dim3A_575 : i32 to vector<256x1xi32>
    %slice3A_577 = vector.extract_strided_slice %convert_element_type3A_574 {offsets = [0, 0], sizes = [256, 2047], strides = [1, 1]} : vector<256x2048xi32> to vector<256x2047xi32>
    %concatenate3A_578 = tpu.concatenate %broadcast_in_dim3A_576, %slice3A_577 in 1 : vector<256x1xi32>, vector<256x2047xi32> -> vector<256x2048xi32>
    %add3A_579 = arith.addi %convert_element_type3A_574, %concatenate3A_578 : vector<256x2048xi32>
    %broadcast_in_dim3A_580 = arith.constant 0 : i32
    %broadcast_in_dim3A_581 = vector.broadcast %broadcast_in_dim3A_580 : i32 to vector<256x2xi32>
    %slice3A_582 = vector.extract_strided_slice %add3A_579 {offsets = [0, 0], sizes = [256, 2046], strides = [1, 1]} : vector<256x2048xi32> to vector<256x2046xi32>
    %concatenate3A_583 = tpu.concatenate %broadcast_in_dim3A_581, %slice3A_582 in 1 : vector<256x2xi32>, vector<256x2046xi32> -> vector<256x2048xi32>
    %add3A_584 = arith.addi %add3A_579, %concatenate3A_583 : vector<256x2048xi32>
    %broadcast_in_dim3A_585 = arith.constant 0 : i32
    %broadcast_in_dim3A_586 = vector.broadcast %broadcast_in_dim3A_585 : i32 to vector<256x4xi32>
    %slice3A_587 = vector.extract_strided_slice %add3A_584 {offsets = [0, 0], sizes = [256, 2044], strides = [1, 1]} : vector<256x2048xi32> to vector<256x2044xi32>
    %concatenate3A_588 = tpu.concatenate %broadcast_in_dim3A_586, %slice3A_587 in 1 : vector<256x4xi32>, vector<256x2044xi32> -> vector<256x2048xi32>
    %add3A_589 = arith.addi %add3A_584, %concatenate3A_588 : vector<256x2048xi32>
    %broadcast_in_dim3A_590 = arith.constant 0 : i32
    %broadcast_in_dim3A_591 = vector.broadcast %broadcast_in_dim3A_590 : i32 to vector<256x8xi32>
    %slice3A_592 = vector.extract_strided_slice %add3A_589 {offsets = [0, 0], sizes = [256, 2040], strides = [1, 1]} : vector<256x2048xi32> to vector<256x2040xi32>
    %concatenate3A_593 = tpu.concatenate %broadcast_in_dim3A_591, %slice3A_592 in 1 : vector<256x8xi32>, vector<256x2040xi32> -> vector<256x2048xi32>
    %add3A_594 = arith.addi %add3A_589, %concatenate3A_593 : vector<256x2048xi32>
    %broadcast_in_dim3A_595 = arith.constant 0 : i32
    %broadcast_in_dim3A_596 = vector.broadcast %broadcast_in_dim3A_595 : i32 to vector<256x16xi32>
    %slice3A_597 = vector.extract_strided_slice %add3A_594 {offsets = [0, 0], sizes = [256, 2032], strides = [1, 1]} : vector<256x2048xi32> to vector<256x2032xi32>
    %concatenate3A_598 = tpu.concatenate %broadcast_in_dim3A_596, %slice3A_597 in 1 : vector<256x16xi32>, vector<256x2032xi32> -> vector<256x2048xi32>
    %add3A_599 = arith.addi %add3A_594, %concatenate3A_598 : vector<256x2048xi32>
    %broadcast_in_dim3A_600 = arith.constant 0 : i32
    %broadcast_in_dim3A_601 = vector.broadcast %broadcast_in_dim3A_600 : i32 to vector<256x32xi32>
    %slice3A_602 = vector.extract_strided_slice %add3A_599 {offsets = [0, 0], sizes = [256, 2016], strides = [1, 1]} : vector<256x2048xi32> to vector<256x2016xi32>
    %concatenate3A_603 = tpu.concatenate %broadcast_in_dim3A_601, %slice3A_602 in 1 : vector<256x32xi32>, vector<256x2016xi32> -> vector<256x2048xi32>
    %add3A_604 = arith.addi %add3A_599, %concatenate3A_603 : vector<256x2048xi32>
    %broadcast_in_dim3A_605 = arith.constant 0 : i32
    %broadcast_in_dim3A_606 = vector.broadcast %broadcast_in_dim3A_605 : i32 to vector<256x64xi32>
    %slice3A_607 = vector.extract_strided_slice %add3A_604 {offsets = [0, 0], sizes = [256, 1984], strides = [1, 1]} : vector<256x2048xi32> to vector<256x1984xi32>
    %concatenate3A_608 = tpu.concatenate %broadcast_in_dim3A_606, %slice3A_607 in 1 : vector<256x64xi32>, vector<256x1984xi32> -> vector<256x2048xi32>
    %add3A_609 = arith.addi %add3A_604, %concatenate3A_608 : vector<256x2048xi32>
    %broadcast_in_dim3A_610 = arith.constant 0 : i32
    %broadcast_in_dim3A_611 = vector.broadcast %broadcast_in_dim3A_610 : i32 to vector<256x128xi32>
    %slice3A_612 = vector.extract_strided_slice %add3A_609 {offsets = [0, 0], sizes = [256, 1920], strides = [1, 1]} : vector<256x2048xi32> to vector<256x1920xi32>
    %concatenate3A_613 = tpu.concatenate %broadcast_in_dim3A_611, %slice3A_612 in 1 : vector<256x128xi32>, vector<256x1920xi32> -> vector<256x2048xi32>
    %add3A_614 = arith.addi %add3A_609, %concatenate3A_613 : vector<256x2048xi32>
    %broadcast_in_dim3A_615 = arith.constant 0 : i32
    %broadcast_in_dim3A_616 = vector.broadcast %broadcast_in_dim3A_615 : i32 to vector<256x256xi32>
    %slice3A_617 = vector.extract_strided_slice %add3A_614 {offsets = [0, 0], sizes = [256, 1792], strides = [1, 1]} : vector<256x2048xi32> to vector<256x1792xi32>
    %concatenate3A_618 = tpu.concatenate %broadcast_in_dim3A_616, %slice3A_617 in 1 : vector<256x256xi32>, vector<256x1792xi32> -> vector<256x2048xi32>
    %add3A_619 = arith.addi %add3A_614, %concatenate3A_618 : vector<256x2048xi32>
    %broadcast_in_dim3A_620 = arith.constant 0 : i32
    %broadcast_in_dim3A_621 = vector.broadcast %broadcast_in_dim3A_620 : i32 to vector<256x512xi32>
    %slice3A_622 = vector.extract_strided_slice %add3A_619 {offsets = [0, 0], sizes = [256, 1536], strides = [1, 1]} : vector<256x2048xi32> to vector<256x1536xi32>
    %concatenate3A_623 = tpu.concatenate %broadcast_in_dim3A_621, %slice3A_622 in 1 : vector<256x512xi32>, vector<256x1536xi32> -> vector<256x2048xi32>
    %add3A_624 = arith.addi %add3A_619, %concatenate3A_623 : vector<256x2048xi32>
    %broadcast_in_dim3A_625 = arith.constant 0 : i32
    %broadcast_in_dim3A_626 = vector.broadcast %broadcast_in_dim3A_625 : i32 to vector<256x1024xi32>
    %slice3A_627 = vector.extract_strided_slice %add3A_624 {offsets = [0, 0], sizes = [256, 1024], strides = [1, 1]} : vector<256x2048xi32> to vector<256x1024xi32>
    %concatenate3A_628 = tpu.concatenate %broadcast_in_dim3A_626, %slice3A_627 in 1 : vector<256x1024xi32>, vector<256x1024xi32> -> vector<256x2048xi32>
    %add3A_629 = arith.addi %add3A_624, %concatenate3A_628 : vector<256x2048xi32>
    %get3A_630 = arith.constant 0 : index
    %get3A_631 = arith.constant 1 : index
    %get3A_632 = vector.load %arg8[%get3A_630, %get3A_631] : memref<256x8xi32, #tpu.memory_space<vmem>>, vector<256x1xi32>
    %add3A_633 = vector.broadcast %get3A_632 : vector<256x1xi32> to vector<256x2048xi32>
    %add3A_634 = arith.addi %add3A_629, %add3A_633 : vector<256x2048xi32>
    %get3A_635 = arith.constant 0 : index
    %get3A_636 = arith.constant 0 : index
    %get3A_637 = vector.load %arg10[%get3A_635, %get3A_636] : memref<256x32xi32, #tpu.memory_space<vmem>>, vector<256x1xi32>
    %le3A_638 = arith.constant 0 : i32
    %le3A_639 = vector.broadcast %le3A_638 : i32 to vector<256x2048xi32>
    %le3A_640 = arith.cmpi sle, %add3A_634, %le3A_639 : vector<256x2048xi32>
    %convert_element_type3A_641 = arith.extui %le3A_640 : vector<256x2048xi1> to vector<256x2048xi32>
    %reduce_sum3A_642 = arith.constant dense<0> : vector<256xi32>
    %reduce_sum3A_643 = vector.multi_reduction <add>, %convert_element_type3A_641, %reduce_sum3A_642 [1] : vector<256x2048xi32> to vector<256xi32>
    %broadcast_in_dim3A_644 = vector.shape_cast %reduce_sum3A_643 : vector<256xi32> to vector<256x1xi32>
    %add3A_645 = arith.addi %get3A_637, %broadcast_in_dim3A_644 : vector<256x1xi32>
    %swap3A_646 = arith.constant 0 : index
    %swap3A_647 = arith.constant 0 : index
    %swap3A_648 = vector.load %arg10[%swap3A_646, %swap3A_647] : memref<256x32xi32, #tpu.memory_space<vmem>>, vector<256x1xi32>
    tpu.vector_store %arg10[%swap3A_646, %swap3A_647], %add3A_645 {strides = array<i32>} : memref<256x32xi32, #tpu.memory_space<vmem>>, vector<256x1xi32>,
    %get3A_649 = arith.constant 0 : index
    %get3A_650 = arith.constant 1 : index
    %get3A_651 = vector.load %arg10[%get3A_649, %get3A_650] : memref<256x32xi32, #tpu.memory_space<vmem>>, vector<256x1xi32>
    %le3A_652 = arith.constant 1 : i32
    %le3A_653 = vector.broadcast %le3A_652 : i32 to vector<256x2048xi32>
    %le3A_654 = arith.cmpi sle, %add3A_634, %le3A_653 : vector<256x2048xi32>
    %convert_element_type3A_655 = arith.extui %le3A_654 : vector<256x2048xi1> to vector<256x2048xi32>
    %reduce_sum3A_656 = arith.constant dense<0> : vector<256xi32>
    %reduce_sum3A_657 = vector.multi_reduction <add>, %convert_element_type3A_655, %reduce_sum3A_656 [1] : vector<256x2048xi32> to vector<256xi32>
    %broadcast_in_dim3A_658 = vector.shape_cast %reduce_sum3A_657 : vector<256xi32> to vector<256x1xi32>
    %add3A_659 = arith.addi %get3A_651, %broadcast_in_dim3A_658 : vector<256x1xi32>
    %swap3A_660 = arith.constant 0 : index
    %swap3A_661 = arith.constant 1 : index
    %swap3A_662 = vector.load %arg10[%swap3A_660, %swap3A_661] : memref<256x32xi32, #tpu.memory_space<vmem>>, vector<256x1xi32>
    tpu.vector_store %arg10[%swap3A_660, %swap3A_661], %add3A_659 {strides = array<i32>} : memref<256x32xi32, #tpu.memory_space<vmem>>, vector<256x1xi32>,
    %get3A_663 = arith.constant 0 : index
    %get3A_664 = arith.constant 2 : index
    %get3A_665 = vector.load %arg10[%get3A_663, %get3A_664] : memref<256x32xi32, #tpu.memory_space<vmem>>, vector<256x1xi32>
    %le3A_666 = arith.constant 2 : i32
    %le3A_667 = vector.broadcast %le3A_666 : i32 to vector<256x2048xi32>
    %le3A_668 = arith.cmpi sle, %add3A_634, %le3A_667 : vector<256x2048xi32>
    %convert_element_type3A_669 = arith.extui %le3A_668 : vector<256x2048xi1> to vector<256x2048xi32>
    %reduce_sum3A_670 = arith.constant dense<0> : vector<256xi32>
    %reduce_sum3A_671 = vector.multi_reduction <add>, %convert_element_type3A_669, %reduce_sum3A_670 [1] : vector<256x2048xi32> to vector<256xi32>
    %broadcast_in_dim3A_672 = vector.shape_cast %reduce_sum3A_671 : vector<256xi32> to vector<256x1xi32>
    %add3A_673 = arith.addi %get3A_665, %broadcast_in_dim3A_672 : vector<256x1xi32>
    %swap3A_674 = arith.constant 0 : index
    %swap3A_675 = arith.constant 2 : index
    %swap3A_676 = vector.load %arg10[%swap3A_674, %swap3A_675] : memref<256x32xi32, #tpu.memory_space<vmem>>, vector<256x1xi32>
    tpu.vector_store %arg10[%swap3A_674, %swap3A_675], %add3A_673 {strides = array<i32>} : memref<256x32xi32, #tpu.memory_space<vmem>>, vector<256x1xi32>,
    %get3A_677 = arith.constant 0 : index
    %get3A_678 = arith.constant 3 : index
    %get3A_679 = vector.load %arg10[%get3A_677, %get3A_678] : memref<256x32xi32, #tpu.memory_space<vmem>>, vector<256x1xi32>
    %le3A_680 = arith.constant 3 : i32
    %le3A_681 = vector.broadcast %le3A_680 : i32 to vector<256x2048xi32>
    %le3A_682 = arith.cmpi sle, %add3A_634, %le3A_681 : vector<256x2048xi32>
    %convert_element_type3A_683 = arith.extui %le3A_682 : vector<256x2048xi1> to vector<256x2048xi32>
    %reduce_sum3A_684 = arith.constant dense<0> : vector<256xi32>
    %reduce_sum3A_685 = vector.multi_reduction <add>, %convert_element_type3A_683, %reduce_sum3A_684 [1] : vector<256x2048xi32> to vector<256xi32>
    %broadcast_in_dim3A_686 = vector.shape_cast %reduce_sum3A_685 : vector<256xi32> to vector<256x1xi32>
    %add3A_687 = arith.addi %get3A_679, %broadcast_in_dim3A_686 : vector<256x1xi32>
    %swap3A_688 = arith.constant 0 : index
    %swap3A_689 = arith.constant 3 : index
    %swap3A_690 = vector.load %arg10[%swap3A_688, %swap3A_689] : memref<256x32xi32, #tpu.memory_space<vmem>>, vector<256x1xi32>
    tpu.vector_store %arg10[%swap3A_688, %swap3A_689], %add3A_687 {strides = array<i32>} : memref<256x32xi32, #tpu.memory_space<vmem>>, vector<256x1xi32>,
    %get3A_691 = arith.constant 0 : index
    %get3A_692 = arith.constant 4 : index
    %get3A_693 = vector.load %arg10[%get3A_691, %get3A_692] : memref<256x32xi32, #tpu.memory_space<vmem>>, vector<256x1xi32>
    %le3A_694 = arith.constant 4 : i32
    %le3A_695 = vector.broadcast %le3A_694 : i32 to vector<256x2048xi32>
    %le3A_696 = arith.cmpi sle, %add3A_634, %le3A_695 : vector<256x2048xi32>
    %convert_element_type3A_697 = arith.extui %le3A_696 : vector<256x2048xi1> to vector<256x2048xi32>
    %reduce_sum3A_698 = arith.constant dense<0> : vector<256xi32>
    %reduce_sum3A_699 = vector.multi_reduction <add>, %convert_element_type3A_697, %reduce_sum3A_698 [1] : vector<256x2048xi32> to vector<256xi32>
    %broadcast_in_dim3A_700 = vector.shape_cast %reduce_sum3A_699 : vector<256xi32> to vector<256x1xi32>
    %add3A_701 = arith.addi %get3A_693, %broadcast_in_dim3A_700 : vector<256x1xi32>
    %swap3A_702 = arith.constant 0 : index
    %swap3A_703 = arith.constant 4 : index
    %swap3A_704 = vector.load %arg10[%swap3A_702, %swap3A_703] : memref<256x32xi32, #tpu.memory_space<vmem>>, vector<256x1xi32>
    tpu.vector_store %arg10[%swap3A_702, %swap3A_703], %add3A_701 {strides = array<i32>} : memref<256x32xi32, #tpu.memory_space<vmem>>, vector<256x1xi32>,
    %get3A_705 = arith.constant 0 : index
    %get3A_706 = arith.constant 5 : index
    %get3A_707 = vector.load %arg10[%get3A_705, %get3A_706] : memref<256x32xi32, #tpu.memory_space<vmem>>, vector<256x1xi32>
    %le3A_708 = arith.constant 5 : i32
    %le3A_709 = vector.broadcast %le3A_708 : i32 to vector<256x2048xi32>
    %le3A_710 = arith.cmpi sle, %add3A_634, %le3A_709 : vector<256x2048xi32>
    %convert_element_type3A_711 = arith.extui %le3A_710 : vector<256x2048xi1> to vector<256x2048xi32>
    %reduce_sum3A_712 = arith.constant dense<0> : vector<256xi32>
    %reduce_sum3A_713 = vector.multi_reduction <add>, %convert_element_type3A_711, %reduce_sum3A_712 [1] : vector<256x2048xi32> to vector<256xi32>
    %broadcast_in_dim3A_714 = vector.shape_cast %reduce_sum3A_713 : vector<256xi32> to vector<256x1xi32>
    %add3A_715 = arith.addi %get3A_707, %broadcast_in_dim3A_714 : vector<256x1xi32>
    %swap3A_716 = arith.constant 0 : index
    %swap3A_717 = arith.constant 5 : index
    %swap3A_718 = vector.load %arg10[%swap3A_716, %swap3A_717] : memref<256x32xi32, #tpu.memory_space<vmem>>, vector<256x1xi32>
    tpu.vector_store %arg10[%swap3A_716, %swap3A_717], %add3A_715 {strides = array<i32>} : memref<256x32xi32, #tpu.memory_space<vmem>>, vector<256x1xi32>,
    %get3A_719 = arith.constant 0 : index
    %get3A_720 = arith.constant 6 : index
    %get3A_721 = vector.load %arg10[%get3A_719, %get3A_720] : memref<256x32xi32, #tpu.memory_space<vmem>>, vector<256x1xi32>
    %le3A_722 = arith.constant 6 : i32
    %le3A_723 = vector.broadcast %le3A_722 : i32 to vector<256x2048xi32>
    %le3A_724 = arith.cmpi sle, %add3A_634, %le3A_723 : vector<256x2048xi32>
    %convert_element_type3A_725 = arith.extui %le3A_724 : vector<256x2048xi1> to vector<256x2048xi32>
    %reduce_sum3A_726 = arith.constant dense<0> : vector<256xi32>
    %reduce_sum3A_727 = vector.multi_reduction <add>, %convert_element_type3A_725, %reduce_sum3A_726 [1] : vector<256x2048xi32> to vector<256xi32>
    %broadcast_in_dim3A_728 = vector.shape_cast %reduce_sum3A_727 : vector<256xi32> to vector<256x1xi32>
    %add3A_729 = arith.addi %get3A_721, %broadcast_in_dim3A_728 : vector<256x1xi32>
    %swap3A_730 = arith.constant 0 : index
    %swap3A_731 = arith.constant 6 : index
    %swap3A_732 = vector.load %arg10[%swap3A_730, %swap3A_731] : memref<256x32xi32, #tpu.memory_space<vmem>>, vector<256x1xi32>
    tpu.vector_store %arg10[%swap3A_730, %swap3A_731], %add3A_729 {strides = array<i32>} : memref<256x32xi32, #tpu.memory_space<vmem>>, vector<256x1xi32>,
    %get3A_733 = arith.constant 0 : index
    %get3A_734 = arith.constant 7 : index
    %get3A_735 = vector.load %arg10[%get3A_733, %get3A_734] : memref<256x32xi32, #tpu.memory_space<vmem>>, vector<256x1xi32>
    %le3A_736 = arith.constant 7 : i32
    %le3A_737 = vector.broadcast %le3A_736 : i32 to vector<256x2048xi32>
    %le3A_738 = arith.cmpi sle, %add3A_634, %le3A_737 : vector<256x2048xi32>
    %convert_element_type3A_739 = arith.extui %le3A_738 : vector<256x2048xi1> to vector<256x2048xi32>
    %reduce_sum3A_740 = arith.constant dense<0> : vector<256xi32>
    %reduce_sum3A_741 = vector.multi_reduction <add>, %convert_element_type3A_739, %reduce_sum3A_740 [1] : vector<256x2048xi32> to vector<256xi32>
    %broadcast_in_dim3A_742 = vector.shape_cast %reduce_sum3A_741 : vector<256xi32> to vector<256x1xi32>
    %add3A_743 = arith.addi %get3A_735, %broadcast_in_dim3A_742 : vector<256x1xi32>
    %swap3A_744 = arith.constant 0 : index
    %swap3A_745 = arith.constant 7 : index
    %swap3A_746 = vector.load %arg10[%swap3A_744, %swap3A_745] : memref<256x32xi32, #tpu.memory_space<vmem>>, vector<256x1xi32>
    tpu.vector_store %arg10[%swap3A_744, %swap3A_745], %add3A_743 {strides = array<i32>} : memref<256x32xi32, #tpu.memory_space<vmem>>, vector<256x1xi32>,
    %get3A_747 = arith.constant 0 : index
    %get3A_748 = arith.constant 8 : index
    %get3A_749 = vector.load %arg10[%get3A_747, %get3A_748] : memref<256x32xi32, #tpu.memory_space<vmem>>, vector<256x1xi32>
    %le3A_750 = arith.constant 8 : i32
    %le3A_751 = vector.broadcast %le3A_750 : i32 to vector<256x2048xi32>
    %le3A_752 = arith.cmpi sle, %add3A_634, %le3A_751 : vector<256x2048xi32>
    %convert_element_type3A_753 = arith.extui %le3A_752 : vector<256x2048xi1> to vector<256x2048xi32>
    %reduce_sum3A_754 = arith.constant dense<0> : vector<256xi32>
    %reduce_sum3A_755 = vector.multi_reduction <add>, %convert_element_type3A_753, %reduce_sum3A_754 [1] : vector<256x2048xi32> to vector<256xi32>
    %broadcast_in_dim3A_756 = vector.shape_cast %reduce_sum3A_755 : vector<256xi32> to vector<256x1xi32>
    %add3A_757 = arith.addi %get3A_749, %broadcast_in_dim3A_756 : vector<256x1xi32>
    %swap3A_758 = arith.constant 0 : index
    %swap3A_759 = arith.constant 8 : index
    %swap3A_760 = vector.load %arg10[%swap3A_758, %swap3A_759] : memref<256x32xi32, #tpu.memory_space<vmem>>, vector<256x1xi32>
    tpu.vector_store %arg10[%swap3A_758, %swap3A_759], %add3A_757 {strides = array<i32>} : memref<256x32xi32, #tpu.memory_space<vmem>>, vector<256x1xi32>,
    %get3A_761 = arith.constant 0 : index
    %get3A_762 = arith.constant 9 : index
    %get3A_763 = vector.load %arg10[%get3A_761, %get3A_762] : memref<256x32xi32, #tpu.memory_space<vmem>>, vector<256x1xi32>
    %le3A_764 = arith.constant 9 : i32
    %le3A_765 = vector.broadcast %le3A_764 : i32 to vector<256x2048xi32>
    %le3A_766 = arith.cmpi sle, %add3A_634, %le3A_765 : vector<256x2048xi32>
    %convert_element_type3A_767 = arith.extui %le3A_766 : vector<256x2048xi1> to vector<256x2048xi32>
    %reduce_sum3A_768 = arith.constant dense<0> : vector<256xi32>
    %reduce_sum3A_769 = vector.multi_reduction <add>, %convert_element_type3A_767, %reduce_sum3A_768 [1] : vector<256x2048xi32> to vector<256xi32>
    %broadcast_in_dim3A_770 = vector.shape_cast %reduce_sum3A_769 : vector<256xi32> to vector<256x1xi32>
    %add3A_771 = arith.addi %get3A_763, %broadcast_in_dim3A_770 : vector<256x1xi32>
    %swap3A_772 = arith.constant 0 : index
    %swap3A_773 = arith.constant 9 : index
    %swap3A_774 = vector.load %arg10[%swap3A_772, %swap3A_773] : memref<256x32xi32, #tpu.memory_space<vmem>>, vector<256x1xi32>
    tpu.vector_store %arg10[%swap3A_772, %swap3A_773], %add3A_771 {strides = array<i32>} : memref<256x32xi32, #tpu.memory_space<vmem>>, vector<256x1xi32>,
    %get3A_775 = arith.constant 0 : index
    %get3A_776 = arith.constant 10 : index
    %get3A_777 = vector.load %arg10[%get3A_775, %get3A_776] : memref<256x32xi32, #tpu.memory_space<vmem>>, vector<256x1xi32>
    %le3A_778 = arith.constant 10 : i32
    %le3A_779 = vector.broadcast %le3A_778 : i32 to vector<256x2048xi32>
    %le3A_780 = arith.cmpi sle, %add3A_634, %le3A_779 : vector<256x2048xi32>
    %convert_element_type3A_781 = arith.extui %le3A_780 : vector<256x2048xi1> to vector<256x2048xi32>
    %reduce_sum3A_782 = arith.constant dense<0> : vector<256xi32>
    %reduce_sum3A_783 = vector.multi_reduction <add>, %convert_element_type3A_781, %reduce_sum3A_782 [1] : vector<256x2048xi32> to vector<256xi32>
    %broadcast_in_dim3A_784 = vector.shape_cast %reduce_sum3A_783 : vector<256xi32> to vector<256x1xi32>
    %add3A_785 = arith.addi %get3A_777, %broadcast_in_dim3A_784 : vector<256x1xi32>
    %swap3A_786 = arith.constant 0 : index
    %swap3A_787 = arith.constant 10 : index
    %swap3A_788 = vector.load %arg10[%swap3A_786, %swap3A_787] : memref<256x32xi32, #tpu.memory_space<vmem>>, vector<256x1xi32>
    tpu.vector_store %arg10[%swap3A_786, %swap3A_787], %add3A_785 {strides = array<i32>} : memref<256x32xi32, #tpu.memory_space<vmem>>, vector<256x1xi32>,
    %get3A_789 = arith.constant 0 : index
    %get3A_790 = arith.constant 11 : index
    %get3A_791 = vector.load %arg10[%get3A_789, %get3A_790] : memref<256x32xi32, #tpu.memory_space<vmem>>, vector<256x1xi32>
    %le3A_792 = arith.constant 11 : i32
    %le3A_793 = vector.broadcast %le3A_792 : i32 to vector<256x2048xi32>
    %le3A_794 = arith.cmpi sle, %add3A_634, %le3A_793 : vector<256x2048xi32>
    %convert_element_type3A_795 = arith.extui %le3A_794 : vector<256x2048xi1> to vector<256x2048xi32>
    %reduce_sum3A_796 = arith.constant dense<0> : vector<256xi32>
    %reduce_sum3A_797 = vector.multi_reduction <add>, %convert_element_type3A_795, %reduce_sum3A_796 [1] : vector<256x2048xi32> to vector<256xi32>
    %broadcast_in_dim3A_798 = vector.shape_cast %reduce_sum3A_797 : vector<256xi32> to vector<256x1xi32>
    %add3A_799 = arith.addi %get3A_791, %broadcast_in_dim3A_798 : vector<256x1xi32>
    %swap3A_800 = arith.constant 0 : index
    %swap3A_801 = arith.constant 11 : index
    %swap3A_802 = vector.load %arg10[%swap3A_800, %swap3A_801] : memref<256x32xi32, #tpu.memory_space<vmem>>, vector<256x1xi32>
    tpu.vector_store %arg10[%swap3A_800, %swap3A_801], %add3A_799 {strides = array<i32>} : memref<256x32xi32, #tpu.memory_space<vmem>>, vector<256x1xi32>,
    %get3A_803 = arith.constant 0 : index
    %get3A_804 = arith.constant 12 : index
    %get3A_805 = vector.load %arg10[%get3A_803, %get3A_804] : memref<256x32xi32, #tpu.memory_space<vmem>>, vector<256x1xi32>
    %le3A_806 = arith.constant 12 : i32
    %le3A_807 = vector.broadcast %le3A_806 : i32 to vector<256x2048xi32>
    %le3A_808 = arith.cmpi sle, %add3A_634, %le3A_807 : vector<256x2048xi32>
    %convert_element_type3A_809 = arith.extui %le3A_808 : vector<256x2048xi1> to vector<256x2048xi32>
    %reduce_sum3A_810 = arith.constant dense<0> : vector<256xi32>
    %reduce_sum3A_811 = vector.multi_reduction <add>, %convert_element_type3A_809, %reduce_sum3A_810 [1] : vector<256x2048xi32> to vector<256xi32>
    %broadcast_in_dim3A_812 = vector.shape_cast %reduce_sum3A_811 : vector<256xi32> to vector<256x1xi32>
    %add3A_813 = arith.addi %get3A_805, %broadcast_in_dim3A_812 : vector<256x1xi32>
    %swap3A_814 = arith.constant 0 : index
    %swap3A_815 = arith.constant 12 : index
    %swap3A_816 = vector.load %arg10[%swap3A_814, %swap3A_815] : memref<256x32xi32, #tpu.memory_space<vmem>>, vector<256x1xi32>
    tpu.vector_store %arg10[%swap3A_814, %swap3A_815], %add3A_813 {strides = array<i32>} : memref<256x32xi32, #tpu.memory_space<vmem>>, vector<256x1xi32>,
    %get3A_817 = arith.constant 0 : index
    %get3A_818 = arith.constant 13 : index
    %get3A_819 = vector.load %arg10[%get3A_817, %get3A_818] : memref<256x32xi32, #tpu.memory_space<vmem>>, vector<256x1xi32>
    %le3A_820 = arith.constant 13 : i32
    %le3A_821 = vector.broadcast %le3A_820 : i32 to vector<256x2048xi32>
    %le3A_822 = arith.cmpi sle, %add3A_634, %le3A_821 : vector<256x2048xi32>
    %convert_element_type3A_823 = arith.extui %le3A_822 : vector<256x2048xi1> to vector<256x2048xi32>
    %reduce_sum3A_824 = arith.constant dense<0> : vector<256xi32>
    %reduce_sum3A_825 = vector.multi_reduction <add>, %convert_element_type3A_823, %reduce_sum3A_824 [1] : vector<256x2048xi32> to vector<256xi32>
    %broadcast_in_dim3A_826 = vector.shape_cast %reduce_sum3A_825 : vector<256xi32> to vector<256x1xi32>
    %add3A_827 = arith.addi %get3A_819, %broadcast_in_dim3A_826 : vector<256x1xi32>
    %swap3A_828 = arith.constant 0 : index
    %swap3A_829 = arith.constant 13 : index
    %swap3A_830 = vector.load %arg10[%swap3A_828, %swap3A_829] : memref<256x32xi32, #tpu.memory_space<vmem>>, vector<256x1xi32>
    tpu.vector_store %arg10[%swap3A_828, %swap3A_829], %add3A_827 {strides = array<i32>} : memref<256x32xi32, #tpu.memory_space<vmem>>, vector<256x1xi32>,
    %get3A_831 = arith.constant 0 : index
    %get3A_832 = arith.constant 14 : index
    %get3A_833 = vector.load %arg10[%get3A_831, %get3A_832] : memref<256x32xi32, #tpu.memory_space<vmem>>, vector<256x1xi32>
    %le3A_834 = arith.constant 14 : i32
    %le3A_835 = vector.broadcast %le3A_834 : i32 to vector<256x2048xi32>
    %le3A_836 = arith.cmpi sle, %add3A_634, %le3A_835 : vector<256x2048xi32>
    %convert_element_type3A_837 = arith.extui %le3A_836 : vector<256x2048xi1> to vector<256x2048xi32>
    %reduce_sum3A_838 = arith.constant dense<0> : vector<256xi32>
    %reduce_sum3A_839 = vector.multi_reduction <add>, %convert_element_type3A_837, %reduce_sum3A_838 [1] : vector<256x2048xi32> to vector<256xi32>
    %broadcast_in_dim3A_840 = vector.shape_cast %reduce_sum3A_839 : vector<256xi32> to vector<256x1xi32>
    %add3A_841 = arith.addi %get3A_833, %broadcast_in_dim3A_840 : vector<256x1xi32>
    %swap3A_842 = arith.constant 0 : index
    %swap3A_843 = arith.constant 14 : index
    %swap3A_844 = vector.load %arg10[%swap3A_842, %swap3A_843] : memref<256x32xi32, #tpu.memory_space<vmem>>, vector<256x1xi32>
    tpu.vector_store %arg10[%swap3A_842, %swap3A_843], %add3A_841 {strides = array<i32>} : memref<256x32xi32, #tpu.memory_space<vmem>>, vector<256x1xi32>,
    %get3A_845 = arith.constant 0 : index
    %get3A_846 = arith.constant 15 : index
    %get3A_847 = vector.load %arg10[%get3A_845, %get3A_846] : memref<256x32xi32, #tpu.memory_space<vmem>>, vector<256x1xi32>
    %le3A_848 = arith.constant 15 : i32
    %le3A_849 = vector.broadcast %le3A_848 : i32 to vector<256x2048xi32>
    %le3A_850 = arith.cmpi sle, %add3A_634, %le3A_849 : vector<256x2048xi32>
    %convert_element_type3A_851 = arith.extui %le3A_850 : vector<256x2048xi1> to vector<256x2048xi32>
    %reduce_sum3A_852 = arith.constant dense<0> : vector<256xi32>
    %reduce_sum3A_853 = vector.multi_reduction <add>, %convert_element_type3A_851, %reduce_sum3A_852 [1] : vector<256x2048xi32> to vector<256xi32>
    %broadcast_in_dim3A_854 = vector.shape_cast %reduce_sum3A_853 : vector<256xi32> to vector<256x1xi32>
    %add3A_855 = arith.addi %get3A_847, %broadcast_in_dim3A_854 : vector<256x1xi32>
    %swap3A_856 = arith.constant 0 : index
    %swap3A_857 = arith.constant 15 : index
    %swap3A_858 = vector.load %arg10[%swap3A_856, %swap3A_857] : memref<256x32xi32, #tpu.memory_space<vmem>>, vector<256x1xi32>
    tpu.vector_store %arg10[%swap3A_856, %swap3A_857], %add3A_855 {strides = array<i32>} : memref<256x32xi32, #tpu.memory_space<vmem>>, vector<256x1xi32>,
    %get3A_859 = arith.constant 0 : index
    %get3A_860 = arith.constant 16 : index
    %get3A_861 = vector.load %arg10[%get3A_859, %get3A_860] : memref<256x32xi32, #tpu.memory_space<vmem>>, vector<256x1xi32>
    %le3A_862 = arith.constant 16 : i32
    %le3A_863 = vector.broadcast %le3A_862 : i32 to vector<256x2048xi32>
    %le3A_864 = arith.cmpi sle, %add3A_634, %le3A_863 : vector<256x2048xi32>
    %convert_element_type3A_865 = arith.extui %le3A_864 : vector<256x2048xi1> to vector<256x2048xi32>
    %reduce_sum3A_866 = arith.constant dense<0> : vector<256xi32>
    %reduce_sum3A_867 = vector.multi_reduction <add>, %convert_element_type3A_865, %reduce_sum3A_866 [1] : vector<256x2048xi32> to vector<256xi32>
    %broadcast_in_dim3A_868 = vector.shape_cast %reduce_sum3A_867 : vector<256xi32> to vector<256x1xi32>
    %add3A_869 = arith.addi %get3A_861, %broadcast_in_dim3A_868 : vector<256x1xi32>
    %swap3A_870 = arith.constant 0 : index
    %swap3A_871 = arith.constant 16 : index
    %swap3A_872 = vector.load %arg10[%swap3A_870, %swap3A_871] : memref<256x32xi32, #tpu.memory_space<vmem>>, vector<256x1xi32>
    tpu.vector_store %arg10[%swap3A_870, %swap3A_871], %add3A_869 {strides = array<i32>} : memref<256x32xi32, #tpu.memory_space<vmem>>, vector<256x1xi32>,
    %get3A_873 = arith.constant 0 : index
    %get3A_874 = arith.constant 17 : index
    %get3A_875 = vector.load %arg10[%get3A_873, %get3A_874] : memref<256x32xi32, #tpu.memory_space<vmem>>, vector<256x1xi32>
    %le3A_876 = arith.constant 17 : i32
    %le3A_877 = vector.broadcast %le3A_876 : i32 to vector<256x2048xi32>
    %le3A_878 = arith.cmpi sle, %add3A_634, %le3A_877 : vector<256x2048xi32>
    %convert_element_type3A_879 = arith.extui %le3A_878 : vector<256x2048xi1> to vector<256x2048xi32>
    %reduce_sum3A_880 = arith.constant dense<0> : vector<256xi32>
    %reduce_sum3A_881 = vector.multi_reduction <add>, %convert_element_type3A_879, %reduce_sum3A_880 [1] : vector<256x2048xi32> to vector<256xi32>
    %broadcast_in_dim3A_882 = vector.shape_cast %reduce_sum3A_881 : vector<256xi32> to vector<256x1xi32>
    %add3A_883 = arith.addi %get3A_875, %broadcast_in_dim3A_882 : vector<256x1xi32>
    %swap3A_884 = arith.constant 0 : index
    %swap3A_885 = arith.constant 17 : index
    %swap3A_886 = vector.load %arg10[%swap3A_884, %swap3A_885] : memref<256x32xi32, #tpu.memory_space<vmem>>, vector<256x1xi32>
    tpu.vector_store %arg10[%swap3A_884, %swap3A_885], %add3A_883 {strides = array<i32>} : memref<256x32xi32, #tpu.memory_space<vmem>>, vector<256x1xi32>,
    %get3A_887 = arith.constant 0 : index
    %get3A_888 = arith.constant 18 : index
    %get3A_889 = vector.load %arg10[%get3A_887, %get3A_888] : memref<256x32xi32, #tpu.memory_space<vmem>>, vector<256x1xi32>
    %le3A_890 = arith.constant 18 : i32
    %le3A_891 = vector.broadcast %le3A_890 : i32 to vector<256x2048xi32>
    %le3A_892 = arith.cmpi sle, %add3A_634, %le3A_891 : vector<256x2048xi32>
    %convert_element_type3A_893 = arith.extui %le3A_892 : vector<256x2048xi1> to vector<256x2048xi32>
    %reduce_sum3A_894 = arith.constant dense<0> : vector<256xi32>
    %reduce_sum3A_895 = vector.multi_reduction <add>, %convert_element_type3A_893, %reduce_sum3A_894 [1] : vector<256x2048xi32> to vector<256xi32>
    %broadcast_in_dim3A_896 = vector.shape_cast %reduce_sum3A_895 : vector<256xi32> to vector<256x1xi32>
    %add3A_897 = arith.addi %get3A_889, %broadcast_in_dim3A_896 : vector<256x1xi32>
    %swap3A_898 = arith.constant 0 : index
    %swap3A_899 = arith.constant 18 : index
    %swap3A_900 = vector.load %arg10[%swap3A_898, %swap3A_899] : memref<256x32xi32, #tpu.memory_space<vmem>>, vector<256x1xi32>
    tpu.vector_store %arg10[%swap3A_898, %swap3A_899], %add3A_897 {strides = array<i32>} : memref<256x32xi32, #tpu.memory_space<vmem>>, vector<256x1xi32>,
    %get3A_901 = arith.constant 0 : index
    %get3A_902 = arith.constant 19 : index
    %get3A_903 = vector.load %arg10[%get3A_901, %get3A_902] : memref<256x32xi32, #tpu.memory_space<vmem>>, vector<256x1xi32>
    %le3A_904 = arith.constant 19 : i32
    %le3A_905 = vector.broadcast %le3A_904 : i32 to vector<256x2048xi32>
    %le3A_906 = arith.cmpi sle, %add3A_634, %le3A_905 : vector<256x2048xi32>
    %convert_element_type3A_907 = arith.extui %le3A_906 : vector<256x2048xi1> to vector<256x2048xi32>
    %reduce_sum3A_908 = arith.constant dense<0> : vector<256xi32>
    %reduce_sum3A_909 = vector.multi_reduction <add>, %convert_element_type3A_907, %reduce_sum3A_908 [1] : vector<256x2048xi32> to vector<256xi32>
    %broadcast_in_dim3A_910 = vector.shape_cast %reduce_sum3A_909 : vector<256xi32> to vector<256x1xi32>
    %add3A_911 = arith.addi %get3A_903, %broadcast_in_dim3A_910 : vector<256x1xi32>
    %swap3A_912 = arith.constant 0 : index
    %swap3A_913 = arith.constant 19 : index
    %swap3A_914 = vector.load %arg10[%swap3A_912, %swap3A_913] : memref<256x32xi32, #tpu.memory_space<vmem>>, vector<256x1xi32>
    tpu.vector_store %arg10[%swap3A_912, %swap3A_913], %add3A_911 {strides = array<i32>} : memref<256x32xi32, #tpu.memory_space<vmem>>, vector<256x1xi32>,
    %get3A_915 = arith.constant 0 : index
    %get3A_916 = arith.constant 20 : index
    %get3A_917 = vector.load %arg10[%get3A_915, %get3A_916] : memref<256x32xi32, #tpu.memory_space<vmem>>, vector<256x1xi32>
    %le3A_918 = arith.constant 20 : i32
    %le3A_919 = vector.broadcast %le3A_918 : i32 to vector<256x2048xi32>
    %le3A_920 = arith.cmpi sle, %add3A_634, %le3A_919 : vector<256x2048xi32>
    %convert_element_type3A_921 = arith.extui %le3A_920 : vector<256x2048xi1> to vector<256x2048xi32>
    %reduce_sum3A_922 = arith.constant dense<0> : vector<256xi32>
    %reduce_sum3A_923 = vector.multi_reduction <add>, %convert_element_type3A_921, %reduce_sum3A_922 [1] : vector<256x2048xi32> to vector<256xi32>
    %broadcast_in_dim3A_924 = vector.shape_cast %reduce_sum3A_923 : vector<256xi32> to vector<256x1xi32>
    %add3A_925 = arith.addi %get3A_917, %broadcast_in_dim3A_924 : vector<256x1xi32>
    %swap3A_926 = arith.constant 0 : index
    %swap3A_927 = arith.constant 20 : index
    %swap3A_928 = vector.load %arg10[%swap3A_926, %swap3A_927] : memref<256x32xi32, #tpu.memory_space<vmem>>, vector<256x1xi32>
    tpu.vector_store %arg10[%swap3A_926, %swap3A_927], %add3A_925 {strides = array<i32>} : memref<256x32xi32, #tpu.memory_space<vmem>>, vector<256x1xi32>,
    %get3A_929 = arith.constant 0 : index
    %get3A_930 = arith.constant 21 : index
    %get3A_931 = vector.load %arg10[%get3A_929, %get3A_930] : memref<256x32xi32, #tpu.memory_space<vmem>>, vector<256x1xi32>
    %le3A_932 = arith.constant 21 : i32
    %le3A_933 = vector.broadcast %le3A_932 : i32 to vector<256x2048xi32>
    %le3A_934 = arith.cmpi sle, %add3A_634, %le3A_933 : vector<256x2048xi32>
    %convert_element_type3A_935 = arith.extui %le3A_934 : vector<256x2048xi1> to vector<256x2048xi32>
    %reduce_sum3A_936 = arith.constant dense<0> : vector<256xi32>
    %reduce_sum3A_937 = vector.multi_reduction <add>, %convert_element_type3A_935, %reduce_sum3A_936 [1] : vector<256x2048xi32> to vector<256xi32>
    %broadcast_in_dim3A_938 = vector.shape_cast %reduce_sum3A_937 : vector<256xi32> to vector<256x1xi32>
    %add3A_939 = arith.addi %get3A_931, %broadcast_in_dim3A_938 : vector<256x1xi32>
    %swap3A_940 = arith.constant 0 : index
    %swap3A_941 = arith.constant 21 : index
    %swap3A_942 = vector.load %arg10[%swap3A_940, %swap3A_941] : memref<256x32xi32, #tpu.memory_space<vmem>>, vector<256x1xi32>
    tpu.vector_store %arg10[%swap3A_940, %swap3A_941], %add3A_939 {strides = array<i32>} : memref<256x32xi32, #tpu.memory_space<vmem>>, vector<256x1xi32>,
    %get3A_943 = arith.constant 0 : index
    %get3A_944 = arith.constant 22 : index
    %get3A_945 = vector.load %arg10[%get3A_943, %get3A_944] : memref<256x32xi32, #tpu.memory_space<vmem>>, vector<256x1xi32>
    %le3A_946 = arith.constant 22 : i32
    %le3A_947 = vector.broadcast %le3A_946 : i32 to vector<256x2048xi32>
    %le3A_948 = arith.cmpi sle, %add3A_634, %le3A_947 : vector<256x2048xi32>
    %convert_element_type3A_949 = arith.extui %le3A_948 : vector<256x2048xi1> to vector<256x2048xi32>
    %reduce_sum3A_950 = arith.constant dense<0> : vector<256xi32>
    %reduce_sum3A_951 = vector.multi_reduction <add>, %convert_element_type3A_949, %reduce_sum3A_950 [1] : vector<256x2048xi32> to vector<256xi32>
    %broadcast_in_dim3A_952 = vector.shape_cast %reduce_sum3A_951 : vector<256xi32> to vector<256x1xi32>
    %add3A_953 = arith.addi %get3A_945, %broadcast_in_dim3A_952 : vector<256x1xi32>
    %swap3A_954 = arith.constant 0 : index
    %swap3A_955 = arith.constant 22 : index
    %swap3A_956 = vector.load %arg10[%swap3A_954, %swap3A_955] : memref<256x32xi32, #tpu.memory_space<vmem>>, vector<256x1xi32>
    tpu.vector_store %arg10[%swap3A_954, %swap3A_955], %add3A_953 {strides = array<i32>} : memref<256x32xi32, #tpu.memory_space<vmem>>, vector<256x1xi32>,
    %get3A_957 = arith.constant 0 : index
    %get3A_958 = arith.constant 23 : index
    %get3A_959 = vector.load %arg10[%get3A_957, %get3A_958] : memref<256x32xi32, #tpu.memory_space<vmem>>, vector<256x1xi32>
    %le3A_960 = arith.constant 23 : i32
    %le3A_961 = vector.broadcast %le3A_960 : i32 to vector<256x2048xi32>
    %le3A_962 = arith.cmpi sle, %add3A_634, %le3A_961 : vector<256x2048xi32>
    %convert_element_type3A_963 = arith.extui %le3A_962 : vector<256x2048xi1> to vector<256x2048xi32>
    %reduce_sum3A_964 = arith.constant dense<0> : vector<256xi32>
    %reduce_sum3A_965 = vector.multi_reduction <add>, %convert_element_type3A_963, %reduce_sum3A_964 [1] : vector<256x2048xi32> to vector<256xi32>
    %broadcast_in_dim3A_966 = vector.shape_cast %reduce_sum3A_965 : vector<256xi32> to vector<256x1xi32>
    %add3A_967 = arith.addi %get3A_959, %broadcast_in_dim3A_966 : vector<256x1xi32>
    %swap3A_968 = arith.constant 0 : index
    %swap3A_969 = arith.constant 23 : index
    %swap3A_970 = vector.load %arg10[%swap3A_968, %swap3A_969] : memref<256x32xi32, #tpu.memory_space<vmem>>, vector<256x1xi32>
    tpu.vector_store %arg10[%swap3A_968, %swap3A_969], %add3A_967 {strides = array<i32>} : memref<256x32xi32, #tpu.memory_space<vmem>>, vector<256x1xi32>,
    %get3A_971 = arith.constant 0 : index
    %get3A_972 = arith.constant 24 : index
    %get3A_973 = vector.load %arg10[%get3A_971, %get3A_972] : memref<256x32xi32, #tpu.memory_space<vmem>>, vector<256x1xi32>
    %le3A_974 = arith.constant 24 : i32
    %le3A_975 = vector.broadcast %le3A_974 : i32 to vector<256x2048xi32>
    %le3A_976 = arith.cmpi sle, %add3A_634, %le3A_975 : vector<256x2048xi32>
    %convert_element_type3A_977 = arith.extui %le3A_976 : vector<256x2048xi1> to vector<256x2048xi32>
    %reduce_sum3A_978 = arith.constant dense<0> : vector<256xi32>
    %reduce_sum3A_979 = vector.multi_reduction <add>, %convert_element_type3A_977, %reduce_sum3A_978 [1] : vector<256x2048xi32> to vector<256xi32>
    %broadcast_in_dim3A_980 = vector.shape_cast %reduce_sum3A_979 : vector<256xi32> to vector<256x1xi32>
    %add3A_981 = arith.addi %get3A_973, %broadcast_in_dim3A_980 : vector<256x1xi32>
    %swap3A_982 = arith.constant 0 : index
    %swap3A_983 = arith.constant 24 : index
    %swap3A_984 = vector.load %arg10[%swap3A_982, %swap3A_983] : memref<256x32xi32, #tpu.memory_space<vmem>>, vector<256x1xi32>
    tpu.vector_store %arg10[%swap3A_982, %swap3A_983], %add3A_981 {strides = array<i32>} : memref<256x32xi32, #tpu.memory_space<vmem>>, vector<256x1xi32>,
    %get3A_985 = arith.constant 0 : index
    %get3A_986 = arith.constant 25 : index
    %get3A_987 = vector.load %arg10[%get3A_985, %get3A_986] : memref<256x32xi32, #tpu.memory_space<vmem>>, vector<256x1xi32>
    %le3A_988 = arith.constant 25 : i32
    %le3A_989 = vector.broadcast %le3A_988 : i32 to vector<256x2048xi32>
    %le3A_990 = arith.cmpi sle, %add3A_634, %le3A_989 : vector<256x2048xi32>
    %convert_element_type3A_991 = arith.extui %le3A_990 : vector<256x2048xi1> to vector<256x2048xi32>
    %reduce_sum3A_992 = arith.constant dense<0> : vector<256xi32>
    %reduce_sum3A_993 = vector.multi_reduction <add>, %convert_element_type3A_991, %reduce_sum3A_992 [1] : vector<256x2048xi32> to vector<256xi32>
    %broadcast_in_dim3A_994 = vector.shape_cast %reduce_sum3A_993 : vector<256xi32> to vector<256x1xi32>
    %add3A_995 = arith.addi %get3A_987, %broadcast_in_dim3A_994 : vector<256x1xi32>
    %swap3A_996 = arith.constant 0 : index
    %swap3A_997 = arith.constant 25 : index
    %swap3A_998 = vector.load %arg10[%swap3A_996, %swap3A_997] : memref<256x32xi32, #tpu.memory_space<vmem>>, vector<256x1xi32>
    tpu.vector_store %arg10[%swap3A_996, %swap3A_997], %add3A_995 {strides = array<i32>} : memref<256x32xi32, #tpu.memory_space<vmem>>, vector<256x1xi32>,
    %get3A_999 = arith.constant 0 : index
    %get3A_1000 = arith.constant 26 : index
    %get3A_1001 = vector.load %arg10[%get3A_999, %get3A_1000] : memref<256x32xi32, #tpu.memory_space<vmem>>, vector<256x1xi32>
    %le3A_1002 = arith.constant 26 : i32
    %le3A_1003 = vector.broadcast %le3A_1002 : i32 to vector<256x2048xi32>
    %le3A_1004 = arith.cmpi sle, %add3A_634, %le3A_1003 : vector<256x2048xi32>
    %convert_element_type3A_1005 = arith.extui %le3A_1004 : vector<256x2048xi1> to vector<256x2048xi32>
    %reduce_sum3A_1006 = arith.constant dense<0> : vector<256xi32>
    %reduce_sum3A_1007 = vector.multi_reduction <add>, %convert_element_type3A_1005, %reduce_sum3A_1006 [1] : vector<256x2048xi32> to vector<256xi32>
    %broadcast_in_dim3A_1008 = vector.shape_cast %reduce_sum3A_1007 : vector<256xi32> to vector<256x1xi32>
    %add3A_1009 = arith.addi %get3A_1001, %broadcast_in_dim3A_1008 : vector<256x1xi32>
    %swap3A_1010 = arith.constant 0 : index
    %swap3A_1011 = arith.constant 26 : index
    %swap3A_1012 = vector.load %arg10[%swap3A_1010, %swap3A_1011] : memref<256x32xi32, #tpu.memory_space<vmem>>, vector<256x1xi32>
    tpu.vector_store %arg10[%swap3A_1010, %swap3A_1011], %add3A_1009 {strides = array<i32>} : memref<256x32xi32, #tpu.memory_space<vmem>>, vector<256x1xi32>,
    %get3A_1013 = arith.constant 0 : index
    %get3A_1014 = arith.constant 27 : index
    %get3A_1015 = vector.load %arg10[%get3A_1013, %get3A_1014] : memref<256x32xi32, #tpu.memory_space<vmem>>, vector<256x1xi32>
    %le3A_1016 = arith.constant 27 : i32
    %le3A_1017 = vector.broadcast %le3A_1016 : i32 to vector<256x2048xi32>
    %le3A_1018 = arith.cmpi sle, %add3A_634, %le3A_1017 : vector<256x2048xi32>
    %convert_element_type3A_1019 = arith.extui %le3A_1018 : vector<256x2048xi1> to vector<256x2048xi32>
    %reduce_sum3A_1020 = arith.constant dense<0> : vector<256xi32>
    %reduce_sum3A_1021 = vector.multi_reduction <add>, %convert_element_type3A_1019, %reduce_sum3A_1020 [1] : vector<256x2048xi32> to vector<256xi32>
    %broadcast_in_dim3A_1022 = vector.shape_cast %reduce_sum3A_1021 : vector<256xi32> to vector<256x1xi32>
    %add3A_1023 = arith.addi %get3A_1015, %broadcast_in_dim3A_1022 : vector<256x1xi32>
    %swap3A_1024 = arith.constant 0 : index
    %swap3A_1025 = arith.constant 27 : index
    %swap3A_1026 = vector.load %arg10[%swap3A_1024, %swap3A_1025] : memref<256x32xi32, #tpu.memory_space<vmem>>, vector<256x1xi32>
    tpu.vector_store %arg10[%swap3A_1024, %swap3A_1025], %add3A_1023 {strides = array<i32>} : memref<256x32xi32, #tpu.memory_space<vmem>>, vector<256x1xi32>,
    %get3A_1027 = arith.constant 0 : index
    %get3A_1028 = arith.constant 28 : index
    %get3A_1029 = vector.load %arg10[%get3A_1027, %get3A_1028] : memref<256x32xi32, #tpu.memory_space<vmem>>, vector<256x1xi32>
    %le3A_1030 = arith.constant 28 : i32
    %le3A_1031 = vector.broadcast %le3A_1030 : i32 to vector<256x2048xi32>
    %le3A_1032 = arith.cmpi sle, %add3A_634, %le3A_1031 : vector<256x2048xi32>
    %convert_element_type3A_1033 = arith.extui %le3A_1032 : vector<256x2048xi1> to vector<256x2048xi32>
    %reduce_sum3A_1034 = arith.constant dense<0> : vector<256xi32>
    %reduce_sum3A_1035 = vector.multi_reduction <add>, %convert_element_type3A_1033, %reduce_sum3A_1034 [1] : vector<256x2048xi32> to vector<256xi32>
    %broadcast_in_dim3A_1036 = vector.shape_cast %reduce_sum3A_1035 : vector<256xi32> to vector<256x1xi32>
    %add3A_1037 = arith.addi %get3A_1029, %broadcast_in_dim3A_1036 : vector<256x1xi32>
    %swap3A_1038 = arith.constant 0 : index
    %swap3A_1039 = arith.constant 28 : index
    %swap3A_1040 = vector.load %arg10[%swap3A_1038, %swap3A_1039] : memref<256x32xi32, #tpu.memory_space<vmem>>, vector<256x1xi32>
    tpu.vector_store %arg10[%swap3A_1038, %swap3A_1039], %add3A_1037 {strides = array<i32>} : memref<256x32xi32, #tpu.memory_space<vmem>>, vector<256x1xi32>,
    %get3A_1041 = arith.constant 0 : index
    %get3A_1042 = arith.constant 29 : index
    %get3A_1043 = vector.load %arg10[%get3A_1041, %get3A_1042] : memref<256x32xi32, #tpu.memory_space<vmem>>, vector<256x1xi32>
    %le3A_1044 = arith.constant 29 : i32
    %le3A_1045 = vector.broadcast %le3A_1044 : i32 to vector<256x2048xi32>
    %le3A_1046 = arith.cmpi sle, %add3A_634, %le3A_1045 : vector<256x2048xi32>
    %convert_element_type3A_1047 = arith.extui %le3A_1046 : vector<256x2048xi1> to vector<256x2048xi32>
    %reduce_sum3A_1048 = arith.constant dense<0> : vector<256xi32>
    %reduce_sum3A_1049 = vector.multi_reduction <add>, %convert_element_type3A_1047, %reduce_sum3A_1048 [1] : vector<256x2048xi32> to vector<256xi32>
    %broadcast_in_dim3A_1050 = vector.shape_cast %reduce_sum3A_1049 : vector<256xi32> to vector<256x1xi32>
    %add3A_1051 = arith.addi %get3A_1043, %broadcast_in_dim3A_1050 : vector<256x1xi32>
    %swap3A_1052 = arith.constant 0 : index
    %swap3A_1053 = arith.constant 29 : index
    %swap3A_1054 = vector.load %arg10[%swap3A_1052, %swap3A_1053] : memref<256x32xi32, #tpu.memory_space<vmem>>, vector<256x1xi32>
    tpu.vector_store %arg10[%swap3A_1052, %swap3A_1053], %add3A_1051 {strides = array<i32>} : memref<256x32xi32, #tpu.memory_space<vmem>>, vector<256x1xi32>,
    %get3A_1055 = arith.constant 0 : index
    %get3A_1056 = arith.constant 30 : index
    %get3A_1057 = vector.load %arg10[%get3A_1055, %get3A_1056] : memref<256x32xi32, #tpu.memory_space<vmem>>, vector<256x1xi32>
    %le3A_1058 = arith.constant 30 : i32
    %le3A_1059 = vector.broadcast %le3A_1058 : i32 to vector<256x2048xi32>
    %le3A_1060 = arith.cmpi sle, %add3A_634, %le3A_1059 : vector<256x2048xi32>
    %convert_element_type3A_1061 = arith.extui %le3A_1060 : vector<256x2048xi1> to vector<256x2048xi32>
    %reduce_sum3A_1062 = arith.constant dense<0> : vector<256xi32>
    %reduce_sum3A_1063 = vector.multi_reduction <add>, %convert_element_type3A_1061, %reduce_sum3A_1062 [1] : vector<256x2048xi32> to vector<256xi32>
    %broadcast_in_dim3A_1064 = vector.shape_cast %reduce_sum3A_1063 : vector<256xi32> to vector<256x1xi32>
    %add3A_1065 = arith.addi %get3A_1057, %broadcast_in_dim3A_1064 : vector<256x1xi32>
    %swap3A_1066 = arith.constant 0 : index
    %swap3A_1067 = arith.constant 30 : index
    %swap3A_1068 = vector.load %arg10[%swap3A_1066, %swap3A_1067] : memref<256x32xi32, #tpu.memory_space<vmem>>, vector<256x1xi32>
    tpu.vector_store %arg10[%swap3A_1066, %swap3A_1067], %add3A_1065 {strides = array<i32>} : memref<256x32xi32, #tpu.memory_space<vmem>>, vector<256x1xi32>,
    %get3A_1069 = arith.constant 0 : index
    %get3A_1070 = arith.constant 31 : index
    %get3A_1071 = vector.load %arg10[%get3A_1069, %get3A_1070] : memref<256x32xi32, #tpu.memory_space<vmem>>, vector<256x1xi32>
    %le3A_1072 = arith.constant 31 : i32
    %le3A_1073 = vector.broadcast %le3A_1072 : i32 to vector<256x2048xi32>
    %le3A_1074 = arith.cmpi sle, %add3A_634, %le3A_1073 : vector<256x2048xi32>
    %convert_element_type3A_1075 = arith.extui %le3A_1074 : vector<256x2048xi1> to vector<256x2048xi32>
    %reduce_sum3A_1076 = arith.constant dense<0> : vector<256xi32>
    %reduce_sum3A_1077 = vector.multi_reduction <add>, %convert_element_type3A_1075, %reduce_sum3A_1076 [1] : vector<256x2048xi32> to vector<256xi32>
    %broadcast_in_dim3A_1078 = vector.shape_cast %reduce_sum3A_1077 : vector<256xi32> to vector<256x1xi32>
    %add3A_1079 = arith.addi %get3A_1071, %broadcast_in_dim3A_1078 : vector<256x1xi32>
    %swap3A_1080 = arith.constant 0 : index
    %swap3A_1081 = arith.constant 31 : index
    %swap3A_1082 = vector.load %arg10[%swap3A_1080, %swap3A_1081] : memref<256x32xi32, #tpu.memory_space<vmem>>, vector<256x1xi32>
    tpu.vector_store %arg10[%swap3A_1080, %swap3A_1081], %add3A_1079 {strides = array<i32>} : memref<256x32xi32, #tpu.memory_space<vmem>>, vector<256x1xi32>,
    %slice3A_1083 = vector.extract_strided_slice %add3A_634 {offsets = [0, 2047], sizes = [256, 1], strides = [1, 1]} : vector<256x2048xi32> to vector<256x1xi32>
    %swap3A_1084 = arith.constant 0 : index
    %swap3A_1085 = arith.constant 1 : index
    %swap3A_1086 = vector.load %arg8[%swap3A_1084, %swap3A_1085] : memref<256x8xi32, #tpu.memory_space<vmem>>, vector<256x1xi32>
    tpu.vector_store %arg8[%swap3A_1084, %swap3A_1085], %slice3A_1083 {strides = array<i32>} : memref<256x8xi32, #tpu.memory_space<vmem>>, vector<256x1xi32>,
    %le3A_1087 = arith.constant 4.000000e-02 : f32
    %le3A_1088 = vector.broadcast %le3A_1087 : f32 to vector<256x2048xf32>
    %le3A_1089 = arith.cmpf ole, %sub3A, %le3A_1088 : vector<256x2048xf32>
    %convert_element_type3A_1090 = arith.extui %le3A_1089 : vector<256x2048xi1> to vector<256x2048xi32>
    %broadcast_in_dim3A_1091 = arith.constant 0 : i32
    %broadcast_in_dim3A_1092 = vector.broadcast %broadcast_in_dim3A_1091 : i32 to vector<256x1xi32>
    %slice3A_1093 = vector.extract_strided_slice %convert_element_type3A_1090 {offsets = [0, 0], sizes = [256, 2047], strides = [1, 1]} : vector<256x2048xi32> to vector<256x2047xi32>
    %concatenate3A_1094 = tpu.concatenate %broadcast_in_dim3A_1092, %slice3A_1093 in 1 : vector<256x1xi32>, vector<256x2047xi32> -> vector<256x2048xi32>
    %add3A_1095 = arith.addi %convert_element_type3A_1090, %concatenate3A_1094 : vector<256x2048xi32>
    %broadcast_in_dim3A_1096 = arith.constant 0 : i32
    %broadcast_in_dim3A_1097 = vector.broadcast %broadcast_in_dim3A_1096 : i32 to vector<256x2xi32>
    %slice3A_1098 = vector.extract_strided_slice %add3A_1095 {offsets = [0, 0], sizes = [256, 2046], strides = [1, 1]} : vector<256x2048xi32> to vector<256x2046xi32>
    %concatenate3A_1099 = tpu.concatenate %broadcast_in_dim3A_1097, %slice3A_1098 in 1 : vector<256x2xi32>, vector<256x2046xi32> -> vector<256x2048xi32>
    %add3A_1100 = arith.addi %add3A_1095, %concatenate3A_1099 : vector<256x2048xi32>
    %broadcast_in_dim3A_1101 = arith.constant 0 : i32
    %broadcast_in_dim3A_1102 = vector.broadcast %broadcast_in_dim3A_1101 : i32 to vector<256x4xi32>
    %slice3A_1103 = vector.extract_strided_slice %add3A_1100 {offsets = [0, 0], sizes = [256, 2044], strides = [1, 1]} : vector<256x2048xi32> to vector<256x2044xi32>
    %concatenate3A_1104 = tpu.concatenate %broadcast_in_dim3A_1102, %slice3A_1103 in 1 : vector<256x4xi32>, vector<256x2044xi32> -> vector<256x2048xi32>
    %add3A_1105 = arith.addi %add3A_1100, %concatenate3A_1104 : vector<256x2048xi32>
    %broadcast_in_dim3A_1106 = arith.constant 0 : i32
    %broadcast_in_dim3A_1107 = vector.broadcast %broadcast_in_dim3A_1106 : i32 to vector<256x8xi32>
    %slice3A_1108 = vector.extract_strided_slice %add3A_1105 {offsets = [0, 0], sizes = [256, 2040], strides = [1, 1]} : vector<256x2048xi32> to vector<256x2040xi32>
    %concatenate3A_1109 = tpu.concatenate %broadcast_in_dim3A_1107, %slice3A_1108 in 1 : vector<256x8xi32>, vector<256x2040xi32> -> vector<256x2048xi32>
    %add3A_1110 = arith.addi %add3A_1105, %concatenate3A_1109 : vector<256x2048xi32>
    %broadcast_in_dim3A_1111 = arith.constant 0 : i32
    %broadcast_in_dim3A_1112 = vector.broadcast %broadcast_in_dim3A_1111 : i32 to vector<256x16xi32>
    %slice3A_1113 = vector.extract_strided_slice %add3A_1110 {offsets = [0, 0], sizes = [256, 2032], strides = [1, 1]} : vector<256x2048xi32> to vector<256x2032xi32>
    %concatenate3A_1114 = tpu.concatenate %broadcast_in_dim3A_1112, %slice3A_1113 in 1 : vector<256x16xi32>, vector<256x2032xi32> -> vector<256x2048xi32>
    %add3A_1115 = arith.addi %add3A_1110, %concatenate3A_1114 : vector<256x2048xi32>
    %broadcast_in_dim3A_1116 = arith.constant 0 : i32
    %broadcast_in_dim3A_1117 = vector.broadcast %broadcast_in_dim3A_1116 : i32 to vector<256x32xi32>
    %slice3A_1118 = vector.extract_strided_slice %add3A_1115 {offsets = [0, 0], sizes = [256, 2016], strides = [1, 1]} : vector<256x2048xi32> to vector<256x2016xi32>
    %concatenate3A_1119 = tpu.concatenate %broadcast_in_dim3A_1117, %slice3A_1118 in 1 : vector<256x32xi32>, vector<256x2016xi32> -> vector<256x2048xi32>
    %add3A_1120 = arith.addi %add3A_1115, %concatenate3A_1119 : vector<256x2048xi32>
    %broadcast_in_dim3A_1121 = arith.constant 0 : i32
    %broadcast_in_dim3A_1122 = vector.broadcast %broadcast_in_dim3A_1121 : i32 to vector<256x64xi32>
    %slice3A_1123 = vector.extract_strided_slice %add3A_1120 {offsets = [0, 0], sizes = [256, 1984], strides = [1, 1]} : vector<256x2048xi32> to vector<256x1984xi32>
    %concatenate3A_1124 = tpu.concatenate %broadcast_in_dim3A_1122, %slice3A_1123 in 1 : vector<256x64xi32>, vector<256x1984xi32> -> vector<256x2048xi32>
    %add3A_1125 = arith.addi %add3A_1120, %concatenate3A_1124 : vector<256x2048xi32>
    %broadcast_in_dim3A_1126 = arith.constant 0 : i32
    %broadcast_in_dim3A_1127 = vector.broadcast %broadcast_in_dim3A_1126 : i32 to vector<256x128xi32>
    %slice3A_1128 = vector.extract_strided_slice %add3A_1125 {offsets = [0, 0], sizes = [256, 1920], strides = [1, 1]} : vector<256x2048xi32> to vector<256x1920xi32>
    %concatenate3A_1129 = tpu.concatenate %broadcast_in_dim3A_1127, %slice3A_1128 in 1 : vector<256x128xi32>, vector<256x1920xi32> -> vector<256x2048xi32>
    %add3A_1130 = arith.addi %add3A_1125, %concatenate3A_1129 : vector<256x2048xi32>
    %broadcast_in_dim3A_1131 = arith.constant 0 : i32
    %broadcast_in_dim3A_1132 = vector.broadcast %broadcast_in_dim3A_1131 : i32 to vector<256x256xi32>
    %slice3A_1133 = vector.extract_strided_slice %add3A_1130 {offsets = [0, 0], sizes = [256, 1792], strides = [1, 1]} : vector<256x2048xi32> to vector<256x1792xi32>
    %concatenate3A_1134 = tpu.concatenate %broadcast_in_dim3A_1132, %slice3A_1133 in 1 : vector<256x256xi32>, vector<256x1792xi32> -> vector<256x2048xi32>
    %add3A_1135 = arith.addi %add3A_1130, %concatenate3A_1134 : vector<256x2048xi32>
    %broadcast_in_dim3A_1136 = arith.constant 0 : i32
    %broadcast_in_dim3A_1137 = vector.broadcast %broadcast_in_dim3A_1136 : i32 to vector<256x512xi32>
    %slice3A_1138 = vector.extract_strided_slice %add3A_1135 {offsets = [0, 0], sizes = [256, 1536], strides = [1, 1]} : vector<256x2048xi32> to vector<256x1536xi32>
    %concatenate3A_1139 = tpu.concatenate %broadcast_in_dim3A_1137, %slice3A_1138 in 1 : vector<256x512xi32>, vector<256x1536xi32> -> vector<256x2048xi32>
    %add3A_1140 = arith.addi %add3A_1135, %concatenate3A_1139 : vector<256x2048xi32>
    %broadcast_in_dim3A_1141 = arith.constant 0 : i32
    %broadcast_in_dim3A_1142 = vector.broadcast %broadcast_in_dim3A_1141 : i32 to vector<256x1024xi32>
    %slice3A_1143 = vector.extract_strided_slice %add3A_1140 {offsets = [0, 0], sizes = [256, 1024], strides = [1, 1]} : vector<256x2048xi32> to vector<256x1024xi32>
    %concatenate3A_1144 = tpu.concatenate %broadcast_in_dim3A_1142, %slice3A_1143 in 1 : vector<256x1024xi32>, vector<256x1024xi32> -> vector<256x2048xi32>
    %add3A_1145 = arith.addi %add3A_1140, %concatenate3A_1144 : vector<256x2048xi32>
    %get3A_1146 = arith.constant 0 : index
    %get3A_1147 = arith.constant 2 : index
    %get3A_1148 = vector.load %arg8[%get3A_1146, %get3A_1147] : memref<256x8xi32, #tpu.memory_space<vmem>>, vector<256x1xi32>
    %add3A_1149 = vector.broadcast %get3A_1148 : vector<256x1xi32> to vector<256x2048xi32>
    %add3A_1150 = arith.addi %add3A_1145, %add3A_1149 : vector<256x2048xi32>
    %get3A_1151 = arith.constant 0 : index
    %get3A_1152 = arith.constant 0 : index
    %get3A_1153 = vector.load %arg11[%get3A_1151, %get3A_1152] : memref<256x32xi32, #tpu.memory_space<vmem>>, vector<256x1xi32>
    %le3A_1154 = arith.constant 0 : i32
    %le3A_1155 = vector.broadcast %le3A_1154 : i32 to vector<256x2048xi32>
    %le3A_1156 = arith.cmpi sle, %add3A_1150, %le3A_1155 : vector<256x2048xi32>
    %convert_element_type3A_1157 = arith.extui %le3A_1156 : vector<256x2048xi1> to vector<256x2048xi32>
    %reduce_sum3A_1158 = arith.constant dense<0> : vector<256xi32>
    %reduce_sum3A_1159 = vector.multi_reduction <add>, %convert_element_type3A_1157, %reduce_sum3A_1158 [1] : vector<256x2048xi32> to vector<256xi32>
    %broadcast_in_dim3A_1160 = vector.shape_cast %reduce_sum3A_1159 : vector<256xi32> to vector<256x1xi32>
    %add3A_1161 = arith.addi %get3A_1153, %broadcast_in_dim3A_1160 : vector<256x1xi32>
    %swap3A_1162 = arith.constant 0 : index
    %swap3A_1163 = arith.constant 0 : index
    %swap3A_1164 = vector.load %arg11[%swap3A_1162, %swap3A_1163] : memref<256x32xi32, #tpu.memory_space<vmem>>, vector<256x1xi32>
    tpu.vector_store %arg11[%swap3A_1162, %swap3A_1163], %add3A_1161 {strides = array<i32>} : memref<256x32xi32, #tpu.memory_space<vmem>>, vector<256x1xi32>,
    %get3A_1165 = arith.constant 0 : index
    %get3A_1166 = arith.constant 1 : index
    %get3A_1167 = vector.load %arg11[%get3A_1165, %get3A_1166] : memref<256x32xi32, #tpu.memory_space<vmem>>, vector<256x1xi32>
    %le3A_1168 = arith.constant 1 : i32
    %le3A_1169 = vector.broadcast %le3A_1168 : i32 to vector<256x2048xi32>
    %le3A_1170 = arith.cmpi sle, %add3A_1150, %le3A_1169 : vector<256x2048xi32>
    %convert_element_type3A_1171 = arith.extui %le3A_1170 : vector<256x2048xi1> to vector<256x2048xi32>
    %reduce_sum3A_1172 = arith.constant dense<0> : vector<256xi32>
    %reduce_sum3A_1173 = vector.multi_reduction <add>, %convert_element_type3A_1171, %reduce_sum3A_1172 [1] : vector<256x2048xi32> to vector<256xi32>
    %broadcast_in_dim3A_1174 = vector.shape_cast %reduce_sum3A_1173 : vector<256xi32> to vector<256x1xi32>
    %add3A_1175 = arith.addi %get3A_1167, %broadcast_in_dim3A_1174 : vector<256x1xi32>
    %swap3A_1176 = arith.constant 0 : index
    %swap3A_1177 = arith.constant 1 : index
    %swap3A_1178 = vector.load %arg11[%swap3A_1176, %swap3A_1177] : memref<256x32xi32, #tpu.memory_space<vmem>>, vector<256x1xi32>
    tpu.vector_store %arg11[%swap3A_1176, %swap3A_1177], %add3A_1175 {strides = array<i32>} : memref<256x32xi32, #tpu.memory_space<vmem>>, vector<256x1xi32>,
    %get3A_1179 = arith.constant 0 : index
    %get3A_1180 = arith.constant 2 : index
    %get3A_1181 = vector.load %arg11[%get3A_1179, %get3A_1180] : memref<256x32xi32, #tpu.memory_space<vmem>>, vector<256x1xi32>
    %le3A_1182 = arith.constant 2 : i32
    %le3A_1183 = vector.broadcast %le3A_1182 : i32 to vector<256x2048xi32>
    %le3A_1184 = arith.cmpi sle, %add3A_1150, %le3A_1183 : vector<256x2048xi32>
    %convert_element_type3A_1185 = arith.extui %le3A_1184 : vector<256x2048xi1> to vector<256x2048xi32>
    %reduce_sum3A_1186 = arith.constant dense<0> : vector<256xi32>
    %reduce_sum3A_1187 = vector.multi_reduction <add>, %convert_element_type3A_1185, %reduce_sum3A_1186 [1] : vector<256x2048xi32> to vector<256xi32>
    %broadcast_in_dim3A_1188 = vector.shape_cast %reduce_sum3A_1187 : vector<256xi32> to vector<256x1xi32>
    %add3A_1189 = arith.addi %get3A_1181, %broadcast_in_dim3A_1188 : vector<256x1xi32>
    %swap3A_1190 = arith.constant 0 : index
    %swap3A_1191 = arith.constant 2 : index
    %swap3A_1192 = vector.load %arg11[%swap3A_1190, %swap3A_1191] : memref<256x32xi32, #tpu.memory_space<vmem>>, vector<256x1xi32>
    tpu.vector_store %arg11[%swap3A_1190, %swap3A_1191], %add3A_1189 {strides = array<i32>} : memref<256x32xi32, #tpu.memory_space<vmem>>, vector<256x1xi32>,
    %get3A_1193 = arith.constant 0 : index
    %get3A_1194 = arith.constant 3 : index
    %get3A_1195 = vector.load %arg11[%get3A_1193, %get3A_1194] : memref<256x32xi32, #tpu.memory_space<vmem>>, vector<256x1xi32>
    %le3A_1196 = arith.constant 3 : i32
    %le3A_1197 = vector.broadcast %le3A_1196 : i32 to vector<256x2048xi32>
    %le3A_1198 = arith.cmpi sle, %add3A_1150, %le3A_1197 : vector<256x2048xi32>
    %convert_element_type3A_1199 = arith.extui %le3A_1198 : vector<256x2048xi1> to vector<256x2048xi32>
    %reduce_sum3A_1200 = arith.constant dense<0> : vector<256xi32>
    %reduce_sum3A_1201 = vector.multi_reduction <add>, %convert_element_type3A_1199, %reduce_sum3A_1200 [1] : vector<256x2048xi32> to vector<256xi32>
    %broadcast_in_dim3A_1202 = vector.shape_cast %reduce_sum3A_1201 : vector<256xi32> to vector<256x1xi32>
    %add3A_1203 = arith.addi %get3A_1195, %broadcast_in_dim3A_1202 : vector<256x1xi32>
    %swap3A_1204 = arith.constant 0 : index
    %swap3A_1205 = arith.constant 3 : index
    %swap3A_1206 = vector.load %arg11[%swap3A_1204, %swap3A_1205] : memref<256x32xi32, #tpu.memory_space<vmem>>, vector<256x1xi32>
    tpu.vector_store %arg11[%swap3A_1204, %swap3A_1205], %add3A_1203 {strides = array<i32>} : memref<256x32xi32, #tpu.memory_space<vmem>>, vector<256x1xi32>,
    %get3A_1207 = arith.constant 0 : index
    %get3A_1208 = arith.constant 4 : index
    %get3A_1209 = vector.load %arg11[%get3A_1207, %get3A_1208] : memref<256x32xi32, #tpu.memory_space<vmem>>, vector<256x1xi32>
    %le3A_1210 = arith.constant 4 : i32
    %le3A_1211 = vector.broadcast %le3A_1210 : i32 to vector<256x2048xi32>
    %le3A_1212 = arith.cmpi sle, %add3A_1150, %le3A_1211 : vector<256x2048xi32>
    %convert_element_type3A_1213 = arith.extui %le3A_1212 : vector<256x2048xi1> to vector<256x2048xi32>
    %reduce_sum3A_1214 = arith.constant dense<0> : vector<256xi32>
    %reduce_sum3A_1215 = vector.multi_reduction <add>, %convert_element_type3A_1213, %reduce_sum3A_1214 [1] : vector<256x2048xi32> to vector<256xi32>
    %broadcast_in_dim3A_1216 = vector.shape_cast %reduce_sum3A_1215 : vector<256xi32> to vector<256x1xi32>
    %add3A_1217 = arith.addi %get3A_1209, %broadcast_in_dim3A_1216 : vector<256x1xi32>
    %swap3A_1218 = arith.constant 0 : index
    %swap3A_1219 = arith.constant 4 : index
    %swap3A_1220 = vector.load %arg11[%swap3A_1218, %swap3A_1219] : memref<256x32xi32, #tpu.memory_space<vmem>>, vector<256x1xi32>
    tpu.vector_store %arg11[%swap3A_1218, %swap3A_1219], %add3A_1217 {strides = array<i32>} : memref<256x32xi32, #tpu.memory_space<vmem>>, vector<256x1xi32>,
    %get3A_1221 = arith.constant 0 : index
    %get3A_1222 = arith.constant 5 : index
    %get3A_1223 = vector.load %arg11[%get3A_1221, %get3A_1222] : memref<256x32xi32, #tpu.memory_space<vmem>>, vector<256x1xi32>
    %le3A_1224 = arith.constant 5 : i32
    %le3A_1225 = vector.broadcast %le3A_1224 : i32 to vector<256x2048xi32>
    %le3A_1226 = arith.cmpi sle, %add3A_1150, %le3A_1225 : vector<256x2048xi32>
    %convert_element_type3A_1227 = arith.extui %le3A_1226 : vector<256x2048xi1> to vector<256x2048xi32>
    %reduce_sum3A_1228 = arith.constant dense<0> : vector<256xi32>
    %reduce_sum3A_1229 = vector.multi_reduction <add>, %convert_element_type3A_1227, %reduce_sum3A_1228 [1] : vector<256x2048xi32> to vector<256xi32>
    %broadcast_in_dim3A_1230 = vector.shape_cast %reduce_sum3A_1229 : vector<256xi32> to vector<256x1xi32>
    %add3A_1231 = arith.addi %get3A_1223, %broadcast_in_dim3A_1230 : vector<256x1xi32>
    %swap3A_1232 = arith.constant 0 : index
    %swap3A_1233 = arith.constant 5 : index
    %swap3A_1234 = vector.load %arg11[%swap3A_1232, %swap3A_1233] : memref<256x32xi32, #tpu.memory_space<vmem>>, vector<256x1xi32>
    tpu.vector_store %arg11[%swap3A_1232, %swap3A_1233], %add3A_1231 {strides = array<i32>} : memref<256x32xi32, #tpu.memory_space<vmem>>, vector<256x1xi32>,
    %get3A_1235 = arith.constant 0 : index
    %get3A_1236 = arith.constant 6 : index
    %get3A_1237 = vector.load %arg11[%get3A_1235, %get3A_1236] : memref<256x32xi32, #tpu.memory_space<vmem>>, vector<256x1xi32>
    %le3A_1238 = arith.constant 6 : i32
    %le3A_1239 = vector.broadcast %le3A_1238 : i32 to vector<256x2048xi32>
    %le3A_1240 = arith.cmpi sle, %add3A_1150, %le3A_1239 : vector<256x2048xi32>
    %convert_element_type3A_1241 = arith.extui %le3A_1240 : vector<256x2048xi1> to vector<256x2048xi32>
    %reduce_sum3A_1242 = arith.constant dense<0> : vector<256xi32>
    %reduce_sum3A_1243 = vector.multi_reduction <add>, %convert_element_type3A_1241, %reduce_sum3A_1242 [1] : vector<256x2048xi32> to vector<256xi32>
    %broadcast_in_dim3A_1244 = vector.shape_cast %reduce_sum3A_1243 : vector<256xi32> to vector<256x1xi32>
    %add3A_1245 = arith.addi %get3A_1237, %broadcast_in_dim3A_1244 : vector<256x1xi32>
    %swap3A_1246 = arith.constant 0 : index
    %swap3A_1247 = arith.constant 6 : index
    %swap3A_1248 = vector.load %arg11[%swap3A_1246, %swap3A_1247] : memref<256x32xi32, #tpu.memory_space<vmem>>, vector<256x1xi32>
    tpu.vector_store %arg11[%swap3A_1246, %swap3A_1247], %add3A_1245 {strides = array<i32>} : memref<256x32xi32, #tpu.memory_space<vmem>>, vector<256x1xi32>,
    %get3A_1249 = arith.constant 0 : index
    %get3A_1250 = arith.constant 7 : index
    %get3A_1251 = vector.load %arg11[%get3A_1249, %get3A_1250] : memref<256x32xi32, #tpu.memory_space<vmem>>, vector<256x1xi32>
    %le3A_1252 = arith.constant 7 : i32
    %le3A_1253 = vector.broadcast %le3A_1252 : i32 to vector<256x2048xi32>
    %le3A_1254 = arith.cmpi sle, %add3A_1150, %le3A_1253 : vector<256x2048xi32>
    %convert_element_type3A_1255 = arith.extui %le3A_1254 : vector<256x2048xi1> to vector<256x2048xi32>
    %reduce_sum3A_1256 = arith.constant dense<0> : vector<256xi32>
    %reduce_sum3A_1257 = vector.multi_reduction <add>, %convert_element_type3A_1255, %reduce_sum3A_1256 [1] : vector<256x2048xi32> to vector<256xi32>
    %broadcast_in_dim3A_1258 = vector.shape_cast %reduce_sum3A_1257 : vector<256xi32> to vector<256x1xi32>
    %add3A_1259 = arith.addi %get3A_1251, %broadcast_in_dim3A_1258 : vector<256x1xi32>
    %swap3A_1260 = arith.constant 0 : index
    %swap3A_1261 = arith.constant 7 : index
    %swap3A_1262 = vector.load %arg11[%swap3A_1260, %swap3A_1261] : memref<256x32xi32, #tpu.memory_space<vmem>>, vector<256x1xi32>
    tpu.vector_store %arg11[%swap3A_1260, %swap3A_1261], %add3A_1259 {strides = array<i32>} : memref<256x32xi32, #tpu.memory_space<vmem>>, vector<256x1xi32>,
    %get3A_1263 = arith.constant 0 : index
    %get3A_1264 = arith.constant 8 : index
    %get3A_1265 = vector.load %arg11[%get3A_1263, %get3A_1264] : memref<256x32xi32, #tpu.memory_space<vmem>>, vector<256x1xi32>
    %le3A_1266 = arith.constant 8 : i32
    %le3A_1267 = vector.broadcast %le3A_1266 : i32 to vector<256x2048xi32>
    %le3A_1268 = arith.cmpi sle, %add3A_1150, %le3A_1267 : vector<256x2048xi32>
    %convert_element_type3A_1269 = arith.extui %le3A_1268 : vector<256x2048xi1> to vector<256x2048xi32>
    %reduce_sum3A_1270 = arith.constant dense<0> : vector<256xi32>
    %reduce_sum3A_1271 = vector.multi_reduction <add>, %convert_element_type3A_1269, %reduce_sum3A_1270 [1] : vector<256x2048xi32> to vector<256xi32>
    %broadcast_in_dim3A_1272 = vector.shape_cast %reduce_sum3A_1271 : vector<256xi32> to vector<256x1xi32>
    %add3A_1273 = arith.addi %get3A_1265, %broadcast_in_dim3A_1272 : vector<256x1xi32>
    %swap3A_1274 = arith.constant 0 : index
    %swap3A_1275 = arith.constant 8 : index
    %swap3A_1276 = vector.load %arg11[%swap3A_1274, %swap3A_1275] : memref<256x32xi32, #tpu.memory_space<vmem>>, vector<256x1xi32>
    tpu.vector_store %arg11[%swap3A_1274, %swap3A_1275], %add3A_1273 {strides = array<i32>} : memref<256x32xi32, #tpu.memory_space<vmem>>, vector<256x1xi32>,
    %get3A_1277 = arith.constant 0 : index
    %get3A_1278 = arith.constant 9 : index
    %get3A_1279 = vector.load %arg11[%get3A_1277, %get3A_1278] : memref<256x32xi32, #tpu.memory_space<vmem>>, vector<256x1xi32>
    %le3A_1280 = arith.constant 9 : i32
    %le3A_1281 = vector.broadcast %le3A_1280 : i32 to vector<256x2048xi32>
    %le3A_1282 = arith.cmpi sle, %add3A_1150, %le3A_1281 : vector<256x2048xi32>
    %convert_element_type3A_1283 = arith.extui %le3A_1282 : vector<256x2048xi1> to vector<256x2048xi32>
    %reduce_sum3A_1284 = arith.constant dense<0> : vector<256xi32>
    %reduce_sum3A_1285 = vector.multi_reduction <add>, %convert_element_type3A_1283, %reduce_sum3A_1284 [1] : vector<256x2048xi32> to vector<256xi32>
    %broadcast_in_dim3A_1286 = vector.shape_cast %reduce_sum3A_1285 : vector<256xi32> to vector<256x1xi32>
    %add3A_1287 = arith.addi %get3A_1279, %broadcast_in_dim3A_1286 : vector<256x1xi32>
    %swap3A_1288 = arith.constant 0 : index
    %swap3A_1289 = arith.constant 9 : index
    %swap3A_1290 = vector.load %arg11[%swap3A_1288, %swap3A_1289] : memref<256x32xi32, #tpu.memory_space<vmem>>, vector<256x1xi32>
    tpu.vector_store %arg11[%swap3A_1288, %swap3A_1289], %add3A_1287 {strides = array<i32>} : memref<256x32xi32, #tpu.memory_space<vmem>>, vector<256x1xi32>,
    %get3A_1291 = arith.constant 0 : index
    %get3A_1292 = arith.constant 10 : index
    %get3A_1293 = vector.load %arg11[%get3A_1291, %get3A_1292] : memref<256x32xi32, #tpu.memory_space<vmem>>, vector<256x1xi32>
    %le3A_1294 = arith.constant 10 : i32
    %le3A_1295 = vector.broadcast %le3A_1294 : i32 to vector<256x2048xi32>
    %le3A_1296 = arith.cmpi sle, %add3A_1150, %le3A_1295 : vector<256x2048xi32>
    %convert_element_type3A_1297 = arith.extui %le3A_1296 : vector<256x2048xi1> to vector<256x2048xi32>
    %reduce_sum3A_1298 = arith.constant dense<0> : vector<256xi32>
    %reduce_sum3A_1299 = vector.multi_reduction <add>, %convert_element_type3A_1297, %reduce_sum3A_1298 [1] : vector<256x2048xi32> to vector<256xi32>
    %broadcast_in_dim3A_1300 = vector.shape_cast %reduce_sum3A_1299 : vector<256xi32> to vector<256x1xi32>
    %add3A_1301 = arith.addi %get3A_1293, %broadcast_in_dim3A_1300 : vector<256x1xi32>
    %swap3A_1302 = arith.constant 0 : index
    %swap3A_1303 = arith.constant 10 : index
    %swap3A_1304 = vector.load %arg11[%swap3A_1302, %swap3A_1303] : memref<256x32xi32, #tpu.memory_space<vmem>>, vector<256x1xi32>
    tpu.vector_store %arg11[%swap3A_1302, %swap3A_1303], %add3A_1301 {strides = array<i32>} : memref<256x32xi32, #tpu.memory_space<vmem>>, vector<256x1xi32>,
    %get3A_1305 = arith.constant 0 : index
    %get3A_1306 = arith.constant 11 : index
    %get3A_1307 = vector.load %arg11[%get3A_1305, %get3A_1306] : memref<256x32xi32, #tpu.memory_space<vmem>>, vector<256x1xi32>
    %le3A_1308 = arith.constant 11 : i32
    %le3A_1309 = vector.broadcast %le3A_1308 : i32 to vector<256x2048xi32>
    %le3A_1310 = arith.cmpi sle, %add3A_1150, %le3A_1309 : vector<256x2048xi32>
    %convert_element_type3A_1311 = arith.extui %le3A_1310 : vector<256x2048xi1> to vector<256x2048xi32>
    %reduce_sum3A_1312 = arith.constant dense<0> : vector<256xi32>
    %reduce_sum3A_1313 = vector.multi_reduction <add>, %convert_element_type3A_1311, %reduce_sum3A_1312 [1] : vector<256x2048xi32> to vector<256xi32>
    %broadcast_in_dim3A_1314 = vector.shape_cast %reduce_sum3A_1313 : vector<256xi32> to vector<256x1xi32>
    %add3A_1315 = arith.addi %get3A_1307, %broadcast_in_dim3A_1314 : vector<256x1xi32>
    %swap3A_1316 = arith.constant 0 : index
    %swap3A_1317 = arith.constant 11 : index
    %swap3A_1318 = vector.load %arg11[%swap3A_1316, %swap3A_1317] : memref<256x32xi32, #tpu.memory_space<vmem>>, vector<256x1xi32>
    tpu.vector_store %arg11[%swap3A_1316, %swap3A_1317], %add3A_1315 {strides = array<i32>} : memref<256x32xi32, #tpu.memory_space<vmem>>, vector<256x1xi32>,
    %get3A_1319 = arith.constant 0 : index
    %get3A_1320 = arith.constant 12 : index
    %get3A_1321 = vector.load %arg11[%get3A_1319, %get3A_1320] : memref<256x32xi32, #tpu.memory_space<vmem>>, vector<256x1xi32>
    %le3A_1322 = arith.constant 12 : i32
    %le3A_1323 = vector.broadcast %le3A_1322 : i32 to vector<256x2048xi32>
    %le3A_1324 = arith.cmpi sle, %add3A_1150, %le3A_1323 : vector<256x2048xi32>
    %convert_element_type3A_1325 = arith.extui %le3A_1324 : vector<256x2048xi1> to vector<256x2048xi32>
    %reduce_sum3A_1326 = arith.constant dense<0> : vector<256xi32>
    %reduce_sum3A_1327 = vector.multi_reduction <add>, %convert_element_type3A_1325, %reduce_sum3A_1326 [1] : vector<256x2048xi32> to vector<256xi32>
    %broadcast_in_dim3A_1328 = vector.shape_cast %reduce_sum3A_1327 : vector<256xi32> to vector<256x1xi32>
    %add3A_1329 = arith.addi %get3A_1321, %broadcast_in_dim3A_1328 : vector<256x1xi32>
    %swap3A_1330 = arith.constant 0 : index
    %swap3A_1331 = arith.constant 12 : index
    %swap3A_1332 = vector.load %arg11[%swap3A_1330, %swap3A_1331] : memref<256x32xi32, #tpu.memory_space<vmem>>, vector<256x1xi32>
    tpu.vector_store %arg11[%swap3A_1330, %swap3A_1331], %add3A_1329 {strides = array<i32>} : memref<256x32xi32, #tpu.memory_space<vmem>>, vector<256x1xi32>,
    %get3A_1333 = arith.constant 0 : index
    %get3A_1334 = arith.constant 13 : index
    %get3A_1335 = vector.load %arg11[%get3A_1333, %get3A_1334] : memref<256x32xi32, #tpu.memory_space<vmem>>, vector<256x1xi32>
    %le3A_1336 = arith.constant 13 : i32
    %le3A_1337 = vector.broadcast %le3A_1336 : i32 to vector<256x2048xi32>
    %le3A_1338 = arith.cmpi sle, %add3A_1150, %le3A_1337 : vector<256x2048xi32>
    %convert_element_type3A_1339 = arith.extui %le3A_1338 : vector<256x2048xi1> to vector<256x2048xi32>
    %reduce_sum3A_1340 = arith.constant dense<0> : vector<256xi32>
    %reduce_sum3A_1341 = vector.multi_reduction <add>, %convert_element_type3A_1339, %reduce_sum3A_1340 [1] : vector<256x2048xi32> to vector<256xi32>
    %broadcast_in_dim3A_1342 = vector.shape_cast %reduce_sum3A_1341 : vector<256xi32> to vector<256x1xi32>
    %add3A_1343 = arith.addi %get3A_1335, %broadcast_in_dim3A_1342 : vector<256x1xi32>
    %swap3A_1344 = arith.constant 0 : index
    %swap3A_1345 = arith.constant 13 : index
    %swap3A_1346 = vector.load %arg11[%swap3A_1344, %swap3A_1345] : memref<256x32xi32, #tpu.memory_space<vmem>>, vector<256x1xi32>
    tpu.vector_store %arg11[%swap3A_1344, %swap3A_1345], %add3A_1343 {strides = array<i32>} : memref<256x32xi32, #tpu.memory_space<vmem>>, vector<256x1xi32>,
    %get3A_1347 = arith.constant 0 : index
    %get3A_1348 = arith.constant 14 : index
    %get3A_1349 = vector.load %arg11[%get3A_1347, %get3A_1348] : memref<256x32xi32, #tpu.memory_space<vmem>>, vector<256x1xi32>
    %le3A_1350 = arith.constant 14 : i32
    %le3A_1351 = vector.broadcast %le3A_1350 : i32 to vector<256x2048xi32>
    %le3A_1352 = arith.cmpi sle, %add3A_1150, %le3A_1351 : vector<256x2048xi32>
    %convert_element_type3A_1353 = arith.extui %le3A_1352 : vector<256x2048xi1> to vector<256x2048xi32>
    %reduce_sum3A_1354 = arith.constant dense<0> : vector<256xi32>
    %reduce_sum3A_1355 = vector.multi_reduction <add>, %convert_element_type3A_1353, %reduce_sum3A_1354 [1] : vector<256x2048xi32> to vector<256xi32>
    %broadcast_in_dim3A_1356 = vector.shape_cast %reduce_sum3A_1355 : vector<256xi32> to vector<256x1xi32>
    %add3A_1357 = arith.addi %get3A_1349, %broadcast_in_dim3A_1356 : vector<256x1xi32>
    %swap3A_1358 = arith.constant 0 : index
    %swap3A_1359 = arith.constant 14 : index
    %swap3A_1360 = vector.load %arg11[%swap3A_1358, %swap3A_1359] : memref<256x32xi32, #tpu.memory_space<vmem>>, vector<256x1xi32>
    tpu.vector_store %arg11[%swap3A_1358, %swap3A_1359], %add3A_1357 {strides = array<i32>} : memref<256x32xi32, #tpu.memory_space<vmem>>, vector<256x1xi32>,
    %get3A_1361 = arith.constant 0 : index
    %get3A_1362 = arith.constant 15 : index
    %get3A_1363 = vector.load %arg11[%get3A_1361, %get3A_1362] : memref<256x32xi32, #tpu.memory_space<vmem>>, vector<256x1xi32>
    %le3A_1364 = arith.constant 15 : i32
    %le3A_1365 = vector.broadcast %le3A_1364 : i32 to vector<256x2048xi32>
    %le3A_1366 = arith.cmpi sle, %add3A_1150, %le3A_1365 : vector<256x2048xi32>
    %convert_element_type3A_1367 = arith.extui %le3A_1366 : vector<256x2048xi1> to vector<256x2048xi32>
    %reduce_sum3A_1368 = arith.constant dense<0> : vector<256xi32>
    %reduce_sum3A_1369 = vector.multi_reduction <add>, %convert_element_type3A_1367, %reduce_sum3A_1368 [1] : vector<256x2048xi32> to vector<256xi32>
    %broadcast_in_dim3A_1370 = vector.shape_cast %reduce_sum3A_1369 : vector<256xi32> to vector<256x1xi32>
    %add3A_1371 = arith.addi %get3A_1363, %broadcast_in_dim3A_1370 : vector<256x1xi32>
    %swap3A_1372 = arith.constant 0 : index
    %swap3A_1373 = arith.constant 15 : index
    %swap3A_1374 = vector.load %arg11[%swap3A_1372, %swap3A_1373] : memref<256x32xi32, #tpu.memory_space<vmem>>, vector<256x1xi32>
    tpu.vector_store %arg11[%swap3A_1372, %swap3A_1373], %add3A_1371 {strides = array<i32>} : memref<256x32xi32, #tpu.memory_space<vmem>>, vector<256x1xi32>,
    %get3A_1375 = arith.constant 0 : index
    %get3A_1376 = arith.constant 16 : index
    %get3A_1377 = vector.load %arg11[%get3A_1375, %get3A_1376] : memref<256x32xi32, #tpu.memory_space<vmem>>, vector<256x1xi32>
    %le3A_1378 = arith.constant 16 : i32
    %le3A_1379 = vector.broadcast %le3A_1378 : i32 to vector<256x2048xi32>
    %le3A_1380 = arith.cmpi sle, %add3A_1150, %le3A_1379 : vector<256x2048xi32>
    %convert_element_type3A_1381 = arith.extui %le3A_1380 : vector<256x2048xi1> to vector<256x2048xi32>
    %reduce_sum3A_1382 = arith.constant dense<0> : vector<256xi32>
    %reduce_sum3A_1383 = vector.multi_reduction <add>, %convert_element_type3A_1381, %reduce_sum3A_1382 [1] : vector<256x2048xi32> to vector<256xi32>
    %broadcast_in_dim3A_1384 = vector.shape_cast %reduce_sum3A_1383 : vector<256xi32> to vector<256x1xi32>
    %add3A_1385 = arith.addi %get3A_1377, %broadcast_in_dim3A_1384 : vector<256x1xi32>
    %swap3A_1386 = arith.constant 0 : index
    %swap3A_1387 = arith.constant 16 : index
    %swap3A_1388 = vector.load %arg11[%swap3A_1386, %swap3A_1387] : memref<256x32xi32, #tpu.memory_space<vmem>>, vector<256x1xi32>
    tpu.vector_store %arg11[%swap3A_1386, %swap3A_1387], %add3A_1385 {strides = array<i32>} : memref<256x32xi32, #tpu.memory_space<vmem>>, vector<256x1xi32>,
    %get3A_1389 = arith.constant 0 : index
    %get3A_1390 = arith.constant 17 : index
    %get3A_1391 = vector.load %arg11[%get3A_1389, %get3A_1390] : memref<256x32xi32, #tpu.memory_space<vmem>>, vector<256x1xi32>
    %le3A_1392 = arith.constant 17 : i32
    %le3A_1393 = vector.broadcast %le3A_1392 : i32 to vector<256x2048xi32>
    %le3A_1394 = arith.cmpi sle, %add3A_1150, %le3A_1393 : vector<256x2048xi32>
    %convert_element_type3A_1395 = arith.extui %le3A_1394 : vector<256x2048xi1> to vector<256x2048xi32>
    %reduce_sum3A_1396 = arith.constant dense<0> : vector<256xi32>
    %reduce_sum3A_1397 = vector.multi_reduction <add>, %convert_element_type3A_1395, %reduce_sum3A_1396 [1] : vector<256x2048xi32> to vector<256xi32>
    %broadcast_in_dim3A_1398 = vector.shape_cast %reduce_sum3A_1397 : vector<256xi32> to vector<256x1xi32>
    %add3A_1399 = arith.addi %get3A_1391, %broadcast_in_dim3A_1398 : vector<256x1xi32>
    %swap3A_1400 = arith.constant 0 : index
    %swap3A_1401 = arith.constant 17 : index
    %swap3A_1402 = vector.load %arg11[%swap3A_1400, %swap3A_1401] : memref<256x32xi32, #tpu.memory_space<vmem>>, vector<256x1xi32>
    tpu.vector_store %arg11[%swap3A_1400, %swap3A_1401], %add3A_1399 {strides = array<i32>} : memref<256x32xi32, #tpu.memory_space<vmem>>, vector<256x1xi32>,
    %get3A_1403 = arith.constant 0 : index
    %get3A_1404 = arith.constant 18 : index
    %get3A_1405 = vector.load %arg11[%get3A_1403, %get3A_1404] : memref<256x32xi32, #tpu.memory_space<vmem>>, vector<256x1xi32>
    %le3A_1406 = arith.constant 18 : i32
    %le3A_1407 = vector.broadcast %le3A_1406 : i32 to vector<256x2048xi32>
    %le3A_1408 = arith.cmpi sle, %add3A_1150, %le3A_1407 : vector<256x2048xi32>
    %convert_element_type3A_1409 = arith.extui %le3A_1408 : vector<256x2048xi1> to vector<256x2048xi32>
    %reduce_sum3A_1410 = arith.constant dense<0> : vector<256xi32>
    %reduce_sum3A_1411 = vector.multi_reduction <add>, %convert_element_type3A_1409, %reduce_sum3A_1410 [1] : vector<256x2048xi32> to vector<256xi32>
    %broadcast_in_dim3A_1412 = vector.shape_cast %reduce_sum3A_1411 : vector<256xi32> to vector<256x1xi32>
    %add3A_1413 = arith.addi %get3A_1405, %broadcast_in_dim3A_1412 : vector<256x1xi32>
    %swap3A_1414 = arith.constant 0 : index
    %swap3A_1415 = arith.constant 18 : index
    %swap3A_1416 = vector.load %arg11[%swap3A_1414, %swap3A_1415] : memref<256x32xi32, #tpu.memory_space<vmem>>, vector<256x1xi32>
    tpu.vector_store %arg11[%swap3A_1414, %swap3A_1415], %add3A_1413 {strides = array<i32>} : memref<256x32xi32, #tpu.memory_space<vmem>>, vector<256x1xi32>,
    %get3A_1417 = arith.constant 0 : index
    %get3A_1418 = arith.constant 19 : index
    %get3A_1419 = vector.load %arg11[%get3A_1417, %get3A_1418] : memref<256x32xi32, #tpu.memory_space<vmem>>, vector<256x1xi32>
    %le3A_1420 = arith.constant 19 : i32
    %le3A_1421 = vector.broadcast %le3A_1420 : i32 to vector<256x2048xi32>
    %le3A_1422 = arith.cmpi sle, %add3A_1150, %le3A_1421 : vector<256x2048xi32>
    %convert_element_type3A_1423 = arith.extui %le3A_1422 : vector<256x2048xi1> to vector<256x2048xi32>
    %reduce_sum3A_1424 = arith.constant dense<0> : vector<256xi32>
    %reduce_sum3A_1425 = vector.multi_reduction <add>, %convert_element_type3A_1423, %reduce_sum3A_1424 [1] : vector<256x2048xi32> to vector<256xi32>
    %broadcast_in_dim3A_1426 = vector.shape_cast %reduce_sum3A_1425 : vector<256xi32> to vector<256x1xi32>
    %add3A_1427 = arith.addi %get3A_1419, %broadcast_in_dim3A_1426 : vector<256x1xi32>
    %swap3A_1428 = arith.constant 0 : index
    %swap3A_1429 = arith.constant 19 : index
    %swap3A_1430 = vector.load %arg11[%swap3A_1428, %swap3A_1429] : memref<256x32xi32, #tpu.memory_space<vmem>>, vector<256x1xi32>
    tpu.vector_store %arg11[%swap3A_1428, %swap3A_1429], %add3A_1427 {strides = array<i32>} : memref<256x32xi32, #tpu.memory_space<vmem>>, vector<256x1xi32>,
    %get3A_1431 = arith.constant 0 : index
    %get3A_1432 = arith.constant 20 : index
    %get3A_1433 = vector.load %arg11[%get3A_1431, %get3A_1432] : memref<256x32xi32, #tpu.memory_space<vmem>>, vector<256x1xi32>
    %le3A_1434 = arith.constant 20 : i32
    %le3A_1435 = vector.broadcast %le3A_1434 : i32 to vector<256x2048xi32>
    %le3A_1436 = arith.cmpi sle, %add3A_1150, %le3A_1435 : vector<256x2048xi32>
    %convert_element_type3A_1437 = arith.extui %le3A_1436 : vector<256x2048xi1> to vector<256x2048xi32>
    %reduce_sum3A_1438 = arith.constant dense<0> : vector<256xi32>
    %reduce_sum3A_1439 = vector.multi_reduction <add>, %convert_element_type3A_1437, %reduce_sum3A_1438 [1] : vector<256x2048xi32> to vector<256xi32>
    %broadcast_in_dim3A_1440 = vector.shape_cast %reduce_sum3A_1439 : vector<256xi32> to vector<256x1xi32>
    %add3A_1441 = arith.addi %get3A_1433, %broadcast_in_dim3A_1440 : vector<256x1xi32>
    %swap3A_1442 = arith.constant 0 : index
    %swap3A_1443 = arith.constant 20 : index
    %swap3A_1444 = vector.load %arg11[%swap3A_1442, %swap3A_1443] : memref<256x32xi32, #tpu.memory_space<vmem>>, vector<256x1xi32>
    tpu.vector_store %arg11[%swap3A_1442, %swap3A_1443], %add3A_1441 {strides = array<i32>} : memref<256x32xi32, #tpu.memory_space<vmem>>, vector<256x1xi32>,
    %get3A_1445 = arith.constant 0 : index
    %get3A_1446 = arith.constant 21 : index
    %get3A_1447 = vector.load %arg11[%get3A_1445, %get3A_1446] : memref<256x32xi32, #tpu.memory_space<vmem>>, vector<256x1xi32>
    %le3A_1448 = arith.constant 21 : i32
    %le3A_1449 = vector.broadcast %le3A_1448 : i32 to vector<256x2048xi32>
    %le3A_1450 = arith.cmpi sle, %add3A_1150, %le3A_1449 : vector<256x2048xi32>
    %convert_element_type3A_1451 = arith.extui %le3A_1450 : vector<256x2048xi1> to vector<256x2048xi32>
    %reduce_sum3A_1452 = arith.constant dense<0> : vector<256xi32>
    %reduce_sum3A_1453 = vector.multi_reduction <add>, %convert_element_type3A_1451, %reduce_sum3A_1452 [1] : vector<256x2048xi32> to vector<256xi32>
    %broadcast_in_dim3A_1454 = vector.shape_cast %reduce_sum3A_1453 : vector<256xi32> to vector<256x1xi32>
    %add3A_1455 = arith.addi %get3A_1447, %broadcast_in_dim3A_1454 : vector<256x1xi32>
    %swap3A_1456 = arith.constant 0 : index
    %swap3A_1457 = arith.constant 21 : index
    %swap3A_1458 = vector.load %arg11[%swap3A_1456, %swap3A_1457] : memref<256x32xi32, #tpu.memory_space<vmem>>, vector<256x1xi32>
    tpu.vector_store %arg11[%swap3A_1456, %swap3A_1457], %add3A_1455 {strides = array<i32>} : memref<256x32xi32, #tpu.memory_space<vmem>>, vector<256x1xi32>,
    %get3A_1459 = arith.constant 0 : index
    %get3A_1460 = arith.constant 22 : index
    %get3A_1461 = vector.load %arg11[%get3A_1459, %get3A_1460] : memref<256x32xi32, #tpu.memory_space<vmem>>, vector<256x1xi32>
    %le3A_1462 = arith.constant 22 : i32
    %le3A_1463 = vector.broadcast %le3A_1462 : i32 to vector<256x2048xi32>
    %le3A_1464 = arith.cmpi sle, %add3A_1150, %le3A_1463 : vector<256x2048xi32>
    %convert_element_type3A_1465 = arith.extui %le3A_1464 : vector<256x2048xi1> to vector<256x2048xi32>
    %reduce_sum3A_1466 = arith.constant dense<0> : vector<256xi32>
    %reduce_sum3A_1467 = vector.multi_reduction <add>, %convert_element_type3A_1465, %reduce_sum3A_1466 [1] : vector<256x2048xi32> to vector<256xi32>
    %broadcast_in_dim3A_1468 = vector.shape_cast %reduce_sum3A_1467 : vector<256xi32> to vector<256x1xi32>
    %add3A_1469 = arith.addi %get3A_1461, %broadcast_in_dim3A_1468 : vector<256x1xi32>
    %swap3A_1470 = arith.constant 0 : index
    %swap3A_1471 = arith.constant 22 : index
    %swap3A_1472 = vector.load %arg11[%swap3A_1470, %swap3A_1471] : memref<256x32xi32, #tpu.memory_space<vmem>>, vector<256x1xi32>
    tpu.vector_store %arg11[%swap3A_1470, %swap3A_1471], %add3A_1469 {strides = array<i32>} : memref<256x32xi32, #tpu.memory_space<vmem>>, vector<256x1xi32>,
    %get3A_1473 = arith.constant 0 : index
    %get3A_1474 = arith.constant 23 : index
    %get3A_1475 = vector.load %arg11[%get3A_1473, %get3A_1474] : memref<256x32xi32, #tpu.memory_space<vmem>>, vector<256x1xi32>
    %le3A_1476 = arith.constant 23 : i32
    %le3A_1477 = vector.broadcast %le3A_1476 : i32 to vector<256x2048xi32>
    %le3A_1478 = arith.cmpi sle, %add3A_1150, %le3A_1477 : vector<256x2048xi32>
    %convert_element_type3A_1479 = arith.extui %le3A_1478 : vector<256x2048xi1> to vector<256x2048xi32>
    %reduce_sum3A_1480 = arith.constant dense<0> : vector<256xi32>
    %reduce_sum3A_1481 = vector.multi_reduction <add>, %convert_element_type3A_1479, %reduce_sum3A_1480 [1] : vector<256x2048xi32> to vector<256xi32>
    %broadcast_in_dim3A_1482 = vector.shape_cast %reduce_sum3A_1481 : vector<256xi32> to vector<256x1xi32>
    %add3A_1483 = arith.addi %get3A_1475, %broadcast_in_dim3A_1482 : vector<256x1xi32>
    %swap3A_1484 = arith.constant 0 : index
    %swap3A_1485 = arith.constant 23 : index
    %swap3A_1486 = vector.load %arg11[%swap3A_1484, %swap3A_1485] : memref<256x32xi32, #tpu.memory_space<vmem>>, vector<256x1xi32>
    tpu.vector_store %arg11[%swap3A_1484, %swap3A_1485], %add3A_1483 {strides = array<i32>} : memref<256x32xi32, #tpu.memory_space<vmem>>, vector<256x1xi32>,
    %get3A_1487 = arith.constant 0 : index
    %get3A_1488 = arith.constant 24 : index
    %get3A_1489 = vector.load %arg11[%get3A_1487, %get3A_1488] : memref<256x32xi32, #tpu.memory_space<vmem>>, vector<256x1xi32>
    %le3A_1490 = arith.constant 24 : i32
    %le3A_1491 = vector.broadcast %le3A_1490 : i32 to vector<256x2048xi32>
    %le3A_1492 = arith.cmpi sle, %add3A_1150, %le3A_1491 : vector<256x2048xi32>
    %convert_element_type3A_1493 = arith.extui %le3A_1492 : vector<256x2048xi1> to vector<256x2048xi32>
    %reduce_sum3A_1494 = arith.constant dense<0> : vector<256xi32>
    %reduce_sum3A_1495 = vector.multi_reduction <add>, %convert_element_type3A_1493, %reduce_sum3A_1494 [1] : vector<256x2048xi32> to vector<256xi32>
    %broadcast_in_dim3A_1496 = vector.shape_cast %reduce_sum3A_1495 : vector<256xi32> to vector<256x1xi32>
    %add3A_1497 = arith.addi %get3A_1489, %broadcast_in_dim3A_1496 : vector<256x1xi32>
    %swap3A_1498 = arith.constant 0 : index
    %swap3A_1499 = arith.constant 24 : index
    %swap3A_1500 = vector.load %arg11[%swap3A_1498, %swap3A_1499] : memref<256x32xi32, #tpu.memory_space<vmem>>, vector<256x1xi32>
    tpu.vector_store %arg11[%swap3A_1498, %swap3A_1499], %add3A_1497 {strides = array<i32>} : memref<256x32xi32, #tpu.memory_space<vmem>>, vector<256x1xi32>,
    %get3A_1501 = arith.constant 0 : index
    %get3A_1502 = arith.constant 25 : index
    %get3A_1503 = vector.load %arg11[%get3A_1501, %get3A_1502] : memref<256x32xi32, #tpu.memory_space<vmem>>, vector<256x1xi32>
    %le3A_1504 = arith.constant 25 : i32
    %le3A_1505 = vector.broadcast %le3A_1504 : i32 to vector<256x2048xi32>
    %le3A_1506 = arith.cmpi sle, %add3A_1150, %le3A_1505 : vector<256x2048xi32>
    %convert_element_type3A_1507 = arith.extui %le3A_1506 : vector<256x2048xi1> to vector<256x2048xi32>
    %reduce_sum3A_1508 = arith.constant dense<0> : vector<256xi32>
    %reduce_sum3A_1509 = vector.multi_reduction <add>, %convert_element_type3A_1507, %reduce_sum3A_1508 [1] : vector<256x2048xi32> to vector<256xi32>
    %broadcast_in_dim3A_1510 = vector.shape_cast %reduce_sum3A_1509 : vector<256xi32> to vector<256x1xi32>
    %add3A_1511 = arith.addi %get3A_1503, %broadcast_in_dim3A_1510 : vector<256x1xi32>
    %swap3A_1512 = arith.constant 0 : index
    %swap3A_1513 = arith.constant 25 : index
    %swap3A_1514 = vector.load %arg11[%swap3A_1512, %swap3A_1513] : memref<256x32xi32, #tpu.memory_space<vmem>>, vector<256x1xi32>
    tpu.vector_store %arg11[%swap3A_1512, %swap3A_1513], %add3A_1511 {strides = array<i32>} : memref<256x32xi32, #tpu.memory_space<vmem>>, vector<256x1xi32>,
    %get3A_1515 = arith.constant 0 : index
    %get3A_1516 = arith.constant 26 : index
    %get3A_1517 = vector.load %arg11[%get3A_1515, %get3A_1516] : memref<256x32xi32, #tpu.memory_space<vmem>>, vector<256x1xi32>
    %le3A_1518 = arith.constant 26 : i32
    %le3A_1519 = vector.broadcast %le3A_1518 : i32 to vector<256x2048xi32>
    %le3A_1520 = arith.cmpi sle, %add3A_1150, %le3A_1519 : vector<256x2048xi32>
    %convert_element_type3A_1521 = arith.extui %le3A_1520 : vector<256x2048xi1> to vector<256x2048xi32>
    %reduce_sum3A_1522 = arith.constant dense<0> : vector<256xi32>
    %reduce_sum3A_1523 = vector.multi_reduction <add>, %convert_element_type3A_1521, %reduce_sum3A_1522 [1] : vector<256x2048xi32> to vector<256xi32>
    %broadcast_in_dim3A_1524 = vector.shape_cast %reduce_sum3A_1523 : vector<256xi32> to vector<256x1xi32>
    %add3A_1525 = arith.addi %get3A_1517, %broadcast_in_dim3A_1524 : vector<256x1xi32>
    %swap3A_1526 = arith.constant 0 : index
    %swap3A_1527 = arith.constant 26 : index
    %swap3A_1528 = vector.load %arg11[%swap3A_1526, %swap3A_1527] : memref<256x32xi32, #tpu.memory_space<vmem>>, vector<256x1xi32>
    tpu.vector_store %arg11[%swap3A_1526, %swap3A_1527], %add3A_1525 {strides = array<i32>} : memref<256x32xi32, #tpu.memory_space<vmem>>, vector<256x1xi32>,
    %get3A_1529 = arith.constant 0 : index
    %get3A_1530 = arith.constant 27 : index
    %get3A_1531 = vector.load %arg11[%get3A_1529, %get3A_1530] : memref<256x32xi32, #tpu.memory_space<vmem>>, vector<256x1xi32>
    %le3A_1532 = arith.constant 27 : i32
    %le3A_1533 = vector.broadcast %le3A_1532 : i32 to vector<256x2048xi32>
    %le3A_1534 = arith.cmpi sle, %add3A_1150, %le3A_1533 : vector<256x2048xi32>
    %convert_element_type3A_1535 = arith.extui %le3A_1534 : vector<256x2048xi1> to vector<256x2048xi32>
    %reduce_sum3A_1536 = arith.constant dense<0> : vector<256xi32>
    %reduce_sum3A_1537 = vector.multi_reduction <add>, %convert_element_type3A_1535, %reduce_sum3A_1536 [1] : vector<256x2048xi32> to vector<256xi32>
    %broadcast_in_dim3A_1538 = vector.shape_cast %reduce_sum3A_1537 : vector<256xi32> to vector<256x1xi32>
    %add3A_1539 = arith.addi %get3A_1531, %broadcast_in_dim3A_1538 : vector<256x1xi32>
    %swap3A_1540 = arith.constant 0 : index
    %swap3A_1541 = arith.constant 27 : index
    %swap3A_1542 = vector.load %arg11[%swap3A_1540, %swap3A_1541] : memref<256x32xi32, #tpu.memory_space<vmem>>, vector<256x1xi32>
    tpu.vector_store %arg11[%swap3A_1540, %swap3A_1541], %add3A_1539 {strides = array<i32>} : memref<256x32xi32, #tpu.memory_space<vmem>>, vector<256x1xi32>,
    %get3A_1543 = arith.constant 0 : index
    %get3A_1544 = arith.constant 28 : index
    %get3A_1545 = vector.load %arg11[%get3A_1543, %get3A_1544] : memref<256x32xi32, #tpu.memory_space<vmem>>, vector<256x1xi32>
    %le3A_1546 = arith.constant 28 : i32
    %le3A_1547 = vector.broadcast %le3A_1546 : i32 to vector<256x2048xi32>
    %le3A_1548 = arith.cmpi sle, %add3A_1150, %le3A_1547 : vector<256x2048xi32>
    %convert_element_type3A_1549 = arith.extui %le3A_1548 : vector<256x2048xi1> to vector<256x2048xi32>
    %reduce_sum3A_1550 = arith.constant dense<0> : vector<256xi32>
    %reduce_sum3A_1551 = vector.multi_reduction <add>, %convert_element_type3A_1549, %reduce_sum3A_1550 [1] : vector<256x2048xi32> to vector<256xi32>
    %broadcast_in_dim3A_1552 = vector.shape_cast %reduce_sum3A_1551 : vector<256xi32> to vector<256x1xi32>
    %add3A_1553 = arith.addi %get3A_1545, %broadcast_in_dim3A_1552 : vector<256x1xi32>
    %swap3A_1554 = arith.constant 0 : index
    %swap3A_1555 = arith.constant 28 : index
    %swap3A_1556 = vector.load %arg11[%swap3A_1554, %swap3A_1555] : memref<256x32xi32, #tpu.memory_space<vmem>>, vector<256x1xi32>
    tpu.vector_store %arg11[%swap3A_1554, %swap3A_1555], %add3A_1553 {strides = array<i32>} : memref<256x32xi32, #tpu.memory_space<vmem>>, vector<256x1xi32>,
    %get3A_1557 = arith.constant 0 : index
    %get3A_1558 = arith.constant 29 : index
    %get3A_1559 = vector.load %arg11[%get3A_1557, %get3A_1558] : memref<256x32xi32, #tpu.memory_space<vmem>>, vector<256x1xi32>
    %le3A_1560 = arith.constant 29 : i32
    %le3A_1561 = vector.broadcast %le3A_1560 : i32 to vector<256x2048xi32>
    %le3A_1562 = arith.cmpi sle, %add3A_1150, %le3A_1561 : vector<256x2048xi32>
    %convert_element_type3A_1563 = arith.extui %le3A_1562 : vector<256x2048xi1> to vector<256x2048xi32>
    %reduce_sum3A_1564 = arith.constant dense<0> : vector<256xi32>
    %reduce_sum3A_1565 = vector.multi_reduction <add>, %convert_element_type3A_1563, %reduce_sum3A_1564 [1] : vector<256x2048xi32> to vector<256xi32>
    %broadcast_in_dim3A_1566 = vector.shape_cast %reduce_sum3A_1565 : vector<256xi32> to vector<256x1xi32>
    %add3A_1567 = arith.addi %get3A_1559, %broadcast_in_dim3A_1566 : vector<256x1xi32>
    %swap3A_1568 = arith.constant 0 : index
    %swap3A_1569 = arith.constant 29 : index
    %swap3A_1570 = vector.load %arg11[%swap3A_1568, %swap3A_1569] : memref<256x32xi32, #tpu.memory_space<vmem>>, vector<256x1xi32>
    tpu.vector_store %arg11[%swap3A_1568, %swap3A_1569], %add3A_1567 {strides = array<i32>} : memref<256x32xi32, #tpu.memory_space<vmem>>, vector<256x1xi32>,
    %get3A_1571 = arith.constant 0 : index
    %get3A_1572 = arith.constant 30 : index
    %get3A_1573 = vector.load %arg11[%get3A_1571, %get3A_1572] : memref<256x32xi32, #tpu.memory_space<vmem>>, vector<256x1xi32>
    %le3A_1574 = arith.constant 30 : i32
    %le3A_1575 = vector.broadcast %le3A_1574 : i32 to vector<256x2048xi32>
    %le3A_1576 = arith.cmpi sle, %add3A_1150, %le3A_1575 : vector<256x2048xi32>
    %convert_element_type3A_1577 = arith.extui %le3A_1576 : vector<256x2048xi1> to vector<256x2048xi32>
    %reduce_sum3A_1578 = arith.constant dense<0> : vector<256xi32>
    %reduce_sum3A_1579 = vector.multi_reduction <add>, %convert_element_type3A_1577, %reduce_sum3A_1578 [1] : vector<256x2048xi32> to vector<256xi32>
    %broadcast_in_dim3A_1580 = vector.shape_cast %reduce_sum3A_1579 : vector<256xi32> to vector<256x1xi32>
    %add3A_1581 = arith.addi %get3A_1573, %broadcast_in_dim3A_1580 : vector<256x1xi32>
    %swap3A_1582 = arith.constant 0 : index
    %swap3A_1583 = arith.constant 30 : index
    %swap3A_1584 = vector.load %arg11[%swap3A_1582, %swap3A_1583] : memref<256x32xi32, #tpu.memory_space<vmem>>, vector<256x1xi32>
    tpu.vector_store %arg11[%swap3A_1582, %swap3A_1583], %add3A_1581 {strides = array<i32>} : memref<256x32xi32, #tpu.memory_space<vmem>>, vector<256x1xi32>,
    %get3A_1585 = arith.constant 0 : index
    %get3A_1586 = arith.constant 31 : index
    %get3A_1587 = vector.load %arg11[%get3A_1585, %get3A_1586] : memref<256x32xi32, #tpu.memory_space<vmem>>, vector<256x1xi32>
    %le3A_1588 = arith.constant 31 : i32
    %le3A_1589 = vector.broadcast %le3A_1588 : i32 to vector<256x2048xi32>
    %le3A_1590 = arith.cmpi sle, %add3A_1150, %le3A_1589 : vector<256x2048xi32>
    %convert_element_type3A_1591 = arith.extui %le3A_1590 : vector<256x2048xi1> to vector<256x2048xi32>
    %reduce_sum3A_1592 = arith.constant dense<0> : vector<256xi32>
    %reduce_sum3A_1593 = vector.multi_reduction <add>, %convert_element_type3A_1591, %reduce_sum3A_1592 [1] : vector<256x2048xi32> to vector<256xi32>
    %broadcast_in_dim3A_1594 = vector.shape_cast %reduce_sum3A_1593 : vector<256xi32> to vector<256x1xi32>
    %add3A_1595 = arith.addi %get3A_1587, %broadcast_in_dim3A_1594 : vector<256x1xi32>
    %swap3A_1596 = arith.constant 0 : index
    %swap3A_1597 = arith.constant 31 : index
    %swap3A_1598 = vector.load %arg11[%swap3A_1596, %swap3A_1597] : memref<256x32xi32, #tpu.memory_space<vmem>>, vector<256x1xi32>
    tpu.vector_store %arg11[%swap3A_1596, %swap3A_1597], %add3A_1595 {strides = array<i32>} : memref<256x32xi32, #tpu.memory_space<vmem>>, vector<256x1xi32>,
    %slice3A_1599 = vector.extract_strided_slice %add3A_1150 {offsets = [0, 2047], sizes = [256, 1], strides = [1, 1]} : vector<256x2048xi32> to vector<256x1xi32>
    %swap3A_1600 = arith.constant 0 : index
    %swap3A_1601 = arith.constant 2 : index
    %swap3A_1602 = vector.load %arg8[%swap3A_1600, %swap3A_1601] : memref<256x8xi32, #tpu.memory_space<vmem>>, vector<256x1xi32>
    tpu.vector_store %arg8[%swap3A_1600, %swap3A_1601], %slice3A_1599 {strides = array<i32>} : memref<256x8xi32, #tpu.memory_space<vmem>>, vector<256x1xi32>,
    %eq3A_1603 = arith.constant 3 : i32
    %eq3A_1604 = arith.cmpi eq, %arg2, %eq3A_1603 : i32
    %convert_element_type3A_1605 = arith.extui %eq3A_1604 : i1 to i32
    %cond3A_1606 = arith.constant 0 : i32
    %cond3A_1607 = arith.cmpi ne, %convert_element_type3A_1605, %cond3A_1606 : i32
    scf.if %cond3A_1607 {
      %mul3A_1608 = arith.constant 8192 : i32
      %mul3A_1609 = arith.muli %arg0, %mul3A_1608 : i32
      %iota3A = tpu.iota {dimensions = array<i32: 1>} : vector<256x32xi32>
      %get3A_1610 = arith.constant 0 : index
      %get3A_1611 = arith.constant 0 : index
      %get3A_1612 = vector.load %arg9[%get3A_1610, %get3A_1611] : memref<256x32xi32, #tpu.memory_space<vmem>>, vector<256x32xi32>
      %get3A_1613 = arith.constant 0 : index
      %get3A_1614 = arith.constant 0 : index
      %get3A_1615 = vector.load %arg8[%get3A_1613, %get3A_1614] : memref<256x8xi32, #tpu.memory_space<vmem>>, vector<256x1xi32>
      %min3A = arith.constant 32 : i32
      %min3A_1616 = vector.broadcast %min3A : i32 to vector<256x1xi32>
      %min3A_1617 = arith.minsi %get3A_1615, %min3A_1616 : vector<256x1xi32>
      %lt3A = vector.broadcast %min3A_1617 : vector<256x1xi32> to vector<256x32xi32>
      %lt3A_1618 = arith.cmpi slt, %iota3A, %lt3A : vector<256x32xi32>
      %slice3A_1619 = vector.extract_strided_slice %get3A_1612 {offsets = [0, 0], sizes = [256, 1], strides = [1, 1]} : vector<256x32xi32> to vector<256x1xi32>
      %broadcast_in_dim3A_1620 = vector.shape_cast %slice3A_1619 : vector<256x1xi32> to vector<256x1xi32>
      %broadcast_in_dim3A_1621 = vector.broadcast %broadcast_in_dim3A_1620 : vector<256x1xi32> to vector<256x32xi32>
      %select_n3A = arith.select %lt3A_1618, %get3A_1612, %broadcast_in_dim3A_1621 : vector<256x32xi1>, vector<256x32xi32>
      %eq3A_1622 = arith.constant 0 : i32
      %eq3A_1623 = vector.broadcast %eq3A_1622 : i32 to vector<256x1xi32>
      %eq3A_1624 = arith.cmpi eq, %min3A_1617, %eq3A_1623 : vector<256x1xi32>
      %jit3A = arith.constant 8191 : i32
      %broadcast_in_dim3A_1625 = vector.shape_cast %eq3A_1624 : vector<256x1xi1> to vector<256x1xi1>
      %broadcast_in_dim3A_1626 = vector.broadcast %broadcast_in_dim3A_1625 : vector<256x1xi1> to vector<256x32xi1>
      %broadcast_in_dim3A_1627 = vector.broadcast %jit3A : i32 to vector<256x32xi32>
      %select_n3A_1628 = arith.select %broadcast_in_dim3A_1626, %broadcast_in_dim3A_1627, %select_n3A : vector<256x32xi1>, vector<256x32xi32>
      %add3A_1629 = vector.broadcast %mul3A_1609 : i32 to vector<256x32xi32>
      %add3A_1630 = arith.addi %select_n3A_1628, %add3A_1629 : vector<256x32xi32>
      %swap3A_1631 = arith.constant 0 : index
      %swap3A_1632 = arith.constant 0 : index
      %swap3A_1633 = arith.constant 0 : index
      %swap3A_1634 = vector.load %arg5[%swap3A_1631, %swap3A_1632, %swap3A_1633] : memref<1x256x32xi32, #tpu.memory_space<vmem>>, vector<1x256x32xi32>
      %swap3A_1635 = vector.shape_cast %swap3A_1634 : vector<1x256x32xi32> to vector<256x32xi32>
      %swap3A_1636 = vector.shape_cast %add3A_1630 : vector<256x32xi32> to vector<1x256x32xi32>
      tpu.vector_store %arg5[%swap3A_1631, %swap3A_1632, %swap3A_1633], %swap3A_1636 {strides = array<i32>} : memref<1x256x32xi32, #tpu.memory_space<vmem>>, vector<1x256x32xi32>,
      %get3A_1637 = arith.constant 0 : index
      %get3A_1638 = arith.constant 0 : index
      %get3A_1639 = vector.load %arg10[%get3A_1637, %get3A_1638] : memref<256x32xi32, #tpu.memory_space<vmem>>, vector<256x32xi32>
      %get3A_1640 = arith.constant 0 : index
      %get3A_1641 = arith.constant 1 : index
      %get3A_1642 = vector.load %arg8[%get3A_1640, %get3A_1641] : memref<256x8xi32, #tpu.memory_space<vmem>>, vector<256x1xi32>
      %min3A_1643 = arith.constant 32 : i32
      %min3A_1644 = vector.broadcast %min3A_1643 : i32 to vector<256x1xi32>
      %min3A_1645 = arith.minsi %get3A_1642, %min3A_1644 : vector<256x1xi32>
      %lt3A_1646 = vector.broadcast %min3A_1645 : vector<256x1xi32> to vector<256x32xi32>
      %lt3A_1647 = arith.cmpi slt, %iota3A, %lt3A_1646 : vector<256x32xi32>
      %slice3A_1648 = vector.extract_strided_slice %get3A_1639 {offsets = [0, 0], sizes = [256, 1], strides = [1, 1]} : vector<256x32xi32> to vector<256x1xi32>
      %broadcast_in_dim3A_1649 = vector.shape_cast %slice3A_1648 : vector<256x1xi32> to vector<256x1xi32>
      %broadcast_in_dim3A_1650 = vector.broadcast %broadcast_in_dim3A_1649 : vector<256x1xi32> to vector<256x32xi32>
      %select_n3A_1651 = arith.select %lt3A_1647, %get3A_1639, %broadcast_in_dim3A_1650 : vector<256x32xi1>, vector<256x32xi32>
      %eq3A_1652 = arith.constant 0 : i32
      %eq3A_1653 = vector.broadcast %eq3A_1652 : i32 to vector<256x1xi32>
      %eq3A_1654 = arith.cmpi eq, %min3A_1645, %eq3A_1653 : vector<256x1xi32>
      %jit3A_1655 = arith.constant 8191 : i32
      %broadcast_in_dim3A_1656 = vector.shape_cast %eq3A_1654 : vector<256x1xi1> to vector<256x1xi1>
      %broadcast_in_dim3A_1657 = vector.broadcast %broadcast_in_dim3A_1656 : vector<256x1xi1> to vector<256x32xi1>
      %broadcast_in_dim3A_1658 = vector.broadcast %jit3A_1655 : i32 to vector<256x32xi32>
      %select_n3A_1659 = arith.select %broadcast_in_dim3A_1657, %broadcast_in_dim3A_1658, %select_n3A_1651 : vector<256x32xi1>, vector<256x32xi32>
      %add3A_1660 = vector.broadcast %mul3A_1609 : i32 to vector<256x32xi32>
      %add3A_1661 = arith.addi %select_n3A_1659, %add3A_1660 : vector<256x32xi32>
      %swap3A_1662 = arith.constant 0 : index
      %swap3A_1663 = arith.constant 0 : index
      %swap3A_1664 = arith.constant 0 : index
      %swap3A_1665 = vector.load %arg6[%swap3A_1662, %swap3A_1663, %swap3A_1664] : memref<1x256x32xi32, #tpu.memory_space<vmem>>, vector<1x256x32xi32>
      %swap3A_1666 = vector.shape_cast %swap3A_1665 : vector<1x256x32xi32> to vector<256x32xi32>
      %swap3A_1667 = vector.shape_cast %add3A_1661 : vector<256x32xi32> to vector<1x256x32xi32>
      tpu.vector_store %arg6[%swap3A_1662, %swap3A_1663, %swap3A_1664], %swap3A_1667 {strides = array<i32>} : memref<1x256x32xi32, #tpu.memory_space<vmem>>, vector<1x256x32xi32>,
      %get3A_1668 = arith.constant 0 : index
      %get3A_1669 = arith.constant 0 : index
      %get3A_1670 = vector.load %arg11[%get3A_1668, %get3A_1669] : memref<256x32xi32, #tpu.memory_space<vmem>>, vector<256x32xi32>
      %get3A_1671 = arith.constant 0 : index
      %get3A_1672 = arith.constant 2 : index
      %get3A_1673 = vector.load %arg8[%get3A_1671, %get3A_1672] : memref<256x8xi32, #tpu.memory_space<vmem>>, vector<256x1xi32>
      %min3A_1674 = arith.constant 32 : i32
      %min3A_1675 = vector.broadcast %min3A_1674 : i32 to vector<256x1xi32>
      %min3A_1676 = arith.minsi %get3A_1673, %min3A_1675 : vector<256x1xi32>
      %lt3A_1677 = vector.broadcast %min3A_1676 : vector<256x1xi32> to vector<256x32xi32>
      %lt3A_1678 = arith.cmpi slt, %iota3A, %lt3A_1677 : vector<256x32xi32>
      %slice3A_1679 = vector.extract_strided_slice %get3A_1670 {offsets = [0, 0], sizes = [256, 1], strides = [1, 1]} : vector<256x32xi32> to vector<256x1xi32>
      %broadcast_in_dim3A_1680 = vector.shape_cast %slice3A_1679 : vector<256x1xi32> to vector<256x1xi32>
      %broadcast_in_dim3A_1681 = vector.broadcast %broadcast_in_dim3A_1680 : vector<256x1xi32> to vector<256x32xi32>
      %select_n3A_1682 = arith.select %lt3A_1678, %get3A_1670, %broadcast_in_dim3A_1681 : vector<256x32xi1>, vector<256x32xi32>
      %eq3A_1683 = arith.constant 0 : i32
      %eq3A_1684 = vector.broadcast %eq3A_1683 : i32 to vector<256x1xi32>
      %eq3A_1685 = arith.cmpi eq, %min3A_1676, %eq3A_1684 : vector<256x1xi32>
      %jit3A_1686 = arith.constant 8191 : i32
      %broadcast_in_dim3A_1687 = vector.shape_cast %eq3A_1685 : vector<256x1xi1> to vector<256x1xi1>
      %broadcast_in_dim3A_1688 = vector.broadcast %broadcast_in_dim3A_1687 : vector<256x1xi1> to vector<256x32xi1>
      %broadcast_in_dim3A_1689 = vector.broadcast %jit3A_1686 : i32 to vector<256x32xi32>
      %select_n3A_1690 = arith.select %broadcast_in_dim3A_1688, %broadcast_in_dim3A_1689, %select_n3A_1682 : vector<256x32xi1>, vector<256x32xi32>
      %add3A_1691 = vector.broadcast %mul3A_1609 : i32 to vector<256x32xi32>
      %add3A_1692 = arith.addi %select_n3A_1690, %add3A_1691 : vector<256x32xi32>
      %swap3A_1693 = arith.constant 0 : index
      %swap3A_1694 = arith.constant 0 : index
      %swap3A_1695 = arith.constant 0 : index
      %swap3A_1696 = vector.load %arg7[%swap3A_1693, %swap3A_1694, %swap3A_1695] : memref<1x256x32xi32, #tpu.memory_space<vmem>>, vector<1x256x32xi32>
      %swap3A_1697 = vector.shape_cast %swap3A_1696 : vector<1x256x32xi32> to vector<256x32xi32>
      %swap3A_1698 = vector.shape_cast %add3A_1692 : vector<256x32xi32> to vector<1x256x32xi32>
      tpu.vector_store %arg7[%swap3A_1693, %swap3A_1694, %swap3A_1695], %swap3A_1698 {strides = array<i32>} : memref<1x256x32xi32, #tpu.memory_space<vmem>>, vector<1x256x32xi32>,
    } else {
    }
    return
  }
  func.func @transform_0(%arg0: i32, %arg1: i32, %arg2: i32) -> (i32, i32, i32) {
    %c0_i32 = arith.constant 0 : i32
    %c0_i32_0 = arith.constant 0 : i32
    return %arg0, %arg1, %c0_i32 : i32, i32, i32
  }
  func.func @transform_1(%arg0: i32, %arg1: i32, %arg2: i32) -> (i32, i32, i32) {
    %c0_i32 = arith.constant 0 : i32
    %c0_i32_0 = arith.constant 0 : i32
    return %arg0, %c0_i32, %arg2 : i32, i32, i32
  }
  func.func @transform_2(%arg0: i32, %arg1: i32, %arg2: i32) -> (i32, i32, i32) {
    %c0_i32 = arith.constant 0 : i32
    %c0_i32_0 = arith.constant 0 : i32
    return %arg0, %arg1, %c0_i32 : i32, i32, i32
  }
  func.func @transform_3(%arg0: i32, %arg1: i32, %arg2: i32) -> (i32, i32, i32) {
    %c0_i32 = arith.constant 0 : i32
    %c0_i32_0 = arith.constant 0 : i32
    return %arg0, %arg1, %c0_i32 : i32, i32, i32
  }
  func.func @transform_4(%arg0: i32, %arg1: i32, %arg2: i32) -> (i32, i32, i32) {
    %c0_i32 = arith.constant 0 : i32
    %c0_i32_0 = arith.constant 0 : i32
    return %arg0, %arg1, %c0_i32 : i32, i32, i32
  }
}

module attributes {stable_mosaic.version = 14 : i64} {
  func.func @body(%arg0: i32, %arg1: i32, %arg2: memref<1x8192x64xf32, #tpu.memory_space<vmem>>, %arg3: memref<1x256x3xf32, #tpu.memory_space<vmem>>, %arg4: memref<64x67xf32, #tpu.memory_space<vmem>>, %arg5: memref<1x64xf32, #tpu.memory_space<vmem>>, %arg6: memref<64x64xf32, #tpu.memory_space<vmem>>, %arg7: memref<1x64xf32, #tpu.memory_space<vmem>>, %arg8: memref<32x64xf32, #tpu.memory_space<vmem>>, %arg9: memref<1x32xf32, #tpu.memory_space<vmem>>, %arg10: memref<1x256x32xf32, #tpu.memory_space<vmem>>) attributes {dimension_semantics = [#tpu.dimension_semantics<arbitrary>, #tpu.dimension_semantics<arbitrary>], iteration_bounds = array<i64: 2, 8>, scalar_prefetch = 0 : i64, scratch_operands = 0 : i64, tpu.core_type = #tpu.core_type<tc>, window_params = [{transform_indices = @transform_0, window_bounds = array<i64: 1, 8192, 64>}, {transform_indices = @transform_1, window_bounds = array<i64: 1, 256, 3>}, {pipeline_mode = #tpu.pipeline_mode<synchronous>, transform_indices = @transform_2, window_bounds = array<i64: 64, 67>}, {pipeline_mode = #tpu.pipeline_mode<synchronous>, transform_indices = @transform_3, window_bounds = array<i64: 1, 64>}, {pipeline_mode = #tpu.pipeline_mode<synchronous>, transform_indices = @transform_4, window_bounds = array<i64: 64, 64>}, {pipeline_mode = #tpu.pipeline_mode<synchronous>, transform_indices = @transform_5, window_bounds = array<i64: 1, 64>}, {pipeline_mode = #tpu.pipeline_mode<synchronous>, transform_indices = @transform_6, window_bounds = array<i64: 32, 64>}, {pipeline_mode = #tpu.pipeline_mode<synchronous>, transform_indices = @transform_7, window_bounds = array<i64: 1, 32>}, {transform_indices = @transform_8, window_bounds = array<i64: 1, 256, 32>}]} {
    %get3A = arith.constant 0 : index
    %get3A_0 = arith.constant 0 : index
    %get3A_1 = arith.constant 0 : index
    %get3A_2 = vector.load %arg3[%get3A, %get3A_0, %get3A_1] : memref<1x256x3xf32, #tpu.memory_space<vmem>>, vector<1x256x3xf32>
    %get3A_3 = vector.shape_cast %get3A_2 : vector<1x256x3xf32> to vector<256x3xf32>
    %get3A_4 = arith.constant 0 : index
    %get3A_5 = arith.constant 0 : index
    %get3A_6 = vector.load %arg4[%get3A_4, %get3A_5] : memref<64x67xf32, #tpu.memory_space<vmem>>, vector<64x67xf32>
    %slice3A = vector.extract_strided_slice %get3A_6 {offsets = [0, 0], sizes = [64, 3], strides = [1, 1]} : vector<64x67xf32> to vector<64x3xf32>
    %dot_general3A = arith.constant dense<0.000000e+00> : vector<256x64xf32>
    %dot_general3A_7 = tpu.matmul %get3A_3, %slice3A, %dot_general3A {dimension_numbers = #tpu.dot_dimension_numbers<[1], [1], [0], [0], [0, 0, 1, 0], [], []>, transpose_lhs_hint = false} : vector<256x3xf32>, vector<64x3xf32>, vector<256x64xf32> -> vector<256x64xf32>
    %get3A_8 = arith.constant 0 : index
    %get3A_9 = arith.constant 0 : index
    %get3A_10 = arith.constant 0 : index
    %get3A_11 = vector.load %arg2[%get3A_8, %get3A_9, %get3A_10] : memref<1x8192x64xf32, #tpu.memory_space<vmem>>, vector<1x8192x64xf32>
    %get3A_12 = vector.shape_cast %get3A_11 : vector<1x8192x64xf32> to vector<8192x64xf32>
    %reshape3A = vector.shape_cast %get3A_12 : vector<8192x64xf32> to vector<256x32x64xf32>
    %get3A_13 = arith.constant 0 : index
    %get3A_14 = arith.constant 0 : index
    %get3A_15 = vector.load %arg5[%get3A_13, %get3A_14] : memref<1x64xf32, #tpu.memory_space<vmem>>, vector<1x64xf32>
    %reshape3A_16 = vector.shape_cast %get3A_15 : vector<1x64xf32> to vector<1x1x64xf32>
    %broadcast_in_dim3A = vector.shape_cast %dot_general3A_7 : vector<256x64xf32> to vector<256x1x64xf32>
    %sub3A = vector.broadcast %broadcast_in_dim3A : vector<256x1x64xf32> to vector<256x32x64xf32>
    %sub3A_17 = arith.subf %reshape3A, %sub3A : vector<256x32x64xf32>
    %add3A = vector.broadcast %reshape3A_16 : vector<1x1x64xf32> to vector<256x32x64xf32>
    %add3A_18 = arith.addf %sub3A_17, %add3A : vector<256x32x64xf32>
    %max3A = arith.constant 0.000000e+00 : f32
    %max3A_19 = vector.broadcast %max3A : f32 to vector<256x32x64xf32>
    %max3A_20 = arith.maximumf %add3A_18, %max3A_19 : vector<256x32x64xf32>
    %reshape3A_21 = vector.shape_cast %max3A_20 : vector<256x32x64xf32> to vector<8192x64xf32>
    %get3A_22 = arith.constant 0 : index
    %get3A_23 = arith.constant 0 : index
    %get3A_24 = vector.load %arg6[%get3A_22, %get3A_23] : memref<64x64xf32, #tpu.memory_space<vmem>>, vector<64x64xf32>
    %dot_general3A_25 = arith.constant dense<0.000000e+00> : vector<8192x64xf32>
    %dot_general3A_26 = tpu.matmul %reshape3A_21, %get3A_24, %dot_general3A_25 {dimension_numbers = #tpu.dot_dimension_numbers<[1], [1], [0], [0], [0, 0, 1, 0], [], []>, transpose_lhs_hint = false} : vector<8192x64xf32>, vector<64x64xf32>, vector<8192x64xf32> -> vector<8192x64xf32>
    %get3A_27 = arith.constant 0 : index
    %get3A_28 = arith.constant 0 : index
    %get3A_29 = vector.load %arg7[%get3A_27, %get3A_28] : memref<1x64xf32, #tpu.memory_space<vmem>>, vector<1x64xf32>
    %add3A_30 = vector.broadcast %get3A_29 : vector<1x64xf32> to vector<8192x64xf32>
    %add3A_31 = arith.addf %dot_general3A_26, %add3A_30 : vector<8192x64xf32>
    %max3A_32 = arith.constant 0.000000e+00 : f32
    %max3A_33 = vector.broadcast %max3A_32 : f32 to vector<8192x64xf32>
    %max3A_34 = arith.maximumf %add3A_31, %max3A_33 : vector<8192x64xf32>
    %get3A_35 = arith.constant 0 : index
    %get3A_36 = arith.constant 0 : index
    %get3A_37 = vector.load %arg8[%get3A_35, %get3A_36] : memref<32x64xf32, #tpu.memory_space<vmem>>, vector<32x64xf32>
    %dot_general3A_38 = arith.constant dense<0.000000e+00> : vector<8192x32xf32>
    %dot_general3A_39 = tpu.matmul %max3A_34, %get3A_37, %dot_general3A_38 {dimension_numbers = #tpu.dot_dimension_numbers<[1], [1], [0], [0], [0, 0, 1, 0], [], []>, transpose_lhs_hint = false} : vector<8192x64xf32>, vector<32x64xf32>, vector<8192x32xf32> -> vector<8192x32xf32>
    %get3A_40 = arith.constant 0 : index
    %get3A_41 = arith.constant 0 : index
    %get3A_42 = vector.load %arg9[%get3A_40, %get3A_41] : memref<1x32xf32, #tpu.memory_space<vmem>>, vector<1x32xf32>
    %add3A_43 = vector.broadcast %get3A_42 : vector<1x32xf32> to vector<8192x32xf32>
    %add3A_44 = arith.addf %dot_general3A_39, %add3A_43 : vector<8192x32xf32>
    %reshape3A_45 = vector.shape_cast %add3A_44 : vector<8192x32xf32> to vector<256x32x32xf32>
    %reduce_max3A = arith.constant dense<0xFF800000> : vector<256x32xf32>
    %reduce_max3A_46 = vector.multi_reduction <maximumf>, %reshape3A_45, %reduce_max3A [1] : vector<256x32x32xf32> to vector<256x32xf32>
    %swap3A = arith.constant 0 : index
    %swap3A_47 = arith.constant 0 : index
    %swap3A_48 = arith.constant 0 : index
    %swap3A_49 = vector.load %arg10[%swap3A, %swap3A_47, %swap3A_48] : memref<1x256x32xf32, #tpu.memory_space<vmem>>, vector<1x256x32xf32>
    %swap3A_50 = vector.shape_cast %swap3A_49 : vector<1x256x32xf32> to vector<256x32xf32>
    %swap3A_51 = vector.shape_cast %reduce_max3A_46 : vector<256x32xf32> to vector<1x256x32xf32>
    tpu.vector_store %arg10[%swap3A, %swap3A_47, %swap3A_48], %swap3A_51 {strides = array<i32>} : memref<1x256x32xf32, #tpu.memory_space<vmem>>, vector<1x256x32xf32>,
    return
  }
  func.func @transform_0(%arg0: i32, %arg1: i32) -> (i32, i32, i32) {
    %c0_i32 = arith.constant 0 : i32
    %c0_i32_0 = arith.constant 0 : i32
    return %arg0, %arg1, %c0_i32 : i32, i32, i32
  }
  func.func @transform_1(%arg0: i32, %arg1: i32) -> (i32, i32, i32) {
    %c0_i32 = arith.constant 0 : i32
    %c0_i32_0 = arith.constant 0 : i32
    return %arg0, %arg1, %c0_i32 : i32, i32, i32
  }
  func.func @transform_2(%arg0: i32, %arg1: i32) -> (i32, i32) {
    %c0_i32 = arith.constant 0 : i32
    %c0_i32_0 = arith.constant 0 : i32
    %c0_i32_1 = arith.constant 0 : i32
    return %c0_i32, %c0_i32_0 : i32, i32
  }
  func.func @transform_3(%arg0: i32, %arg1: i32) -> (i32, i32) {
    %c0_i32 = arith.constant 0 : i32
    %c0_i32_0 = arith.constant 0 : i32
    %c0_i32_1 = arith.constant 0 : i32
    return %c0_i32, %c0_i32_0 : i32, i32
  }
  func.func @transform_4(%arg0: i32, %arg1: i32) -> (i32, i32) {
    %c0_i32 = arith.constant 0 : i32
    %c0_i32_0 = arith.constant 0 : i32
    %c0_i32_1 = arith.constant 0 : i32
    return %c0_i32, %c0_i32_0 : i32, i32
  }
  func.func @transform_5(%arg0: i32, %arg1: i32) -> (i32, i32) {
    %c0_i32 = arith.constant 0 : i32
    %c0_i32_0 = arith.constant 0 : i32
    %c0_i32_1 = arith.constant 0 : i32
    return %c0_i32, %c0_i32_0 : i32, i32
  }
  func.func @transform_6(%arg0: i32, %arg1: i32) -> (i32, i32) {
    %c0_i32 = arith.constant 0 : i32
    %c0_i32_0 = arith.constant 0 : i32
    %c0_i32_1 = arith.constant 0 : i32
    return %c0_i32, %c0_i32_0 : i32, i32
  }
  func.func @transform_7(%arg0: i32, %arg1: i32) -> (i32, i32) {
    %c0_i32 = arith.constant 0 : i32
    %c0_i32_0 = arith.constant 0 : i32
    %c0_i32_1 = arith.constant 0 : i32
    return %c0_i32, %c0_i32_0 : i32, i32
  }
  func.func @transform_8(%arg0: i32, %arg1: i32) -> (i32, i32, i32) {
    %c0_i32 = arith.constant 0 : i32
    %c0_i32_0 = arith.constant 0 : i32
    return %arg0, %arg1, %c0_i32 : i32, i32, i32
  }
}

module attributes {stable_mosaic.version = 14 : i64} {
  func.func @body(%arg0: i32, %arg1: i32, %arg2: memref<1x8192x64xf32, #tpu.memory_space<vmem>>, %arg3: memref<1x256x3xf32, #tpu.memory_space<vmem>>, %arg4: memref<64x67xf32, #tpu.memory_space<vmem>>, %arg5: memref<1x64xf32, #tpu.memory_space<vmem>>, %arg6: memref<64x64xf32, #tpu.memory_space<vmem>>, %arg7: memref<1x64xf32, #tpu.memory_space<vmem>>, %arg8: memref<64x64xf32, #tpu.memory_space<vmem>>, %arg9: memref<1x64xf32, #tpu.memory_space<vmem>>, %arg10: memref<1x256x64xf32, #tpu.memory_space<vmem>>) attributes {dimension_semantics = [#tpu.dimension_semantics<arbitrary>, #tpu.dimension_semantics<arbitrary>], iteration_bounds = array<i64: 2, 8>, scalar_prefetch = 0 : i64, scratch_operands = 0 : i64, tpu.core_type = #tpu.core_type<tc>, window_params = [{transform_indices = @transform_0, window_bounds = array<i64: 1, 8192, 64>}, {transform_indices = @transform_1, window_bounds = array<i64: 1, 256, 3>}, {pipeline_mode = #tpu.pipeline_mode<synchronous>, transform_indices = @transform_2, window_bounds = array<i64: 64, 67>}, {pipeline_mode = #tpu.pipeline_mode<synchronous>, transform_indices = @transform_3, window_bounds = array<i64: 1, 64>}, {pipeline_mode = #tpu.pipeline_mode<synchronous>, transform_indices = @transform_4, window_bounds = array<i64: 64, 64>}, {pipeline_mode = #tpu.pipeline_mode<synchronous>, transform_indices = @transform_5, window_bounds = array<i64: 1, 64>}, {pipeline_mode = #tpu.pipeline_mode<synchronous>, transform_indices = @transform_6, window_bounds = array<i64: 64, 64>}, {pipeline_mode = #tpu.pipeline_mode<synchronous>, transform_indices = @transform_7, window_bounds = array<i64: 1, 64>}, {transform_indices = @transform_8, window_bounds = array<i64: 1, 256, 64>}]} {
    %get3A = arith.constant 0 : index
    %get3A_0 = arith.constant 0 : index
    %get3A_1 = arith.constant 0 : index
    %get3A_2 = vector.load %arg3[%get3A, %get3A_0, %get3A_1] : memref<1x256x3xf32, #tpu.memory_space<vmem>>, vector<1x256x3xf32>
    %get3A_3 = vector.shape_cast %get3A_2 : vector<1x256x3xf32> to vector<256x3xf32>
    %get3A_4 = arith.constant 0 : index
    %get3A_5 = arith.constant 0 : index
    %get3A_6 = vector.load %arg4[%get3A_4, %get3A_5] : memref<64x67xf32, #tpu.memory_space<vmem>>, vector<64x67xf32>
    %slice3A = vector.extract_strided_slice %get3A_6 {offsets = [0, 0], sizes = [64, 3], strides = [1, 1]} : vector<64x67xf32> to vector<64x3xf32>
    %dot_general3A = arith.constant dense<0.000000e+00> : vector<256x64xf32>
    %dot_general3A_7 = tpu.matmul %get3A_3, %slice3A, %dot_general3A {dimension_numbers = #tpu.dot_dimension_numbers<[1], [1], [0], [0], [0, 0, 1, 0], [], []>, transpose_lhs_hint = false} : vector<256x3xf32>, vector<64x3xf32>, vector<256x64xf32> -> vector<256x64xf32>
    %get3A_8 = arith.constant 0 : index
    %get3A_9 = arith.constant 0 : index
    %get3A_10 = arith.constant 0 : index
    %get3A_11 = vector.load %arg2[%get3A_8, %get3A_9, %get3A_10] : memref<1x8192x64xf32, #tpu.memory_space<vmem>>, vector<1x8192x64xf32>
    %get3A_12 = vector.shape_cast %get3A_11 : vector<1x8192x64xf32> to vector<8192x64xf32>
    %reshape3A = vector.shape_cast %get3A_12 : vector<8192x64xf32> to vector<256x32x64xf32>
    %get3A_13 = arith.constant 0 : index
    %get3A_14 = arith.constant 0 : index
    %get3A_15 = vector.load %arg5[%get3A_13, %get3A_14] : memref<1x64xf32, #tpu.memory_space<vmem>>, vector<1x64xf32>
    %reshape3A_16 = vector.shape_cast %get3A_15 : vector<1x64xf32> to vector<1x1x64xf32>
    %broadcast_in_dim3A = vector.shape_cast %dot_general3A_7 : vector<256x64xf32> to vector<256x1x64xf32>
    %sub3A = vector.broadcast %broadcast_in_dim3A : vector<256x1x64xf32> to vector<256x32x64xf32>
    %sub3A_17 = arith.subf %reshape3A, %sub3A : vector<256x32x64xf32>
    %add3A = vector.broadcast %reshape3A_16 : vector<1x1x64xf32> to vector<256x32x64xf32>
    %add3A_18 = arith.addf %sub3A_17, %add3A : vector<256x32x64xf32>
    %max3A = arith.constant 0.000000e+00 : f32
    %max3A_19 = vector.broadcast %max3A : f32 to vector<256x32x64xf32>
    %max3A_20 = arith.maximumf %add3A_18, %max3A_19 : vector<256x32x64xf32>
    %reshape3A_21 = vector.shape_cast %max3A_20 : vector<256x32x64xf32> to vector<8192x64xf32>
    %get3A_22 = arith.constant 0 : index
    %get3A_23 = arith.constant 0 : index
    %get3A_24 = vector.load %arg6[%get3A_22, %get3A_23] : memref<64x64xf32, #tpu.memory_space<vmem>>, vector<64x64xf32>
    %dot_general3A_25 = arith.constant dense<0.000000e+00> : vector<8192x64xf32>
    %dot_general3A_26 = tpu.matmul %reshape3A_21, %get3A_24, %dot_general3A_25 {dimension_numbers = #tpu.dot_dimension_numbers<[1], [1], [0], [0], [0, 0, 1, 0], [], []>, transpose_lhs_hint = false} : vector<8192x64xf32>, vector<64x64xf32>, vector<8192x64xf32> -> vector<8192x64xf32>
    %get3A_27 = arith.constant 0 : index
    %get3A_28 = arith.constant 0 : index
    %get3A_29 = vector.load %arg7[%get3A_27, %get3A_28] : memref<1x64xf32, #tpu.memory_space<vmem>>, vector<1x64xf32>
    %add3A_30 = vector.broadcast %get3A_29 : vector<1x64xf32> to vector<8192x64xf32>
    %add3A_31 = arith.addf %dot_general3A_26, %add3A_30 : vector<8192x64xf32>
    %max3A_32 = arith.constant 0.000000e+00 : f32
    %max3A_33 = vector.broadcast %max3A_32 : f32 to vector<8192x64xf32>
    %max3A_34 = arith.maximumf %add3A_31, %max3A_33 : vector<8192x64xf32>
    %get3A_35 = arith.constant 0 : index
    %get3A_36 = arith.constant 0 : index
    %get3A_37 = vector.load %arg8[%get3A_35, %get3A_36] : memref<64x64xf32, #tpu.memory_space<vmem>>, vector<64x64xf32>
    %dot_general3A_38 = arith.constant dense<0.000000e+00> : vector<8192x64xf32>
    %dot_general3A_39 = tpu.matmul %max3A_34, %get3A_37, %dot_general3A_38 {dimension_numbers = #tpu.dot_dimension_numbers<[1], [1], [0], [0], [0, 0, 1, 0], [], []>, transpose_lhs_hint = false} : vector<8192x64xf32>, vector<64x64xf32>, vector<8192x64xf32> -> vector<8192x64xf32>
    %get3A_40 = arith.constant 0 : index
    %get3A_41 = arith.constant 0 : index
    %get3A_42 = vector.load %arg9[%get3A_40, %get3A_41] : memref<1x64xf32, #tpu.memory_space<vmem>>, vector<1x64xf32>
    %add3A_43 = vector.broadcast %get3A_42 : vector<1x64xf32> to vector<8192x64xf32>
    %add3A_44 = arith.addf %dot_general3A_39, %add3A_43 : vector<8192x64xf32>
    %reshape3A_45 = vector.shape_cast %add3A_44 : vector<8192x64xf32> to vector<256x32x64xf32>
    %reduce_max3A = arith.constant dense<0xFF800000> : vector<256x64xf32>
    %reduce_max3A_46 = vector.multi_reduction <maximumf>, %reshape3A_45, %reduce_max3A [1] : vector<256x32x64xf32> to vector<256x64xf32>
    %swap3A = arith.constant 0 : index
    %swap3A_47 = arith.constant 0 : index
    %swap3A_48 = arith.constant 0 : index
    %swap3A_49 = vector.load %arg10[%swap3A, %swap3A_47, %swap3A_48] : memref<1x256x64xf32, #tpu.memory_space<vmem>>, vector<1x256x64xf32>
    %swap3A_50 = vector.shape_cast %swap3A_49 : vector<1x256x64xf32> to vector<256x64xf32>
    %swap3A_51 = vector.shape_cast %reduce_max3A_46 : vector<256x64xf32> to vector<1x256x64xf32>
    tpu.vector_store %arg10[%swap3A, %swap3A_47, %swap3A_48], %swap3A_51 {strides = array<i32>} : memref<1x256x64xf32, #tpu.memory_space<vmem>>, vector<1x256x64xf32>,
    return
  }
  func.func @transform_0(%arg0: i32, %arg1: i32) -> (i32, i32, i32) {
    %c0_i32 = arith.constant 0 : i32
    %c0_i32_0 = arith.constant 0 : i32
    return %arg0, %arg1, %c0_i32 : i32, i32, i32
  }
  func.func @transform_1(%arg0: i32, %arg1: i32) -> (i32, i32, i32) {
    %c0_i32 = arith.constant 0 : i32
    %c0_i32_0 = arith.constant 0 : i32
    return %arg0, %arg1, %c0_i32 : i32, i32, i32
  }
  func.func @transform_2(%arg0: i32, %arg1: i32) -> (i32, i32) {
    %c0_i32 = arith.constant 0 : i32
    %c0_i32_0 = arith.constant 0 : i32
    %c0_i32_1 = arith.constant 0 : i32
    return %c0_i32, %c0_i32_0 : i32, i32
  }
  func.func @transform_3(%arg0: i32, %arg1: i32) -> (i32, i32) {
    %c0_i32 = arith.constant 0 : i32
    %c0_i32_0 = arith.constant 0 : i32
    %c0_i32_1 = arith.constant 0 : i32
    return %c0_i32, %c0_i32_0 : i32, i32
  }
  func.func @transform_4(%arg0: i32, %arg1: i32) -> (i32, i32) {
    %c0_i32 = arith.constant 0 : i32
    %c0_i32_0 = arith.constant 0 : i32
    %c0_i32_1 = arith.constant 0 : i32
    return %c0_i32, %c0_i32_0 : i32, i32
  }
  func.func @transform_5(%arg0: i32, %arg1: i32) -> (i32, i32) {
    %c0_i32 = arith.constant 0 : i32
    %c0_i32_0 = arith.constant 0 : i32
    %c0_i32_1 = arith.constant 0 : i32
    return %c0_i32, %c0_i32_0 : i32, i32
  }
  func.func @transform_6(%arg0: i32, %arg1: i32) -> (i32, i32) {
    %c0_i32 = arith.constant 0 : i32
    %c0_i32_0 = arith.constant 0 : i32
    %c0_i32_1 = arith.constant 0 : i32
    return %c0_i32, %c0_i32_0 : i32, i32
  }
  func.func @transform_7(%arg0: i32, %arg1: i32) -> (i32, i32) {
    %c0_i32 = arith.constant 0 : i32
    %c0_i32_0 = arith.constant 0 : i32
    %c0_i32_1 = arith.constant 0 : i32
    return %c0_i32, %c0_i32_0 : i32, i32
  }
  func.func @transform_8(%arg0: i32, %arg1: i32) -> (i32, i32, i32) {
    %c0_i32 = arith.constant 0 : i32
    %c0_i32_0 = arith.constant 0 : i32
    return %arg0, %arg1, %c0_i32 : i32, i32, i32
  }
}

</mosaic_0001>

<sc_bundles>
// kernel: gather_offload_async_start.1
scs
__scs_entry_jumppad:
0x0: {  	(pc) =	sbr.rel $0x88, $3  }
0x1: {  	(tag) =	ssettag $0x0;
	lr =	simm.s32 $0x1  }
0x2: {  	[smem:$0x3F8D] =	sst lr;
	_ =	strace $0xD0000000  }
0x3: {  	_ = 	snop  }
0x4: {  	_ = 	snop  }
0x5: {  	_ = 	snop  }
0x6: {  	_ = 	snop  }
0x7: {  	_ = 	snop  }
__scs_overlays_trampoline_lowered:
0x8: {  	[smem:$0x3F9C] =	sst s0  }
0x9: {  	[smem:$0x3F9D] =	sst s1  }
0xa: {  	[smem:$0x3F9E] =	sst s2  }
0xb: {  	[smem:$0x3F9F] =	sst s3  }
0xc: {  	[smem:$0x3FA0] =	sst s4  }
0xd: {  	[smem:$0x3FA1] =	sst s5  }
0xe: {  	[smem:$0x3FA2] =	sst s6  }
0xf: {  	[smem:$0x3FA3] =	sst s7  }
0x10: {  	[smem:$0x3FA4] =	sst s8  }
0x11: {  	[smem:$0x3FA5] =	sst s9;
	s0 =	simm.s32 @!p0 $0x0  }
0x12: {  	s1 =	sld [smem:$0x3F8B];
	s0 =	simm.s32 @p0 $0x1  }
0x13: {  	[smem:$0x3FA6] =	sst s0;
	s0 =	simm.s32 @!p1 $0x0  }
0x14: {  	s2 =	sld [smem:$0x3F8A];
	s0 =	simm.s32 @p1 $0x1  }
0x15: {  	[smem:$0x3FA7] =	sst s0;
	s0 =	simm.s32 @!p2 $0x0  }
0x16: {  	s3 =	sld [smem:$0x3FDB];
	s0 =	simm.s32 @p2 $0x1  }
0x17: {  	s4 =	simm.s32 $0x1BF5;
	[smem:$0x3FA9] =	sst s0  }
0x18: {  	s0 =	sld [smem:$0x3F8C];
	_ =	swait.ge [sflag:s4], $0x0  }
0x19: {  	s7 =	sld [smem:$0x3F8D]  }
0x1a: {  	s8 =	sadd.s32 $0xFFFFE003, lr  }
0x1b: {  	s9 =	sadd.s32 $0xFFFFFEF7, lr;
	s5 =	simm.s32 $0xFFFFFFFF;
	p2 =	slt.u32 s8, $0xFFFFF086  }
0x1c: {  	p1 =	slt.u32 s9, $0xF7A;
	s5 =	simm.s32 @!p2 $0x0  }
0x1d: {  	s5 =	simm.s32 @p1 $0x1;
	p0 =	seq.s32 s7, s2  }
0x1e: {  	s7 =	smul.u32 @!p0 $0xF7A, s2;
	p2 =	seq.s32 @!p0 s5, $0x0  }
0x1f: {  	s9 =	smul.u32 $0xF7A, s1;
	s8 =	simm.s32 @!p0 $0x1BF5;
	p2 =	por !p2, p0  }
0x20: {  	[sflag:s8] =	ssyncset.s32 @!p0 $0xFFFFF086;
	s6 =	sadd.s32 @!p0 s3, s7;
	s7 =	simm.s32 @!p0 $0x108  }
0x21: {  	s3 =	sadd.s32 s3, s9;
	s6 =	sadd.s32 @!p0 $0x88, s6;
	s7 =	simm.s32 @p2 $0x1082  }
0x22: {  	[simem:s7], [sflag:s8] =	dma.local @!p0 [hbm:s6], $0xF7A  }
0x23: {  	s9 =	sor.u32 $0xD0000000, s2;
	s6 =	simm.s32 $0x108;
	_ =	swait.ge @!p0 [sflag:s8], $0x0  }
0x24: {  	s3 =	sadd.s32 $0x88, s3;
	s6 =	simm.s32 @!p1 $0x1082;
	[sflag:s4] =	ssyncset.s32 $0xFFFFF086  }
0x25: {  	[simem:s6], [sflag:s4] =	dma.local [hbm:s3], $0xF7A  }
0x26: {  	[smem:$0x3F8D] =	sst s1;
	(tag) =	ssettag s2;
	_ =	strace s9  }
0x27: {  	s1 =	sld [smem:$0x3F9D]  }
0x28: {  	s2 =	sld [smem:$0x3F9E]  }
0x29: {  	s4 =	sld [smem:$0x3FA0]  }
0x2a: {  	p0 =	seq.s32 s5, $0x0;
	s5 =	sld [smem:$0x3FA1]  }
0x2b: {  	s6 =	sld [smem:$0x3FA2]  }
0x2c: {  	s7 =	sld [smem:$0x3FA3]  }
0x2d: {  	s3 =	simm.s32 $0x108;
	s8 =	sld [smem:$0x3FA4]  }
0x2e: {  	s3 =	simm.s32 @!p0 $0x1082;
	s9 =	sld [smem:$0x3FA5]  }
0x2f: {  	lr =	sadd.s32 s0, s3;
	s0 =	sld [smem:$0x3F9C]  }
0x30: {  	s3 =	sld [smem:$0x3F9F]  }
0x31: {  	[smem:$0x3FA8] =	sst s10  }
0x32: {  	s10 =	sld [smem:$0x3FA6];
	_ =	sdelay $0x3  }
0x33: {  	p0 =	seq.s32 s10, $0x1;
	s10 =	sld [smem:$0x3FA8];
	_ =	sdelay $0x3  }
0x34: {  	[smem:$0x3FA8] =	sst s10  }
0x35: {  	s10 =	sld [smem:$0x3FA7];
	_ =	sdelay $0x3  }
0x36: {  	p1 =	seq.s32 s10, $0x1;
	s10 =	sld [smem:$0x3FA8];
	_ =	sdelay $0x3  }
0x37: {  	[smem:$0x3FA8] =	sst s10  }
0x38: {  	s10 =	sld [smem:$0x3FA9]  }
0x39: {  	_ = 	snop;
	(pc) =	sbr.ind lr, $3  }
0x3a: {  	_ = 	snop  }
0x3b: {  	_ = 	snop  }
0x3c: {  	p2 =	seq.s32 s10, $0x1;
	s10 =	sld [smem:$0x3FA8]  }
0x3d: {  	_ =	shalt  }
0x3e: {  	_ =	shalt  }
0x3f: {  	_ =	shalt  }
0x40: {  	_ =	shalt  }
0x41: {  	_ =	shalt  }
0x42: {  	_ =	shalt  }
0x43: {  	_ =	shalt  }
0x44: {  	_ =	shalt  }
0x45: {  	_ =	shalt  }
0x46: {  	_ =	shalt  }
0x47: {  	_ =	shalt  }
0x48: {  	_ =	shalt  }
0x49: {  	_ =	shalt  }
0x4a: {  	_ =	shalt  }
0x4b: {  	_ =	shalt  }
0x4c: {  	_ =	shalt  }
0x4d: {  	_ =	shalt  }
0x4e: {  	_ =	shalt  }
0x4f: {  	_ =	shalt  }
0x50: {  	_ =	shalt  }
0x51: {  	_ =	shalt  }
0x52: {  	_ =	shalt  }
0x53: {  	_ =	shalt  }
0x54: {  	_ =	shalt  }
0x55: {  	_ =	shalt  }
0x56: {  	_ =	shalt  }
0x57: {  	_ =	shalt  }
0x58: {  	_ =	shalt  }
0x59: {  	_ =	shalt  }
0x5a: {  	_ =	shalt  }
0x5b: {  	_ =	shalt  }
0x5c: {  	_ =	shalt  }
0x5d: {  	_ =	shalt  }
0x5e: {  	_ =	shalt  }
0x5f: {  	_ =	shalt  }
0x60: {  	_ =	shalt  }
0x61: {  	_ =	shalt  }
0x62: {  	_ =	shalt  }
0x63: {  	_ =	shalt  }
0x64: {  	_ =	shalt  }
0x65: {  	_ =	shalt  }
0x66: {  	_ =	shalt  }
0x67: {  	_ =	shalt  }
0x68: {  	_ =	shalt  }
0x69: {  	_ =	shalt  }
0x6a: {  	_ =	shalt  }
0x6b: {  	_ =	shalt  }
0x6c: {  	_ =	shalt  }
0x6d: {  	_ =	shalt  }
0x6e: {  	_ =	shalt  }
0x6f: {  	_ =	shalt  }
0x70: {  	_ =	shalt  }
0x71: {  	_ =	shalt  }
0x72: {  	_ =	shalt  }
0x73: {  	_ =	shalt  }
0x74: {  	_ =	shalt  }
0x75: {  	_ =	shalt  }
0x76: {  	_ =	shalt  }
0x77: {  	_ =	shalt  }
0x78: {  	_ =	shalt  }
0x79: {  	_ =	shalt  }
0x7a: {  	_ =	shalt  }
0x7b: {  	_ =	shalt  }
0x7c: {  	_ =	shalt  }
0x7d: {  	_ =	shalt  }
0x7e: {  	_ =	shalt  }
0x7f: {  	_ =	shalt  }
0x80: {  	_ =	shalt  }
0x81: {  	_ =	shalt  }
0x82: {  	_ =	shalt  }
0x83: {  	_ =	shalt  }
0x84: {  	_ =	shalt  }
0x85: {  	_ =	shalt  }
0x86: {  	_ =	shalt  }
0x87: {  	_ =	shalt  }
.Lfunc_end0:
.L_simem_size_0:
called_computation.1_lowered:
.L_overlay_start_0:
0x88: {  	s2 =	sld [smem:$0x3FD9]  }
0x89: {  	s3 =	sld [smem:$0x3FFE];
	_ =	sdelay $0x1  }
0x8a: {  	s1 =	srdreg.scid  }
0x8b: {  	s0 =	sand.u32 $0x1, s1  }
0x8c: {  	s14 =	sshll.u32 s0, $0xA;
	s2 =	sadd.s32 s3, s2  }
0x8d: {  	s2 =	sadd.s32 s2, s14  }
0x8e: {  	[smem:$0x3FB4] =	sst s2  }
0x8f: {  	_ = 	snop  }
0x90: {  	s2 =	sld [smem:$0x3FD0];
	_ =	sdelay $0x2  }
0x91: {  	s15 =	simm.s32 $0xC;
	s4 =	simm.s32 $0x10  }
0x92: {  	[smem:s4], [sflag:s15] =	dma.local [hbm:s2], $0x1  }
0x93: {  	_ =	swait.eq [sflag:s15], $0x1  }
0x94: {  	[sflag:s15] =	ssyncset.done $0x0  }
0x95: {  	[sflag:s15] =	ssyncadd.s32 $0xFFFFFFFF  }
0x96: {  	s16 =	sld [smem:$0x10];
	(tm) =	ssettm $0x1  }
0x97: {  	s17 =	sld [smem:$0x3FFB];
	_ =	sdelay $0x3  }
0x98: {  	_ =	strace s17  }
0x99: {  	s3 =	sld [smem:$0x3FFC];
	_ =	sdelay $0x3  }
0x9a: {  	_ =	strace s3  }
0x9b: {  	s3 =	sld [smem:$0x3FFD];
	_ =	sdelay $0x3  }
0x9c: {  	_ =	strace s3  }
0x9d: {  	_ =	strace $0x8FFFFFFF  }
0x9e: {  	s18 =	sld [smem:$0x3FDB];
	_ =	sdelay $0x1  }
0x9f: {  	s19 =	simm.s32 $_scs_section_size  }
0xa0: {  	s5 =	simm.s32 $_size__tile_overlayer_lowered;
	s6 =	simm.s32 $_tile_overlayer_lowered  }
0xa1: {  	s22 =	simm.s32 $0x1BFF;
	s21 =	sshll.u32 s6, $0x1;
	s3 =	sadd.s32 s19, s18  }
0xa2: {  	s7 =	simm.s32 $0x0;
	s20 =	sshll.u32 s5, $0x1;
	s5 =	sadd.s32 s21, s3  }
0xa3: {  	[timem:s7], [sflag:s22] =	dma.local [hbm:s5], s20  }
0xa4: {  	_ =	swait.ge [sflag:s22], s20  }
0xa5: {  	s4 =	ssub.s32 $0x0, s20;
	[sflag:s22] =	ssyncset.done $0x0  }
0xa6: {  	[sflag:s22] =	ssyncadd.s32 s4;
	_ =	sdelay $0x1  }
0xa7: {  	s23 =	simm.s32 $0x1B8B  }
0xa8: {  	_ =	swait.ge [sflag:s23], $0x1  }
0xa9: {  	[sflag:s23] =	ssyncset.done $0x0  }
0xaa: {  	s25 =	simm.s32 $0x1B8E;
	s24 =	sld [smem:$0x3FFE];
	[sflag:s23] =	ssyncadd.s32 $0xFFFFFFFF  }
0xab: {  	s26 =	simm.s32 $execute0_lowered;
	[smem:$0x3FD2] =	sst s25  }
0xac: {  	s5 =	sshll.u32 s26, $0x1;
	_ =	strace $0x80000046;
	[dreg:$0x1] =	wrdreg $0xFFFFFFFF  }
0xad: {  	s28 =	simm.s32 $_size_execute0_lowered;
	s3 =	sadd.s32 s3, s5;
	[dreg:$0x0] =	wrdreg $0x0  }
0xae: {  	s5 =	sshll.u32 s28, $0x1;
	[dreg:$0x2] =	wrdreg s3  }
0xaf: {  	[dreg:$0x3] =	wrdreg s5  }
0xb0: {  	[dreg:$0x4] =	wrdreg $0xC0  }
0xb1: {  	_ =	task [dreg:s7], $0x5FFFF  }
0xb2: {  	[dreg:$0x1] =	wrdreg $0xFFFFFFFF  }
0xb3: {  	[dreg:$0x0] =	wrdreg $0x60  }
0xb4: {  	[dreg:$0x2] =	wrdreg s24  }
0xb5: {  	[dreg:$0x3] =	wrdreg s16  }
0xb6: {  	[dreg:$0x4] =	wrdreg $0xA  }
0xb7: {  	_ =	task.clear_ibuf [dreg:s7], $0x5FFFF;
	_ =	strace $0x90000046  }
0xb8: {  	s29 =	simm.s32 $0xA;
	_ =	strace $0x80000048  }
0xb9: {  	_ =	swait.ge [sflag:s29], $0x1  }
0xba: {  	[sflag:s29] =	ssyncadd.s32 $0xFFFFFFFF  }
0xbb: {  	_ =	strace $0x90000048  }
0xbc: {  	_ =	sfence  }
0xbd: {  	s30 =	sld [smem:$0x0];
	_ =	sdelay $0x2  }
0xbe: {  	s31 =	sshll.u32 s1, $0xD;
	s1 =	sshrl.u32 s1, $0x2  }
0xbf: {  	s3 =	sand.u32 $0x4000, s31;
	s1 =	sadd.s32 s1, s30  }
0xc0: {  	s0 =	sor.u32 s3, s0;
	s1 =	sshll.u32 s1, $0x11  }
0xc1: {  	s0 =	sor.u32 s1, s0  }
0xc2: {  	s0 =	sadd.s32 $0x8F2B, s0  }
0xc3: {  	[sflag:s0] =	ssyncadd.remote.s32 $0x1  }
0xc4: {  	_ =	sfence.sel $0xFFFF  }
0xc5: {  	[dreg:$0x0] =	wrdreg $0xFFFFFFFF;
	(pc) =	sbr.abs _section_cstart, $3  }
0xc6: {  	[dreg:$0x1] =	wrdreg $0xFFFFFFFF  }
0xc7: {  	_ =	task.clear_ibuf [dreg:s7], $0x2FFFF;
	_ =	strace $0x9FFFFFFF  }
0xc8: {  	(tm) =	ssettm $0x7FFFFFFF  }
0xc9: {  	_ =	shalt  }
tec
execute0_lowered:
.L_overlay_start_1:
0x0: {  	(tag) =	ssettag $0x1  }
0x1: {  	s7 =	rddreg [dreg:$0x0]  }
0x2: {  	s2 =	rddreg [dreg:$0x1]  }
0x3: {  	s0 =	rddreg [dreg:$0x2]  }
0x4: {  	s1 =	srdreg.scid;
	_ =	strace $0x80000047;
	s4 =	simm.s32 $0x1  }
0x5: {  	s9 =	simm.s32 $0x3;
	s12 =	simm.s32 $0x0;
	s5 =	sshll.u32 s1, $0x4  }
.Ltmp0:
0x6: {  	s1 =	stileid.u32;
	s5 =	sand.u32 $0x10, s5;
	(pc) =	sbr.rel .LBB2_1-.Ltmp0, $4  }
0x7: {  	s10 =	simm.s32 $0x0;
	s3 =	sadd.s32 $0x2000, s7;
	s6 =	sor.u32 s1, s5  }
0x8: {  	[sflag:s4] =	ssyncpa.u1 $0x0;
	s5 =	simm.s32 $0x2;
	s6 =	sshll.u32 s6, $0x6  }
0x9: {  	s7 =	sadd.s32 $0x42000, s7;
	[sflag:s5] =	ssyncpa.u1 $0x0;
	s8 =	sadd.s32 $0x40, s6  }
0xa: {  	vm0 =	vmmov $0xff;
	vm1 =	vcmask $0x3F20;
	[sflag:s9] =	ssyncpa.u1 $0x0;
	s9 =	simm.s32 $0x40;
	s11 =	smov.u32 s6  }
.LBB2_9:
0xb: {  	p0 =	seq.s32 s10, $0x2  }
.Ltmp1:
0xc: {  	_ = 	snop;
	(pc) =	sbr.rel @p0 .LBB2_11-.Ltmp1, $1  }
0xd: {  	_ =	sdelay $0x3  }
.LBB2_10:
0xe: {  	s12 =	sadd.s32 $0x40, s11  }
0xf: {  	s13 =	smov.u32 s6;
	p0 =	slt.s32 s12, s8  }
0x10: {  	s13 =	smov.u32 @p0 s12  }
0x11: {  	s10 =	sadd.s32 $0x1, s10;
	s12 =	smov.u32 s11;
	s11 =	smov.u32 s13  }
.LBB2_1:
0x12: {  	p0 =	sne.s32 s10, $0x0  }
.Ltmp2:
0x13: {  	_ = 	snop;
	(pc) =	sbr.rel @!p0 .LBB2_2-.Ltmp2, $1  }
0x14: {  	_ =	sdelay $0x3  }
0x15: {  	s13 =	sand.u32 $0x1, s10  }
0x16: {  	p0 =	seq.s32 s13, $0x0  }
.Ltmp3:
0x17: {  	_ = 	snop;
	(pc) =	sbr.rel @p0 .LBB2_9-.Ltmp3, $1  }
0x18: {  	_ =	sdelay $0x3  }
0x19: {  	_ =	swait.ge [sflag:s5], $0x40  }
0x1a: {  	[sflag:s5] =	ssyncset.done $0x0  }
0x1b: {  	s13 =	simm.s32 $0x0;
	[sflag:s5] =	ssyncadd.s32 $0xFFFFFFC0  }
0x1c: {  	v0 =	vld.msk [tilespmem:s13+$0x40 ss:$0x1], $0xffff;
	_ =	sdelay $0x4  }
0x1d: {  	vm2 =	vgt.s32 v0, $0x0  }
0x1e: {  	v0 =	vnsel vm2, $0x0, v0  }
0x1f: {  	v0 =	vmin.u32 v0, $0x1FFF  }
0x20: {  	v0 =	vshll.u32 v0, $0x4;
	_ =	sdelay $0x3  }
0x21: {  	s13 =	simm.s32 $0x2080  }
0x22: {  	[tilespmem:s13], [sflag:$0x1] =	stream.indirect_vreg.gather [hbm:s3], $0x80, v0, vm0, $0x38;
	[tilespmem:$0x4080] =	vst v63  }
0x23: {  	s14 =	simm.s32 $0x2480;
	s31 =	simm.s32 $0x10  }
0x24: {  	[tilespmem:s14], [sflag:$0x1] =	stream.indirect_vreg.gather [hbm:s3], $0x80, v0, vm1, $0x38;
	[tilespmem:$0x4080] =	vst v63  }
0x25: {  	s14 =	simm.s32 $0x80;
	v0 =	vld.msk [tilespmem:s31+$0x40 ss:$0x1], $0xffff  }
.LBB2_5:
0x26: {  	p0 =	sne.s32 s14, $0xC0;
	_ =	sdelay $0x4  }
0x27: {  	vm2 =	vgt.s32 v0, $0x0  }
0x28: {  	v0 =	vnsel vm2, $0x0, v0  }
0x29: {  	v0 =	vmin.u32 v0, $0x1FFF  }
0x2a: {  	v0 =	vshll.u32 v0, $0x4;
	_ =	sdelay $0x3  }
.Ltmp4:
0x2b: {  	s13 =	sadd.s32 $0x800, s13;
	(pc) =	sbr.rel @p0 .LBB2_5-.Ltmp4, $4  }
0x2c: {  	[tilespmem:s13], [sflag:$0x1] =	stream.indirect_vreg.gather [hbm:s3], $0x80, v0, vm0, $0x38;
	[tilespmem:$0x4080] =	vst v63  }
0x2d: {  	s15 =	sshra.s32 s14, $0x2;
	s16 =	sadd.s32 $0x400, s13  }
0x2e: {  	[tilespmem:s16], [sflag:$0x1] =	stream.indirect_vreg.gather [hbm:s3], $0x80, v0, vm1, $0x38;
	[tilespmem:$0x4080] =	vst v63  }
0x2f: {  	s14 =	sadd.s32 $0x40, s14;
	v0 =	vld.msk [tilespmem:s15+$0x40 ss:$0x1], $0xffff  }
0x30: {  	_ =	sdelay $0x3  }
0x31: {  	vm2 =	vgt.s32 v0, $0x0  }
0x32: {  	v0 =	vnsel vm2, $0x0, v0  }
0x33: {  	v0 =	vmin.u32 v0, $0x1FFF  }
0x34: {  	v0 =	vshll.u32 v0, $0x4;
	_ =	sdelay $0x3  }
0x35: {  	s13 =	sadd.s32 $0x800, s13  }
0x36: {  	[tilespmem:s13], [sflag:$0x1] =	stream.indirect_vreg.gather [hbm:s3], $0x80, v0, vm0, $0x38;
	[tilespmem:$0x4080] =	vst v63  }
0x37: {  	s13 =	sadd.s32 $0x400, s13  }
0x38: {  	[tilespmem:s13], [sflag:$0x1] =	stream.indirect_vreg.gather [hbm:s3], $0x80, v0, vm1, $0x38;
	[tilespmem:$0x4080] =	vst v63  }
0x39: {  	s12 =	sshll.u32 s12, $0x4;
	s14 =	simm.s32 $0x80;
	_ =	swait.ge [sflag:s4], $0x2000  }
0x3a: {  	s15 =	simm.s32 $0x2480;
	s12 =	sadd.s32 s12, s7;
	[sflag:s4] =	ssyncset.done $0x0  }
0x3b: {  	s16 =	sadd.s32 $0x0, s12;
	s13 =	simm.s32 $0x2080;
	[sflag:s4] =	ssyncadd.s32 $0xFFFFE000  }
.LBB2_7:
0x3c: {  	[hbm:s16] =	stream.linear.scatter [tilespmem:s13], [sflag:$0x3], $0x400, $0x38;
	[tilespmem:$0x4080] =	vst v63  }
0x3d: {  	s16 =	smov.u32 s14;
	s13 =	smov.u32 s15;
	p0 =	sne.s32 s14, $0x380  }
.Ltmp5:
0x3e: {  	s14 =	sadd.s32 $0x80, s14;
	(pc) =	sbr.rel @p0 .LBB2_7-.Ltmp5, $2  }
0x3f: {  	_ =	sdelay $0x2  }
0x40: {  	s15 =	sadd.s32 $0x400, s15;
	s16 =	sadd.s32 s16, s12  }
.Ltmp6:
0x41: {  	(pc) =	sbr.rel .LBB2_9-.Ltmp6, $2  }
0x42: {  	_ =	sdelay $0x2  }
0x43: {  	[hbm:s16] =	stream.linear.scatter [tilespmem:s13], [sflag:$0x3], $0x400, $0x38;
	[tilespmem:$0x4080] =	vst v63  }
.LBB2_2:
.Ltmp7:
0x44: {  	(pc) =	sbr.rel .LBB2_10-.Ltmp7, $4  }
0x45: {  	_ = 	snop  }
0x46: {  	s12 =	sshrl.u32 s11, $0x3  }
0x47: {  	s13 =	sand.u32 $0x7, s11;
	s12 =	sadd.s32 s2, s12  }
0x48: {  	[tilespmem:s9], [sflag:$0x2] =	stream.linear.gather [hbm4b:s12+s13], $0x40, $0x38;
	[tilespmem:$0x4080] =	vst v63  }
.LBB2_11:
0x49: {  	s2 =	simm.s32 $0x3  }
0x4a: {  	_ =	swait.ge [sflag:s2], $0x2000  }
0x4b: {  	[sflag:s2] =	ssyncset.done $0x0  }
0x4c: {  	[sflag:s2] =	ssyncadd.s32 $0xFFFFE000  }
0x4d: {  	_ =	sfence.sel $0x180000  }
0x4e: {  	s3 =	simm.s32 $0x2;
	[bflag:$0x0] =	sbarrier.arrive $0xFFFF  }
0x4f: {  	[sflag:s3] =	ssyncpa.u1 $0x1  }
0x50: {  	s31 =	simm.s32 $0x1;
	[sflag:s2] =	ssyncpa.u1 $0x1  }
0x51: {  	[sflag:s31] =	ssyncpa.u1 $0x1  }
0x52: {  	p0 =	sne.s32 s1, $0x0;
	_ =	strace $0x90000047  }
0x53: {  	s0 =	sadd.s32 @!p0 $0x100000, s0;
	[bflag:$0x2] =	sbarrier.arrive $0xFFFF  }
0x54: {  	[sflag:s0] =	ssyncadd.tile.s32 @!p0 $0x1;
	_ =	shalt  }
.Lfunc_end2:
_tile_overlayer_lowered:
.L_overlay_start_2:
0x55: {  	(tag) =	ssettag $0x2  }
0x56: {  	s0 =	rddreg [dreg:$0x0];
	s2 =	stileid.u32  }
0x57: {  	s1 =	rddreg [dreg:$0x1];
	p0 =	sne.s32 s2, $0x0  }
0x58: {  	s3 =	rddreg [dreg:$0x2];
	[bflag:$0x3] =	sbarrier.arrive $0xFFFF;
	s2 =	simm.s32 @!p0 $0x1C01  }
0x59: {  	[timem:s3], [sflag:s2] =	dma.local @!p0 [hbm:s0], s1  }
0x5a: {  	s0 =	simm.s32 @!p0 $0x1  }
0x5b: {  	_ =	swait.ge @!p0 [sflag:s0], s1  }
0x5c: {  	s1 =	ssub.s32 @!p0 $0x0, s1;
	[sflag:s0] =	ssyncset.done @!p0 $0x0  }
0x5d: {  	[sflag:s0] =	ssyncadd.s32 @!p0 s1  }
0x5e: {  	[bflag:$0x3] =	sbarrier.arrive $0xFFFF  }
0x5f: {  	_ =	shalt  }

// kernel: gather_offload_async_start
scs
__scs_entry_jumppad:
0x0: {  	(pc) =	sbr.rel $0x88, $3  }
0x1: {  	(tag) =	ssettag $0x0;
	lr =	simm.s32 $0x1  }
0x2: {  	[smem:$0x3F8D] =	sst lr;
	_ =	strace $0xD0000000  }
0x3: {  	_ = 	snop  }
0x4: {  	_ = 	snop  }
0x5: {  	_ = 	snop  }
0x6: {  	_ = 	snop  }
0x7: {  	_ = 	snop  }
__scs_overlays_trampoline_lowered:
0x8: {  	[smem:$0x3F9C] =	sst s0  }
0x9: {  	[smem:$0x3F9D] =	sst s1  }
0xa: {  	[smem:$0x3F9E] =	sst s2  }
0xb: {  	[smem:$0x3F9F] =	sst s3  }
0xc: {  	[smem:$0x3FA0] =	sst s4  }
0xd: {  	[smem:$0x3FA1] =	sst s5  }
0xe: {  	[smem:$0x3FA2] =	sst s6  }
0xf: {  	[smem:$0x3FA3] =	sst s7  }
0x10: {  	[smem:$0x3FA4] =	sst s8  }
0x11: {  	[smem:$0x3FA5] =	sst s9;
	s0 =	simm.s32 @!p0 $0x0  }
0x12: {  	s1 =	sld [smem:$0x3F8B];
	s0 =	simm.s32 @p0 $0x1  }
0x13: {  	[smem:$0x3FA6] =	sst s0;
	s0 =	simm.s32 @!p1 $0x0  }
0x14: {  	s2 =	sld [smem:$0x3F8A];
	s0 =	simm.s32 @p1 $0x1  }
0x15: {  	[smem:$0x3FA7] =	sst s0;
	s0 =	simm.s32 @!p2 $0x0  }
0x16: {  	s3 =	sld [smem:$0x3FDB];
	s0 =	simm.s32 @p2 $0x1  }
0x17: {  	s4 =	simm.s32 $0x1BF5;
	[smem:$0x3FA9] =	sst s0  }
0x18: {  	s0 =	sld [smem:$0x3F8C];
	_ =	swait.ge [sflag:s4], $0x0  }
0x19: {  	s7 =	sld [smem:$0x3F8D]  }
0x1a: {  	s8 =	sadd.s32 $0xFFFFE003, lr  }
0x1b: {  	s9 =	sadd.s32 $0xFFFFFEF7, lr;
	s5 =	simm.s32 $0xFFFFFFFF;
	p2 =	slt.u32 s8, $0xFFFFF086  }
0x1c: {  	p1 =	slt.u32 s9, $0xF7A;
	s5 =	simm.s32 @!p2 $0x0  }
0x1d: {  	s5 =	simm.s32 @p1 $0x1;
	p0 =	seq.s32 s7, s2  }
0x1e: {  	s7 =	smul.u32 @!p0 $0xF7A, s2;
	p2 =	seq.s32 @!p0 s5, $0x0  }
0x1f: {  	s9 =	smul.u32 $0xF7A, s1;
	s8 =	simm.s32 @!p0 $0x1BF5;
	p2 =	por !p2, p0  }
0x20: {  	[sflag:s8] =	ssyncset.s32 @!p0 $0xFFFFF086;
	s6 =	sadd.s32 @!p0 s3, s7;
	s7 =	simm.s32 @!p0 $0x108  }
0x21: {  	s3 =	sadd.s32 s3, s9;
	s6 =	sadd.s32 @!p0 $0x88, s6;
	s7 =	simm.s32 @p2 $0x1082  }
0x22: {  	[simem:s7], [sflag:s8] =	dma.local @!p0 [hbm:s6], $0xF7A  }
0x23: {  	s9 =	sor.u32 $0xD0000000, s2;
	s6 =	simm.s32 $0x108;
	_ =	swait.ge @!p0 [sflag:s8], $0x0  }
0x24: {  	s3 =	sadd.s32 $0x88, s3;
	s6 =	simm.s32 @!p1 $0x1082;
	[sflag:s4] =	ssyncset.s32 $0xFFFFF086  }
0x25: {  	[simem:s6], [sflag:s4] =	dma.local [hbm:s3], $0xF7A  }
0x26: {  	[smem:$0x3F8D] =	sst s1;
	(tag) =	ssettag s2;
	_ =	strace s9  }
0x27: {  	s1 =	sld [smem:$0x3F9D]  }
0x28: {  	s2 =	sld [smem:$0x3F9E]  }
0x29: {  	s4 =	sld [smem:$0x3FA0]  }
0x2a: {  	p0 =	seq.s32 s5, $0x0;
	s5 =	sld [smem:$0x3FA1]  }
0x2b: {  	s6 =	sld [smem:$0x3FA2]  }
0x2c: {  	s7 =	sld [smem:$0x3FA3]  }
0x2d: {  	s3 =	simm.s32 $0x108;
	s8 =	sld [smem:$0x3FA4]  }
0x2e: {  	s3 =	simm.s32 @!p0 $0x1082;
	s9 =	sld [smem:$0x3FA5]  }
0x2f: {  	lr =	sadd.s32 s0, s3;
	s0 =	sld [smem:$0x3F9C]  }
0x30: {  	s3 =	sld [smem:$0x3F9F]  }
0x31: {  	[smem:$0x3FA8] =	sst s10  }
0x32: {  	s10 =	sld [smem:$0x3FA6];
	_ =	sdelay $0x3  }
0x33: {  	p0 =	seq.s32 s10, $0x1;
	s10 =	sld [smem:$0x3FA8];
	_ =	sdelay $0x3  }
0x34: {  	[smem:$0x3FA8] =	sst s10  }
0x35: {  	s10 =	sld [smem:$0x3FA7];
	_ =	sdelay $0x3  }
0x36: {  	p1 =	seq.s32 s10, $0x1;
	s10 =	sld [smem:$0x3FA8];
	_ =	sdelay $0x3  }
0x37: {  	[smem:$0x3FA8] =	sst s10  }
0x38: {  	s10 =	sld [smem:$0x3FA9]  }
0x39: {  	_ = 	snop;
	(pc) =	sbr.ind lr, $3  }
0x3a: {  	_ = 	snop  }
0x3b: {  	_ = 	snop  }
0x3c: {  	p2 =	seq.s32 s10, $0x1;
	s10 =	sld [smem:$0x3FA8]  }
0x3d: {  	_ =	shalt  }
0x3e: {  	_ =	shalt  }
0x3f: {  	_ =	shalt  }
0x40: {  	_ =	shalt  }
0x41: {  	_ =	shalt  }
0x42: {  	_ =	shalt  }
0x43: {  	_ =	shalt  }
0x44: {  	_ =	shalt  }
0x45: {  	_ =	shalt  }
0x46: {  	_ =	shalt  }
0x47: {  	_ =	shalt  }
0x48: {  	_ =	shalt  }
0x49: {  	_ =	shalt  }
0x4a: {  	_ =	shalt  }
0x4b: {  	_ =	shalt  }
0x4c: {  	_ =	shalt  }
0x4d: {  	_ =	shalt  }
0x4e: {  	_ =	shalt  }
0x4f: {  	_ =	shalt  }
0x50: {  	_ =	shalt  }
0x51: {  	_ =	shalt  }
0x52: {  	_ =	shalt  }
0x53: {  	_ =	shalt  }
0x54: {  	_ =	shalt  }
0x55: {  	_ =	shalt  }
0x56: {  	_ =	shalt  }
0x57: {  	_ =	shalt  }
0x58: {  	_ =	shalt  }
0x59: {  	_ =	shalt  }
0x5a: {  	_ =	shalt  }
0x5b: {  	_ =	shalt  }
0x5c: {  	_ =	shalt  }
0x5d: {  	_ =	shalt  }
0x5e: {  	_ =	shalt  }
0x5f: {  	_ =	shalt  }
0x60: {  	_ =	shalt  }
0x61: {  	_ =	shalt  }
0x62: {  	_ =	shalt  }
0x63: {  	_ =	shalt  }
0x64: {  	_ =	shalt  }
0x65: {  	_ =	shalt  }
0x66: {  	_ =	shalt  }
0x67: {  	_ =	shalt  }
0x68: {  	_ =	shalt  }
0x69: {  	_ =	shalt  }
0x6a: {  	_ =	shalt  }
0x6b: {  	_ =	shalt  }
0x6c: {  	_ =	shalt  }
0x6d: {  	_ =	shalt  }
0x6e: {  	_ =	shalt  }
0x6f: {  	_ =	shalt  }
0x70: {  	_ =	shalt  }
0x71: {  	_ =	shalt  }
0x72: {  	_ =	shalt  }
0x73: {  	_ =	shalt  }
0x74: {  	_ =	shalt  }
0x75: {  	_ =	shalt  }
0x76: {  	_ =	shalt  }
0x77: {  	_ =	shalt  }
0x78: {  	_ =	shalt  }
0x79: {  	_ =	shalt  }
0x7a: {  	_ =	shalt  }
0x7b: {  	_ =	shalt  }
0x7c: {  	_ =	shalt  }
0x7d: {  	_ =	shalt  }
0x7e: {  	_ =	shalt  }
0x7f: {  	_ =	shalt  }
0x80: {  	_ =	shalt  }
0x81: {  	_ =	shalt  }
0x82: {  	_ =	shalt  }
0x83: {  	_ =	shalt  }
0x84: {  	_ =	shalt  }
0x85: {  	_ =	shalt  }
0x86: {  	_ =	shalt  }
0x87: {  	_ =	shalt  }
.Lfunc_end0:
.L_simem_size_0:
called_computation_lowered:
.L_overlay_start_0:
0x88: {  	s2 =	sld [smem:$0x3FD9]  }
0x89: {  	s3 =	sld [smem:$0x3FFE];
	_ =	sdelay $0x1  }
0x8a: {  	s1 =	srdreg.scid  }
0x8b: {  	s0 =	sand.u32 $0x1, s1  }
0x8c: {  	s15 =	sshll.u32 s0, $0xA;
	s2 =	sadd.s32 s3, s2  }
0x8d: {  	s2 =	sadd.s32 s2, s15  }
0x8e: {  	[smem:$0x3FB4] =	sst s2  }
0x8f: {  	_ = 	snop  }
0x90: {  	s2 =	sld [smem:$0x3FD0];
	_ =	sdelay $0x2  }
0x91: {  	s16 =	simm.s32 $0xC;
	s4 =	simm.s32 $0x10  }
0x92: {  	[smem:s4], [sflag:s16] =	dma.local [hbm:s2], $0x1  }
0x93: {  	_ =	swait.eq [sflag:s16], $0x1  }
0x94: {  	[sflag:s16] =	ssyncset.done $0x0  }
0x95: {  	[sflag:s16] =	ssyncadd.s32 $0xFFFFFFFF  }
0x96: {  	s17 =	sld [smem:$0x11];
	(tm) =	ssettm $0x1  }
0x97: {  	s18 =	sld [smem:$0x3FFB];
	_ =	sdelay $0x3  }
0x98: {  	_ =	strace s18  }
0x99: {  	s2 =	sld [smem:$0x3FFC];
	_ =	sdelay $0x3  }
0x9a: {  	_ =	strace s2  }
0x9b: {  	s2 =	sld [smem:$0x3FFD];
	_ =	sdelay $0x3  }
0x9c: {  	_ =	strace s2  }
0x9d: {  	_ =	strace $0x8FFFFFFF  }
0x9e: {  	s19 =	sld [smem:$0x3FDB];
	_ =	sdelay $0x1  }
0x9f: {  	s20 =	simm.s32 $_scs_section_size  }
0xa0: {  	s5 =	simm.s32 $_size__tile_overlayer_lowered;
	s6 =	simm.s32 $_tile_overlayer_lowered  }
0xa1: {  	s7 =	simm.s32 $0x1BFF;
	s21 =	sshll.u32 s6, $0x1;
	s4 =	sadd.s32 s20, s19  }
0xa2: {  	s22 =	simm.s32 $0x0;
	s5 =	sshll.u32 s5, $0x1;
	s6 =	sadd.s32 s21, s4  }
0xa3: {  	[timem:s22], [sflag:s7] =	dma.local [hbm:s6], s5  }
0xa4: {  	_ =	swait.ge [sflag:s7], s5  }
0xa5: {  	s5 =	ssub.s32 $0x0, s5;
	[sflag:s7] =	ssyncset.done $0x0  }
0xa6: {  	[sflag:s7] =	ssyncadd.s32 s5;
	_ =	sdelay $0x1  }
0xa7: {  	s23 =	simm.s32 $0x1B8B  }
0xa8: {  	_ =	swait.ge [sflag:s23], $0x1  }
0xa9: {  	[sflag:s23] =	ssyncset.done $0x0  }
0xaa: {  	[sflag:s23] =	ssyncadd.s32 $0xFFFFFFFF  }
0xab: {  	s5 =	sld [smem:$0x0]  }
0xac: {  	s6 =	sand.u32 $0xFFFFFFFE, s1  }
0xad: {  	p0 =	sne.s32 s1, s6  }
0xae: {  	s6 =	sshll.u32 @p0 s6, $0xE  }
0xaf: {  	s6 =	sadd.s32 @p0 $0x11B8D, s6;
	s7 =	sshll.u32 @p0 s5, $0x11  }
0xb0: {  	s6 =	sor.u32 @p0 s7, s6  }
0xb1: {  	[sflag:s6] =	ssyncadd.remote.s32 @p0 $0x1;
	_ =	sdelay $0x1  }
0xb2: {  	s6 =	simm.s32 @p0 $0x1B8D  }
0xb3: {  	_ =	swait.eq @p0 [sflag:s6], $0x1  }
0xb4: {  	[sflag:s6] =	ssyncadd.s32 @p0 $0xFFFFFFFF  }
0xb5: {  	s7 =	sshll.u32 @!p0 s1, $0xE  }
0xb6: {  	s7 =	sor.u32 @!p0 $0x4000, s7;
	s6 =	simm.s32 @!p0 $0x1B8D  }
0xb7: {  	s5 =	sshll.u32 @!p0 s5, $0x11;
	s7 =	sadd.s32 @!p0 $0x11B8D, s7;
	_ =	swait.eq @!p0 [sflag:s6], $0x1  }
0xb8: {  	s5 =	sor.u32 @!p0 s5, s7;
	[sflag:s6] =	ssyncadd.s32 @!p0 $0xFFFFFFFF  }
0xb9: {  	s25 =	simm.s32 $0x1B8E;
	s24 =	sld [smem:$0x3FFE];
	[sflag:s5] =	ssyncadd.remote.s32 @!p0 $0x1  }
0xba: {  	s26 =	simm.s32 $execute0_lowered;
	[smem:$0x3FD2] =	sst s25  }
0xbb: {  	s6 =	sshll.u32 s26, $0x1;
	_ =	strace $0x80000049;
	[dreg:$0x1] =	wrdreg $0xFFFFFFFF  }
0xbc: {  	s28 =	simm.s32 $_size_execute0_lowered;
	s4 =	sadd.s32 s4, s6;
	[dreg:$0x0] =	wrdreg $0x0  }
0xbd: {  	s6 =	sshll.u32 s28, $0x1;
	[dreg:$0x2] =	wrdreg s4  }
0xbe: {  	[dreg:$0x3] =	wrdreg s6  }
0xbf: {  	[dreg:$0x4] =	wrdreg $0xC0  }
0xc0: {  	_ =	task [dreg:s22], $0x5FFFF  }
0xc1: {  	[dreg:$0x1] =	wrdreg $0xFFFFFFFF  }
0xc2: {  	[dreg:$0x0] =	wrdreg $0x60  }
0xc3: {  	[dreg:$0x2] =	wrdreg s24  }
0xc4: {  	[dreg:$0x3] =	wrdreg s17  }
0xc5: {  	[dreg:$0x4] =	wrdreg $0x9  }
0xc6: {  	_ =	task.clear_ibuf [dreg:s22], $0x5FFFF;
	_ =	strace $0x90000049  }
0xc7: {  	s29 =	simm.s32 $0x9;
	_ =	strace $0x8000004B  }
0xc8: {  	_ =	swait.ge [sflag:s29], $0x1  }
0xc9: {  	[sflag:s29] =	ssyncadd.s32 $0xFFFFFFFF  }
0xca: {  	_ =	strace $0x9000004B  }
0xcb: {  	_ =	sfence  }
0xcc: {  	s30 =	sld [smem:$0x0];
	_ =	sdelay $0x2  }
0xcd: {  	s31 =	sshll.u32 s1, $0xD;
	s1 =	sshrl.u32 s1, $0x2  }
0xce: {  	s4 =	sand.u32 $0x4000, s31;
	s1 =	sadd.s32 s1, s30  }
0xcf: {  	s0 =	sor.u32 s4, s0;
	s1 =	sshll.u32 s1, $0x11  }
0xd0: {  	s0 =	sor.u32 s1, s0  }
0xd1: {  	s0 =	sadd.s32 $0x8F2B, s0  }
0xd2: {  	[sflag:s0] =	ssyncadd.remote.s32 $0x1  }
0xd3: {  	_ =	sfence.sel $0xFFFF  }
0xd4: {  	[dreg:$0x0] =	wrdreg $0xFFFFFFFF;
	(pc) =	sbr.abs _section_cstart, $3  }
0xd5: {  	[dreg:$0x1] =	wrdreg $0xFFFFFFFF  }
0xd6: {  	_ =	task.clear_ibuf [dreg:s22], $0x2FFFF;
	_ =	strace $0x9FFFFFFF  }
0xd7: {  	(tm) =	ssettm $0x7FFFFFFF  }
tec
execute0_lowered:
.L_overlay_start_1:
0x0: {  	(tag) =	ssettag $0x1  }
0x1: {  	s7 =	rddreg [dreg:$0x0]  }
0x2: {  	s2 =	rddreg [dreg:$0x1]  }
0x3: {  	s0 =	rddreg [dreg:$0x2]  }
0x4: {  	s1 =	srdreg.scid;
	_ =	strace $0x8000004A;
	s4 =	simm.s32 $0x1  }
0x5: {  	s9 =	simm.s32 $0x3;
	s12 =	simm.s32 $0x0;
	s5 =	sshll.u32 s1, $0x4  }
.Ltmp0:
0x6: {  	s1 =	stileid.u32;
	s5 =	sand.u32 $0x10, s5;
	(pc) =	sbr.rel .LBB2_1-.Ltmp0, $4  }
0x7: {  	s10 =	simm.s32 $0x0;
	s3 =	sadd.s32 $0x22000, s7;
	s6 =	sor.u32 s1, s5  }
0x8: {  	[sflag:s4] =	ssyncpa.u1 $0x0;
	s5 =	simm.s32 $0x2;
	s6 =	sshll.u32 s6, $0x6  }
0x9: {  	s7 =	sadd.s32 $0x4A000, s7;
	[sflag:s5] =	ssyncpa.u1 $0x0;
	s8 =	sadd.s32 $0x40, s6  }
0xa: {  	vm0 =	vmmov $0xff;
	vm1 =	vcmask $0x3F20;
	[sflag:s9] =	ssyncpa.u1 $0x0;
	s9 =	simm.s32 $0x40;
	s11 =	smov.u32 s6  }
.LBB2_9:
0xb: {  	p0 =	seq.s32 s10, $0x2  }
.Ltmp1:
0xc: {  	_ = 	snop;
	(pc) =	sbr.rel @p0 .LBB2_11-.Ltmp1, $1  }
0xd: {  	_ =	sdelay $0x3  }
.LBB2_10:
0xe: {  	s12 =	sadd.s32 $0x40, s11  }
0xf: {  	s13 =	smov.u32 s6;
	p0 =	slt.s32 s12, s8  }
0x10: {  	s13 =	smov.u32 @p0 s12  }
0x11: {  	s10 =	sadd.s32 $0x1, s10;
	s12 =	smov.u32 s11;
	s11 =	smov.u32 s13  }
.LBB2_1:
0x12: {  	p0 =	sne.s32 s10, $0x0  }
.Ltmp2:
0x13: {  	_ = 	snop;
	(pc) =	sbr.rel @!p0 .LBB2_2-.Ltmp2, $1  }
0x14: {  	_ =	sdelay $0x3  }
0x15: {  	s13 =	sand.u32 $0x1, s10  }
0x16: {  	p0 =	seq.s32 s13, $0x0  }
.Ltmp3:
0x17: {  	_ = 	snop;
	(pc) =	sbr.rel @p0 .LBB2_9-.Ltmp3, $1  }
0x18: {  	_ =	sdelay $0x3  }
0x19: {  	_ =	swait.ge [sflag:s5], $0x40  }
0x1a: {  	[sflag:s5] =	ssyncset.done $0x0  }
0x1b: {  	s13 =	simm.s32 $0x0;
	[sflag:s5] =	ssyncadd.s32 $0xFFFFFFC0  }
0x1c: {  	v0 =	vld.msk [tilespmem:s13+$0x40 ss:$0x1], $0xffff;
	_ =	sdelay $0x4  }
0x1d: {  	vm2 =	vgt.s32 v0, $0x0  }
0x1e: {  	v0 =	vnsel vm2, $0x0, v0  }
0x1f: {  	v0 =	vmin.u32 v0, $0x1FFF  }
0x20: {  	v0 =	vshll.u32 v0, $0x4;
	_ =	sdelay $0x3  }
0x21: {  	s13 =	simm.s32 $0x2080  }
0x22: {  	[tilespmem:s13], [sflag:$0x1] =	stream.indirect_vreg.gather [hbm:s3], $0x80, v0, vm0, $0x38;
	[tilespmem:$0x4080] =	vst v63  }
0x23: {  	s14 =	simm.s32 $0x2480;
	s31 =	simm.s32 $0x10  }
0x24: {  	[tilespmem:s14], [sflag:$0x1] =	stream.indirect_vreg.gather [hbm:s3], $0x80, v0, vm1, $0x38;
	[tilespmem:$0x4080] =	vst v63  }
0x25: {  	s14 =	simm.s32 $0x80;
	v0 =	vld.msk [tilespmem:s31+$0x40 ss:$0x1], $0xffff  }
.LBB2_5:
0x26: {  	p0 =	sne.s32 s14, $0xC0;
	_ =	sdelay $0x4  }
0x27: {  	vm2 =	vgt.s32 v0, $0x0  }
0x28: {  	v0 =	vnsel vm2, $0x0, v0  }
0x29: {  	v0 =	vmin.u32 v0, $0x1FFF  }
0x2a: {  	v0 =	vshll.u32 v0, $0x4;
	_ =	sdelay $0x3  }
.Ltmp4:
0x2b: {  	s13 =	sadd.s32 $0x800, s13;
	(pc) =	sbr.rel @p0 .LBB2_5-.Ltmp4, $4  }
0x2c: {  	[tilespmem:s13], [sflag:$0x1] =	stream.indirect_vreg.gather [hbm:s3], $0x80, v0, vm0, $0x38;
	[tilespmem:$0x4080] =	vst v63  }
0x2d: {  	s15 =	sshra.s32 s14, $0x2;
	s16 =	sadd.s32 $0x400, s13  }
0x2e: {  	[tilespmem:s16], [sflag:$0x1] =	stream.indirect_vreg.gather [hbm:s3], $0x80, v0, vm1, $0x38;
	[tilespmem:$0x4080] =	vst v63  }
0x2f: {  	s14 =	sadd.s32 $0x40, s14;
	v0 =	vld.msk [tilespmem:s15+$0x40 ss:$0x1], $0xffff  }
0x30: {  	_ =	sdelay $0x3  }
0x31: {  	vm2 =	vgt.s32 v0, $0x0  }
0x32: {  	v0 =	vnsel vm2, $0x0, v0  }
0x33: {  	v0 =	vmin.u32 v0, $0x1FFF  }
0x34: {  	v0 =	vshll.u32 v0, $0x4;
	_ =	sdelay $0x3  }
0x35: {  	s13 =	sadd.s32 $0x800, s13  }
0x36: {  	[tilespmem:s13], [sflag:$0x1] =	stream.indirect_vreg.gather [hbm:s3], $0x80, v0, vm0, $0x38;
	[tilespmem:$0x4080] =	vst v63  }
0x37: {  	s13 =	sadd.s32 $0x400, s13  }
0x38: {  	[tilespmem:s13], [sflag:$0x1] =	stream.indirect_vreg.gather [hbm:s3], $0x80, v0, vm1, $0x38;
	[tilespmem:$0x4080] =	vst v63  }
0x39: {  	s12 =	sshll.u32 s12, $0x4;
	s14 =	simm.s32 $0x80;
	_ =	swait.ge [sflag:s4], $0x2000  }
0x3a: {  	s15 =	simm.s32 $0x2480;
	s12 =	sadd.s32 s12, s7;
	[sflag:s4] =	ssyncset.done $0x0  }
0x3b: {  	s16 =	sadd.s32 $0x0, s12;
	s13 =	simm.s32 $0x2080;
	[sflag:s4] =	ssyncadd.s32 $0xFFFFE000  }
.LBB2_7:
0x3c: {  	[hbm:s16] =	stream.linear.scatter [tilespmem:s13], [sflag:$0x3], $0x400, $0x38;
	[tilespmem:$0x4080] =	vst v63  }
0x3d: {  	s16 =	smov.u32 s14;
	s13 =	smov.u32 s15;
	p0 =	sne.s32 s14, $0x380  }
.Ltmp5:
0x3e: {  	s14 =	sadd.s32 $0x80, s14;
	(pc) =	sbr.rel @p0 .LBB2_7-.Ltmp5, $2  }
0x3f: {  	_ =	sdelay $0x2  }
0x40: {  	s15 =	sadd.s32 $0x400, s15;
	s16 =	sadd.s32 s16, s12  }
.Ltmp6:
0x41: {  	(pc) =	sbr.rel .LBB2_9-.Ltmp6, $2  }
0x42: {  	_ =	sdelay $0x2  }
0x43: {  	[hbm:s16] =	stream.linear.scatter [tilespmem:s13], [sflag:$0x3], $0x400, $0x38;
	[tilespmem:$0x4080] =	vst v63  }
.LBB2_2:
.Ltmp7:
0x44: {  	(pc) =	sbr.rel .LBB2_10-.Ltmp7, $4  }
0x45: {  	_ = 	snop  }
0x46: {  	s12 =	sshrl.u32 s11, $0x3  }
0x47: {  	s13 =	sand.u32 $0x7, s11;
	s12 =	sadd.s32 s2, s12  }
0x48: {  	[tilespmem:s9], [sflag:$0x2] =	stream.linear.gather [hbm4b:s12+s13], $0x40, $0x38;
	[tilespmem:$0x4080] =	vst v63  }
.LBB2_11:
0x49: {  	s2 =	simm.s32 $0x3  }
0x4a: {  	_ =	swait.ge [sflag:s2], $0x2000  }
0x4b: {  	[sflag:s2] =	ssyncset.done $0x0  }
0x4c: {  	[sflag:s2] =	ssyncadd.s32 $0xFFFFE000  }
0x4d: {  	_ =	sfence.sel $0x180000  }
0x4e: {  	s3 =	simm.s32 $0x2;
	[bflag:$0x0] =	sbarrier.arrive $0xFFFF  }
0x4f: {  	[sflag:s3] =	ssyncpa.u1 $0x1  }
0x50: {  	s31 =	simm.s32 $0x1;
	[sflag:s2] =	ssyncpa.u1 $0x1  }
0x51: {  	[sflag:s31] =	ssyncpa.u1 $0x1  }
0x52: {  	p0 =	sne.s32 s1, $0x0;
	_ =	strace $0x9000004A  }
0x53: {  	s0 =	sadd.s32 @!p0 $0x100000, s0;
	[bflag:$0x2] =	sbarrier.arrive $0xFFFF  }
0x54: {  	[sflag:s0] =	ssyncadd.tile.s32 @!p0 $0x1;
	_ =	shalt  }
.Lfunc_end2:
_tile_overlayer_lowered:
.L_overlay_start_2:
0x55: {  	(tag) =	ssettag $0x2  }
0x56: {  	s0 =	rddreg [dreg:$0x0];
	s2 =	stileid.u32  }
0x57: {  	s1 =	rddreg [dreg:$0x1];
	p0 =	sne.s32 s2, $0x0  }
0x58: {  	s3 =	rddreg [dreg:$0x2];
	[bflag:$0x3] =	sbarrier.arrive $0xFFFF;
	s2 =	simm.s32 @!p0 $0x1C01  }
0x59: {  	[timem:s3], [sflag:s2] =	dma.local @!p0 [hbm:s0], s1  }
0x5a: {  	s0 =	simm.s32 @!p0 $0x1  }
0x5b: {  	_ =	swait.ge @!p0 [sflag:s0], s1  }
0x5c: {  	s1 =	ssub.s32 @!p0 $0x0, s1;
	[sflag:s0] =	ssyncset.done @!p0 $0x0  }
0x5d: {  	[sflag:s0] =	ssyncadd.s32 @!p0 s1  }
0x5e: {  	[bflag:$0x3] =	sbarrier.arrive $0xFFFF  }
0x5f: {  	_ =	shalt  }

// kernel: kernel.10.cloned.1.call-start
scs
__scs_entry_jumppad:
0x0: {  	(pc) =	sbr.rel $0x88, $3  }
0x1: {  	(tag) =	ssettag $0x0;
	lr =	simm.s32 $0x1  }
0x2: {  	[smem:$0x3F8D] =	sst lr;
	_ =	strace $0xD0000000  }
0x3: {  	_ = 	snop  }
0x4: {  	_ = 	snop  }
0x5: {  	_ = 	snop  }
0x6: {  	_ = 	snop  }
0x7: {  	_ = 	snop  }
__scs_overlays_trampoline_lowered:
0x8: {  	[smem:$0x3F9C] =	sst s0  }
0x9: {  	[smem:$0x3F9D] =	sst s1  }
0xa: {  	[smem:$0x3F9E] =	sst s2  }
0xb: {  	[smem:$0x3F9F] =	sst s3  }
0xc: {  	[smem:$0x3FA0] =	sst s4  }
0xd: {  	[smem:$0x3FA1] =	sst s5  }
0xe: {  	[smem:$0x3FA2] =	sst s6  }
0xf: {  	[smem:$0x3FA3] =	sst s7  }
0x10: {  	[smem:$0x3FA4] =	sst s8  }
0x11: {  	[smem:$0x3FA5] =	sst s9;
	s0 =	simm.s32 @!p0 $0x0  }
0x12: {  	s1 =	sld [smem:$0x3F8B];
	s0 =	simm.s32 @p0 $0x1  }
0x13: {  	[smem:$0x3FA6] =	sst s0;
	s0 =	simm.s32 @!p1 $0x0  }
0x14: {  	s2 =	sld [smem:$0x3F8A];
	s0 =	simm.s32 @p1 $0x1  }
0x15: {  	[smem:$0x3FA7] =	sst s0;
	s0 =	simm.s32 @!p2 $0x0  }
0x16: {  	s3 =	sld [smem:$0x3FDB];
	s0 =	simm.s32 @p2 $0x1  }
0x17: {  	s4 =	simm.s32 $0x1BF5;
	[smem:$0x3FA9] =	sst s0  }
0x18: {  	s0 =	sld [smem:$0x3F8C];
	_ =	swait.ge [sflag:s4], $0x0  }
0x19: {  	s7 =	sld [smem:$0x3F8D]  }
0x1a: {  	s8 =	sadd.s32 $0xFFFFE003, lr  }
0x1b: {  	s9 =	sadd.s32 $0xFFFFFEF7, lr;
	s5 =	simm.s32 $0xFFFFFFFF;
	p2 =	slt.u32 s8, $0xFFFFF086  }
0x1c: {  	p1 =	slt.u32 s9, $0xF7A;
	s5 =	simm.s32 @!p2 $0x0  }
0x1d: {  	s5 =	simm.s32 @p1 $0x1;
	p0 =	seq.s32 s7, s2  }
0x1e: {  	s7 =	smul.u32 @!p0 $0xF7A, s2;
	p2 =	seq.s32 @!p0 s5, $0x0  }
0x1f: {  	s9 =	smul.u32 $0xF7A, s1;
	s8 =	simm.s32 @!p0 $0x1BF5;
	p2 =	por !p2, p0  }
0x20: {  	[sflag:s8] =	ssyncset.s32 @!p0 $0xFFFFF086;
	s6 =	sadd.s32 @!p0 s3, s7;
	s7 =	simm.s32 @!p0 $0x108  }
0x21: {  	s3 =	sadd.s32 s3, s9;
	s6 =	sadd.s32 @!p0 $0x88, s6;
	s7 =	simm.s32 @p2 $0x1082  }
0x22: {  	[simem:s7], [sflag:s8] =	dma.local @!p0 [hbm:s6], $0xF7A  }
0x23: {  	s9 =	sor.u32 $0xD0000000, s2;
	s6 =	simm.s32 $0x108;
	_ =	swait.ge @!p0 [sflag:s8], $0x0  }
0x24: {  	s3 =	sadd.s32 $0x88, s3;
	s6 =	simm.s32 @!p1 $0x1082;
	[sflag:s4] =	ssyncset.s32 $0xFFFFF086  }
0x25: {  	[simem:s6], [sflag:s4] =	dma.local [hbm:s3], $0xF7A  }
0x26: {  	[smem:$0x3F8D] =	sst s1;
	(tag) =	ssettag s2;
	_ =	strace s9  }
0x27: {  	s1 =	sld [smem:$0x3F9D]  }
0x28: {  	s2 =	sld [smem:$0x3F9E]  }
0x29: {  	s4 =	sld [smem:$0x3FA0]  }
0x2a: {  	p0 =	seq.s32 s5, $0x0;
	s5 =	sld [smem:$0x3FA1]  }
0x2b: {  	s6 =	sld [smem:$0x3FA2]  }
0x2c: {  	s7 =	sld [smem:$0x3FA3]  }
0x2d: {  	s3 =	simm.s32 $0x108;
	s8 =	sld [smem:$0x3FA4]  }
0x2e: {  	s3 =	simm.s32 @!p0 $0x1082;
	s9 =	sld [smem:$0x3FA5]  }
0x2f: {  	lr =	sadd.s32 s0, s3;
	s0 =	sld [smem:$0x3F9C]  }
0x30: {  	s3 =	sld [smem:$0x3F9F]  }
0x31: {  	[smem:$0x3FA8] =	sst s10  }
0x32: {  	s10 =	sld [smem:$0x3FA6];
	_ =	sdelay $0x3  }
0x33: {  	p0 =	seq.s32 s10, $0x1;
	s10 =	sld [smem:$0x3FA8];
	_ =	sdelay $0x3  }
0x34: {  	[smem:$0x3FA8] =	sst s10  }
0x35: {  	s10 =	sld [smem:$0x3FA7];
	_ =	sdelay $0x3  }
0x36: {  	p1 =	seq.s32 s10, $0x1;
	s10 =	sld [smem:$0x3FA8];
	_ =	sdelay $0x3  }
0x37: {  	[smem:$0x3FA8] =	sst s10  }
0x38: {  	s10 =	sld [smem:$0x3FA9]  }
0x39: {  	_ = 	snop;
	(pc) =	sbr.ind lr, $3  }
0x3a: {  	_ = 	snop  }
0x3b: {  	_ = 	snop  }
0x3c: {  	p2 =	seq.s32 s10, $0x1;
	s10 =	sld [smem:$0x3FA8]  }
0x3d: {  	_ =	shalt  }
0x3e: {  	_ =	shalt  }
0x3f: {  	_ =	shalt  }
0x40: {  	_ =	shalt  }
0x41: {  	_ =	shalt  }
0x42: {  	_ =	shalt  }
0x43: {  	_ =	shalt  }
0x44: {  	_ =	shalt  }
0x45: {  	_ =	shalt  }
0x46: {  	_ =	shalt  }
0x47: {  	_ =	shalt  }
0x48: {  	_ =	shalt  }
0x49: {  	_ =	shalt  }
0x4a: {  	_ =	shalt  }
0x4b: {  	_ =	shalt  }
0x4c: {  	_ =	shalt  }
0x4d: {  	_ =	shalt  }
0x4e: {  	_ =	shalt  }
0x4f: {  	_ =	shalt  }
0x50: {  	_ =	shalt  }
0x51: {  	_ =	shalt  }
0x52: {  	_ =	shalt  }
0x53: {  	_ =	shalt  }
0x54: {  	_ =	shalt  }
0x55: {  	_ =	shalt  }
0x56: {  	_ =	shalt  }
0x57: {  	_ =	shalt  }
0x58: {  	_ =	shalt  }
0x59: {  	_ =	shalt  }
0x5a: {  	_ =	shalt  }
0x5b: {  	_ =	shalt  }
0x5c: {  	_ =	shalt  }
0x5d: {  	_ =	shalt  }
0x5e: {  	_ =	shalt  }
0x5f: {  	_ =	shalt  }
0x60: {  	_ =	shalt  }
0x61: {  	_ =	shalt  }
0x62: {  	_ =	shalt  }
0x63: {  	_ =	shalt  }
0x64: {  	_ =	shalt  }
0x65: {  	_ =	shalt  }
0x66: {  	_ =	shalt  }
0x67: {  	_ =	shalt  }
0x68: {  	_ =	shalt  }
0x69: {  	_ =	shalt  }
0x6a: {  	_ =	shalt  }
0x6b: {  	_ =	shalt  }
0x6c: {  	_ =	shalt  }
0x6d: {  	_ =	shalt  }
0x6e: {  	_ =	shalt  }
0x6f: {  	_ =	shalt  }
0x70: {  	_ =	shalt  }
0x71: {  	_ =	shalt  }
0x72: {  	_ =	shalt  }
0x73: {  	_ =	shalt  }
0x74: {  	_ =	shalt  }
0x75: {  	_ =	shalt  }
0x76: {  	_ =	shalt  }
0x77: {  	_ =	shalt  }
0x78: {  	_ =	shalt  }
0x79: {  	_ =	shalt  }
0x7a: {  	_ =	shalt  }
0x7b: {  	_ =	shalt  }
0x7c: {  	_ =	shalt  }
0x7d: {  	_ =	shalt  }
0x7e: {  	_ =	shalt  }
0x7f: {  	_ =	shalt  }
0x80: {  	_ =	shalt  }
0x81: {  	_ =	shalt  }
0x82: {  	_ =	shalt  }
0x83: {  	_ =	shalt  }
0x84: {  	_ =	shalt  }
0x85: {  	_ =	shalt  }
0x86: {  	_ =	shalt  }
0x87: {  	_ =	shalt  }
.Lfunc_end0:
.L_simem_size_0:
called_computation.2_lowered:
.L_overlay_start_0:
0x88: {  	s2 =	sld [smem:$0x3FD9]  }
0x89: {  	s3 =	sld [smem:$0x3FFE];
	_ =	sdelay $0x1  }
0x8a: {  	s1 =	srdreg.scid  }
0x8b: {  	s0 =	sand.u32 $0x1, s1  }
0x8c: {  	s17 =	sshll.u32 s0, $0xA;
	s2 =	sadd.s32 s3, s2  }
0x8d: {  	s2 =	sadd.s32 s2, s17  }
0x8e: {  	[smem:$0x3FB4] =	sst s2  }
0x8f: {  	_ = 	snop  }
0x90: {  	(tm) =	ssettm $0x1  }
0x91: {  	s18 =	sld [smem:$0x3FFB];
	_ =	sdelay $0x3  }
0x92: {  	_ =	strace s18  }
0x93: {  	s2 =	sld [smem:$0x3FFC];
	_ =	sdelay $0x3  }
0x94: {  	_ =	strace s2  }
0x95: {  	s2 =	sld [smem:$0x3FFD];
	_ =	sdelay $0x3  }
0x96: {  	_ =	strace s2  }
0x97: {  	_ =	strace $0x8FFFFFFF  }
0x98: {  	s19 =	sld [smem:$0x3FDB];
	_ =	sdelay $0x1  }
0x99: {  	s20 =	simm.s32 $_scs_section_size  }
0x9a: {  	s4 =	simm.s32 $_size__tile_overlayer_lowered;
	s5 =	simm.s32 $_tile_overlayer_lowered  }
0x9b: {  	s6 =	simm.s32 $0x1BFF;
	s21 =	sshll.u32 s5, $0x1;
	s3 =	sadd.s32 s20, s19  }
0x9c: {  	s22 =	simm.s32 $0x0;
	s4 =	sshll.u32 s4, $0x1;
	s5 =	sadd.s32 s21, s3  }
0x9d: {  	[timem:s22], [sflag:s6] =	dma.local [hbm:s5], s4  }
0x9e: {  	_ =	swait.ge [sflag:s6], s4  }
0x9f: {  	s4 =	ssub.s32 $0x0, s4;
	[sflag:s6] =	ssyncset.done $0x0  }
0xa0: {  	[sflag:s6] =	ssyncadd.s32 s4;
	_ =	sdelay $0x1  }
0xa1: {  	s23 =	simm.s32 $0x1B8B  }
0xa2: {  	_ =	swait.ge [sflag:s23], $0x1  }
0xa3: {  	[sflag:s23] =	ssyncset.done $0x0  }
0xa4: {  	[sflag:s23] =	ssyncadd.s32 $0xFFFFFFFF  }
0xa5: {  	s4 =	sld [smem:$0x0]  }
0xa6: {  	s5 =	sand.u32 $0xFFFFFFFE, s1  }
0xa7: {  	p0 =	sne.s32 s1, s5  }
0xa8: {  	s5 =	sshll.u32 @p0 s5, $0xE  }
0xa9: {  	s5 =	sadd.s32 @p0 $0x11B8D, s5;
	s6 =	sshll.u32 @p0 s4, $0x11  }
0xaa: {  	s5 =	sor.u32 @p0 s6, s5  }
0xab: {  	[sflag:s5] =	ssyncadd.remote.s32 @p0 $0x1;
	_ =	sdelay $0x1  }
0xac: {  	s5 =	simm.s32 @p0 $0x1B8D  }
0xad: {  	_ =	swait.eq @p0 [sflag:s5], $0x1  }
0xae: {  	[sflag:s5] =	ssyncadd.s32 @p0 $0xFFFFFFFF  }
0xaf: {  	s6 =	sshll.u32 @!p0 s1, $0xE  }
0xb0: {  	s6 =	sor.u32 @!p0 $0x4000, s6;
	s5 =	simm.s32 @!p0 $0x1B8D  }
0xb1: {  	s4 =	sshll.u32 @!p0 s4, $0x11;
	s6 =	sadd.s32 @!p0 $0x11B8D, s6;
	_ =	swait.eq @!p0 [sflag:s5], $0x1  }
0xb2: {  	s4 =	sor.u32 @!p0 s4, s6;
	[sflag:s5] =	ssyncadd.s32 @!p0 $0xFFFFFFFF  }
0xb3: {  	s25 =	simm.s32 $0x1B8E;
	s24 =	sld [smem:$0x3FFE];
	[sflag:s4] =	ssyncadd.remote.s32 @!p0 $0x1  }
0xb4: {  	s26 =	simm.s32 $execute0_lowered;
	[smem:$0x3FD2] =	sst s25  }
0xb5: {  	s5 =	sshll.u32 s26, $0x1;
	_ =	strace $0x80000052;
	[dreg:$0x1] =	wrdreg $0xFFFFFFFF  }
0xb6: {  	s28 =	simm.s32 $_size_execute0_lowered;
	s3 =	sadd.s32 s3, s5;
	[dreg:$0x0] =	wrdreg $0x0  }
0xb7: {  	s5 =	sshll.u32 s28, $0x1;
	[dreg:$0x2] =	wrdreg s3  }
0xb8: {  	[dreg:$0x3] =	wrdreg s5  }
0xb9: {  	[dreg:$0x4] =	wrdreg $0xC0  }
0xba: {  	_ =	task [dreg:s22], $0x5FFFF  }
0xbb: {  	[dreg:$0x1] =	wrdreg $0xFFFFFFFF  }
0xbc: {  	[dreg:$0x0] =	wrdreg $0x60  }
0xbd: {  	[dreg:$0x2] =	wrdreg s24  }
0xbe: {  	[dreg:$0x3] =	wrdreg $0x9  }
0xbf: {  	_ =	task.clear_ibuf [dreg:s22], $0x4FFFF;
	_ =	strace $0x90000052  }
0xc0: {  	s29 =	simm.s32 $0x9;
	_ =	strace $0x80000054  }
0xc1: {  	_ =	swait.ge [sflag:s29], $0x1  }
0xc2: {  	[sflag:s29] =	ssyncadd.s32 $0xFFFFFFFF  }
0xc3: {  	_ =	strace $0x90000054  }
0xc4: {  	_ =	sfence  }
0xc5: {  	s30 =	sld [smem:$0x0];
	_ =	sdelay $0x2  }
0xc6: {  	s31 =	sshll.u32 s1, $0xD;
	s1 =	sshrl.u32 s1, $0x2  }
0xc7: {  	s4 =	sand.u32 $0x4000, s31;
	s1 =	sadd.s32 s1, s30  }
0xc8: {  	s0 =	sor.u32 s4, s0;
	s1 =	sshll.u32 s1, $0x11  }
0xc9: {  	s0 =	sor.u32 s1, s0  }
0xca: {  	s0 =	sadd.s32 $0x8F2B, s0  }
0xcb: {  	[sflag:s0] =	ssyncadd.remote.s32 $0x1  }
0xcc: {  	_ =	sfence.sel $0xFFFF  }
0xcd: {  	[dreg:$0x0] =	wrdreg $0xFFFFFFFF;
	(pc) =	sbr.abs _section_cstart, $3  }
0xce: {  	[dreg:$0x1] =	wrdreg $0xFFFFFFFF  }
0xcf: {  	_ =	task.clear_ibuf [dreg:s22], $0x2FFFF;
	_ =	strace $0x9FFFFFFF  }
0xd0: {  	(tm) =	ssettm $0x7FFFFFFF  }
0xd1: {  	_ =	shalt  }
tec
execute0_lowered:
.L_overlay_start_1:
0x0: {  	(tag) =	ssettag $0x1  }
0x1: {  	s4 =	rddreg [dreg:$0x0]  }
0x2: {  	s0 =	rddreg [dreg:$0x1];
	s2 =	simm.s32 $0x0;
	s3 =	srdreg.scid  }
0x3: {  	s1 =	stileid.u32;
	s10 =	simm.s32 $0x0;
	[smem:$0x7FF] =	sst s2  }
0x4: {  	s5 =	sand.u32 $0x1, s3;
	s6 =	sshll.u32 s1, $0xD;
	s3 =	sadd.s32 $0x1A00, s4  }
0x5: {  	s8 =	sshll.u32 s1, $0x10;
	_ =	strace $0x80000053;
	s7 =	sshll.u32 s5, $0xC  }
0x6: {  	s31 =	ssub.s32 $0x2, s5;
	s8 =	sadd.s32 s8, s4;
	s5 =	sshll.u32 s5, $0xF  }
0x7: {  	s6 =	sor.u32 s7, s6;
	s9 =	sshrl.u32 s31, $0x1;
	s5 =	sadd.s32 s5, s8  }
0x8: {  	s8 =	simm.s32 $0x80;
	s6 =	sshrl.u32 s6, $0x3;
	s7 =	ssub.s32 s31, s9  }
0x9: {  	s5 =	sadd.s32 $0x2B2000, s5;
	s9 =	simm.s32 $0x1;
	s6 =	sadd.s32 s6, s4  }
0xa: {  	s4 =	smax.u32 s7, $0x1;
	s7 =	simm.s32 $0x2;
	s6 =	sadd.s32 $0x7A000, s6  }
.LBB2_1:
0xb: {  	s11 =	sadd.s32 $0x0, s6  }
0xc: {  	[tilespmem:s2], [sflag:$0x2] =	stream.linear.gather [hbm4b:s11+s2], $0x80, $0x38;
	[tilespmem:$0x2080] =	vst v63  }
0xd: {  	_ =	swait.ge [sflag:s7], $0x80  }
0xe: {  	[sflag:s7] =	ssyncset.done $0x0  }
0xf: {  	[sflag:s7] =	ssyncadd.s32 $0xFFFFFF80  }
0x10: {  	[tilespmem:s8], [sflag:$0x1] =	stream.indirect.gather [hbm4b:s3+s8], $0x40, s2, s8, $0xb8;
	[tilespmem:$0x2080] =	vst v63  }
0x11: {  	_ =	swait.ge [sflag:s9], $0x2000  }
0x12: {  	[sflag:s9] =	ssyncset.done $0x0  }
0x13: {  	[sflag:s9] =	ssyncadd.s32 $0xFFFFE000  }
0x14: {  	[hbm4b:s5+s2] =	stream.linear.scatter [tilespmem:s8], [sflag:$0x2], $0x2000, $0x38;
	[tilespmem:$0x2080] =	vst v63  }
0x15: {  	s12 =	simm.s32 $0x10;
	_ =	swait.ge [sflag:s7], $0x2000  }
0x16: {  	s13 =	simm.s32 $0x20;
	s11 =	sadd.s32 $0x400, s5;
	[sflag:s7] =	ssyncset.done $0x0  }
.LBB2_2:
0x17: {  	s14 =	sadd.s32 s12, s6  }
0x18: {  	[sflag:s7] =	ssyncadd.s32 $0xFFFFE000;
	s12 =	smov.u32 s13;
	s15 =	sadd.s32 $0x10, s13  }
0x19: {  	[tilespmem:s2], [sflag:$0x2] =	stream.linear.gather [hbm4b:s14+s2], $0x80, $0x38;
	[tilespmem:$0x2080] =	vst v63  }
0x1a: {  	p0 =	sne.s32 s13, $0x1F0;
	_ =	swait.ge [sflag:s7], $0x80  }
0x1b: {  	[sflag:s7] =	ssyncset.done $0x0  }
0x1c: {  	[sflag:s7] =	ssyncadd.s32 $0xFFFFFF80  }
0x1d: {  	[tilespmem:s8], [sflag:$0x1] =	stream.indirect.gather [hbm4b:s3+s8], $0x40, s2, s8, $0xb8;
	[tilespmem:$0x2080] =	vst v63  }
0x1e: {  	_ =	swait.ge [sflag:s9], $0x2000  }
.Ltmp0:
0x1f: {  	[sflag:s9] =	ssyncset.done $0x0;
	(pc) =	sbr.rel @p0 .LBB2_2-.Ltmp0, $4  }
0x20: {  	[sflag:s9] =	ssyncadd.s32 $0xFFFFE000  }
0x21: {  	[hbm4b:s11+s2] =	stream.linear.scatter [tilespmem:s8], [sflag:$0x2], $0x2000, $0x38;
	[tilespmem:$0x2080] =	vst v63  }
0x22: {  	_ =	swait.ge [sflag:s7], $0x2000  }
0x23: {  	s13 =	smov.u32 s15;
	s11 =	sadd.s32 $0x400, s11;
	[sflag:s7] =	ssyncset.done $0x0  }
0x24: {  	s12 =	sadd.s32 s12, s6;
	[sflag:s7] =	ssyncadd.s32 $0xFFFFE000  }
0x25: {  	[tilespmem:s2], [sflag:$0x2] =	stream.linear.gather [hbm4b:s12+s2], $0x80, $0x38;
	[tilespmem:$0x2080] =	vst v63  }
0x26: {  	_ =	swait.ge [sflag:s7], $0x80  }
0x27: {  	[sflag:s7] =	ssyncset.done $0x0  }
0x28: {  	[sflag:s7] =	ssyncadd.s32 $0xFFFFFF80  }
0x29: {  	[tilespmem:s8], [sflag:$0x1] =	stream.indirect.gather [hbm4b:s3+s8], $0x40, s2, s8, $0xb8;
	[tilespmem:$0x2080] =	vst v63  }
0x2a: {  	s10 =	sadd.s32 $0x1, s10;
	_ =	swait.ge [sflag:s9], $0x2000  }
0x2b: {  	p0 =	sne.s32 s10, s4;
	[sflag:s9] =	ssyncset.done $0x0  }
.Ltmp1:
0x2c: {  	[sflag:s9] =	ssyncadd.s32 $0xFFFFE000;
	(pc) =	sbr.rel @p0 .LBB2_1-.Ltmp1, $4  }
0x2d: {  	[hbm4b:s11+s2] =	stream.linear.scatter [tilespmem:s8], [sflag:$0x2], $0x2000, $0x38;
	[tilespmem:$0x2080] =	vst v63  }
0x2e: {  	_ =	swait.ge [sflag:s7], $0x2000  }
0x2f: {  	[sflag:s7] =	ssyncset.done $0x0  }
0x30: {  	[sflag:s7] =	ssyncadd.s32 $0xFFFFE000  }
0x31: {  	_ =	sfence.sel $0x180000  }
0x32: {  	[bflag:$0x0] =	sbarrier.arrive $0xFFFF  }
0x33: {  	p0 =	sne.s32 s1, $0x0;
	_ =	strace $0x90000053  }
0x34: {  	s0 =	sadd.s32 @!p0 $0x100000, s0;
	[bflag:$0x2] =	sbarrier.arrive $0xFFFF  }
0x35: {  	[sflag:s0] =	ssyncadd.tile.s32 @!p0 $0x1;
	_ =	shalt  }
.Lfunc_end2:
_tile_overlayer_lowered:
.L_overlay_start_2:
0x36: {  	(tag) =	ssettag $0x2  }
0x37: {  	s0 =	rddreg [dreg:$0x0];
	s2 =	stileid.u32  }
0x38: {  	s1 =	rddreg [dreg:$0x1];
	p0 =	sne.s32 s2, $0x0  }
0x39: {  	s3 =	rddreg [dreg:$0x2];
	[bflag:$0x3] =	sbarrier.arrive $0xFFFF;
	s2 =	simm.s32 @!p0 $0x1C02  }
0x3a: {  	[timem:s3], [sflag:s2] =	dma.local @!p0 [hbm:s0], s1  }
0x3b: {  	s0 =	simm.s32 @!p0 $0x2  }
0x3c: {  	_ =	swait.ge @!p0 [sflag:s0], s1  }
0x3d: {  	s1 =	ssub.s32 @!p0 $0x0, s1;
	[sflag:s0] =	ssyncset.done @!p0 $0x0  }
0x3e: {  	[sflag:s0] =	ssyncadd.s32 @!p0 s1  }
0x3f: {  	[bflag:$0x3] =	sbarrier.arrive $0xFFFF  }
0x40: {  	_ =	shalt  }

// kernel: kernel.13.cloned.1.call-start
scs
__scs_entry_jumppad:
0x0: {  	(pc) =	sbr.rel $0x88, $3  }
0x1: {  	(tag) =	ssettag $0x0;
	lr =	simm.s32 $0x1  }
0x2: {  	[smem:$0x3F8D] =	sst lr;
	_ =	strace $0xD0000000  }
0x3: {  	_ = 	snop  }
0x4: {  	_ = 	snop  }
0x5: {  	_ = 	snop  }
0x6: {  	_ = 	snop  }
0x7: {  	_ = 	snop  }
__scs_overlays_trampoline_lowered:
0x8: {  	[smem:$0x3F9C] =	sst s0  }
0x9: {  	[smem:$0x3F9D] =	sst s1  }
0xa: {  	[smem:$0x3F9E] =	sst s2  }
0xb: {  	[smem:$0x3F9F] =	sst s3  }
0xc: {  	[smem:$0x3FA0] =	sst s4  }
0xd: {  	[smem:$0x3FA1] =	sst s5  }
0xe: {  	[smem:$0x3FA2] =	sst s6  }
0xf: {  	[smem:$0x3FA3] =	sst s7  }
0x10: {  	[smem:$0x3FA4] =	sst s8  }
0x11: {  	[smem:$0x3FA5] =	sst s9;
	s0 =	simm.s32 @!p0 $0x0  }
0x12: {  	s1 =	sld [smem:$0x3F8B];
	s0 =	simm.s32 @p0 $0x1  }
0x13: {  	[smem:$0x3FA6] =	sst s0;
	s0 =	simm.s32 @!p1 $0x0  }
0x14: {  	s2 =	sld [smem:$0x3F8A];
	s0 =	simm.s32 @p1 $0x1  }
0x15: {  	[smem:$0x3FA7] =	sst s0;
	s0 =	simm.s32 @!p2 $0x0  }
0x16: {  	s3 =	sld [smem:$0x3FDB];
	s0 =	simm.s32 @p2 $0x1  }
0x17: {  	s4 =	simm.s32 $0x1BF5;
	[smem:$0x3FA9] =	sst s0  }
0x18: {  	s0 =	sld [smem:$0x3F8C];
	_ =	swait.ge [sflag:s4], $0x0  }
0x19: {  	s7 =	sld [smem:$0x3F8D]  }
0x1a: {  	s8 =	sadd.s32 $0xFFFFE003, lr  }
0x1b: {  	s9 =	sadd.s32 $0xFFFFFEF7, lr;
	s5 =	simm.s32 $0xFFFFFFFF;
	p2 =	slt.u32 s8, $0xFFFFF086  }
0x1c: {  	p1 =	slt.u32 s9, $0xF7A;
	s5 =	simm.s32 @!p2 $0x0  }
0x1d: {  	s5 =	simm.s32 @p1 $0x1;
	p0 =	seq.s32 s7, s2  }
0x1e: {  	s7 =	smul.u32 @!p0 $0xF7A, s2;
	p2 =	seq.s32 @!p0 s5, $0x0  }
0x1f: {  	s9 =	smul.u32 $0xF7A, s1;
	s8 =	simm.s32 @!p0 $0x1BF5;
	p2 =	por !p2, p0  }
0x20: {  	[sflag:s8] =	ssyncset.s32 @!p0 $0xFFFFF086;
	s6 =	sadd.s32 @!p0 s3, s7;
	s7 =	simm.s32 @!p0 $0x108  }
0x21: {  	s3 =	sadd.s32 s3, s9;
	s6 =	sadd.s32 @!p0 $0x88, s6;
	s7 =	simm.s32 @p2 $0x1082  }
0x22: {  	[simem:s7], [sflag:s8] =	dma.local @!p0 [hbm:s6], $0xF7A  }
0x23: {  	s9 =	sor.u32 $0xD0000000, s2;
	s6 =	simm.s32 $0x108;
	_ =	swait.ge @!p0 [sflag:s8], $0x0  }
0x24: {  	s3 =	sadd.s32 $0x88, s3;
	s6 =	simm.s32 @!p1 $0x1082;
	[sflag:s4] =	ssyncset.s32 $0xFFFFF086  }
0x25: {  	[simem:s6], [sflag:s4] =	dma.local [hbm:s3], $0xF7A  }
0x26: {  	[smem:$0x3F8D] =	sst s1;
	(tag) =	ssettag s2;
	_ =	strace s9  }
0x27: {  	s1 =	sld [smem:$0x3F9D]  }
0x28: {  	s2 =	sld [smem:$0x3F9E]  }
0x29: {  	s4 =	sld [smem:$0x3FA0]  }
0x2a: {  	p0 =	seq.s32 s5, $0x0;
	s5 =	sld [smem:$0x3FA1]  }
0x2b: {  	s6 =	sld [smem:$0x3FA2]  }
0x2c: {  	s7 =	sld [smem:$0x3FA3]  }
0x2d: {  	s3 =	simm.s32 $0x108;
	s8 =	sld [smem:$0x3FA4]  }
0x2e: {  	s3 =	simm.s32 @!p0 $0x1082;
	s9 =	sld [smem:$0x3FA5]  }
0x2f: {  	lr =	sadd.s32 s0, s3;
	s0 =	sld [smem:$0x3F9C]  }
0x30: {  	s3 =	sld [smem:$0x3F9F]  }
0x31: {  	[smem:$0x3FA8] =	sst s10  }
0x32: {  	s10 =	sld [smem:$0x3FA6];
	_ =	sdelay $0x3  }
0x33: {  	p0 =	seq.s32 s10, $0x1;
	s10 =	sld [smem:$0x3FA8];
	_ =	sdelay $0x3  }
0x34: {  	[smem:$0x3FA8] =	sst s10  }
0x35: {  	s10 =	sld [smem:$0x3FA7];
	_ =	sdelay $0x3  }
0x36: {  	p1 =	seq.s32 s10, $0x1;
	s10 =	sld [smem:$0x3FA8];
	_ =	sdelay $0x3  }
0x37: {  	[smem:$0x3FA8] =	sst s10  }
0x38: {  	s10 =	sld [smem:$0x3FA9]  }
0x39: {  	_ = 	snop;
	(pc) =	sbr.ind lr, $3  }
0x3a: {  	_ = 	snop  }
0x3b: {  	_ = 	snop  }
0x3c: {  	p2 =	seq.s32 s10, $0x1;
	s10 =	sld [smem:$0x3FA8]  }
0x3d: {  	_ =	shalt  }
0x3e: {  	_ =	shalt  }
0x3f: {  	_ =	shalt  }
0x40: {  	_ =	shalt  }
0x41: {  	_ =	shalt  }
0x42: {  	_ =	shalt  }
0x43: {  	_ =	shalt  }
0x44: {  	_ =	shalt  }
0x45: {  	_ =	shalt  }
0x46: {  	_ =	shalt  }
0x47: {  	_ =	shalt  }
0x48: {  	_ =	shalt  }
0x49: {  	_ =	shalt  }
0x4a: {  	_ =	shalt  }
0x4b: {  	_ =	shalt  }
0x4c: {  	_ =	shalt  }
0x4d: {  	_ =	shalt  }
0x4e: {  	_ =	shalt  }
0x4f: {  	_ =	shalt  }
0x50: {  	_ =	shalt  }
0x51: {  	_ =	shalt  }
0x52: {  	_ =	shalt  }
0x53: {  	_ =	shalt  }
0x54: {  	_ =	shalt  }
0x55: {  	_ =	shalt  }
0x56: {  	_ =	shalt  }
0x57: {  	_ =	shalt  }
0x58: {  	_ =	shalt  }
0x59: {  	_ =	shalt  }
0x5a: {  	_ =	shalt  }
0x5b: {  	_ =	shalt  }
0x5c: {  	_ =	shalt  }
0x5d: {  	_ =	shalt  }
0x5e: {  	_ =	shalt  }
0x5f: {  	_ =	shalt  }
0x60: {  	_ =	shalt  }
0x61: {  	_ =	shalt  }
0x62: {  	_ =	shalt  }
0x63: {  	_ =	shalt  }
0x64: {  	_ =	shalt  }
0x65: {  	_ =	shalt  }
0x66: {  	_ =	shalt  }
0x67: {  	_ =	shalt  }
0x68: {  	_ =	shalt  }
0x69: {  	_ =	shalt  }
0x6a: {  	_ =	shalt  }
0x6b: {  	_ =	shalt  }
0x6c: {  	_ =	shalt  }
0x6d: {  	_ =	shalt  }
0x6e: {  	_ =	shalt  }
0x6f: {  	_ =	shalt  }
0x70: {  	_ =	shalt  }
0x71: {  	_ =	shalt  }
0x72: {  	_ =	shalt  }
0x73: {  	_ =	shalt  }
0x74: {  	_ =	shalt  }
0x75: {  	_ =	shalt  }
0x76: {  	_ =	shalt  }
0x77: {  	_ =	shalt  }
0x78: {  	_ =	shalt  }
0x79: {  	_ =	shalt  }
0x7a: {  	_ =	shalt  }
0x7b: {  	_ =	shalt  }
0x7c: {  	_ =	shalt  }
0x7d: {  	_ =	shalt  }
0x7e: {  	_ =	shalt  }
0x7f: {  	_ =	shalt  }
0x80: {  	_ =	shalt  }
0x81: {  	_ =	shalt  }
0x82: {  	_ =	shalt  }
0x83: {  	_ =	shalt  }
0x84: {  	_ =	shalt  }
0x85: {  	_ =	shalt  }
0x86: {  	_ =	shalt  }
0x87: {  	_ =	shalt  }
.Lfunc_end0:
.L_simem_size_0:
called_computation.3_lowered:
.L_overlay_start_0:
0x88: {  	s2 =	sld [smem:$0x3FD9]  }
0x89: {  	s3 =	sld [smem:$0x3FFE];
	_ =	sdelay $0x1  }
0x8a: {  	s1 =	srdreg.scid  }
0x8b: {  	s0 =	sand.u32 $0x1, s1  }
0x8c: {  	s17 =	sshll.u32 s0, $0xA;
	s2 =	sadd.s32 s3, s2  }
0x8d: {  	s2 =	sadd.s32 s2, s17  }
0x8e: {  	[smem:$0x3FB4] =	sst s2  }
0x8f: {  	_ = 	snop  }
0x90: {  	(tm) =	ssettm $0x1  }
0x91: {  	s18 =	sld [smem:$0x3FFB];
	_ =	sdelay $0x3  }
0x92: {  	_ =	strace s18  }
0x93: {  	s2 =	sld [smem:$0x3FFC];
	_ =	sdelay $0x3  }
0x94: {  	_ =	strace s2  }
0x95: {  	s2 =	sld [smem:$0x3FFD];
	_ =	sdelay $0x3  }
0x96: {  	_ =	strace s2  }
0x97: {  	_ =	strace $0x8FFFFFFF  }
0x98: {  	s19 =	sld [smem:$0x3FDB];
	_ =	sdelay $0x1  }
0x99: {  	s20 =	simm.s32 $_scs_section_size  }
0x9a: {  	s4 =	simm.s32 $_size__tile_overlayer_lowered;
	s5 =	simm.s32 $_tile_overlayer_lowered  }
0x9b: {  	s6 =	simm.s32 $0x1BFF;
	s21 =	sshll.u32 s5, $0x1;
	s3 =	sadd.s32 s20, s19  }
0x9c: {  	s22 =	simm.s32 $0x0;
	s4 =	sshll.u32 s4, $0x1;
	s5 =	sadd.s32 s21, s3  }
0x9d: {  	[timem:s22], [sflag:s6] =	dma.local [hbm:s5], s4  }
0x9e: {  	_ =	swait.ge [sflag:s6], s4  }
0x9f: {  	s4 =	ssub.s32 $0x0, s4;
	[sflag:s6] =	ssyncset.done $0x0  }
0xa0: {  	[sflag:s6] =	ssyncadd.s32 s4;
	_ =	sdelay $0x1  }
0xa1: {  	s23 =	simm.s32 $0x1B8B  }
0xa2: {  	_ =	swait.ge [sflag:s23], $0x1  }
0xa3: {  	[sflag:s23] =	ssyncset.done $0x0  }
0xa4: {  	[sflag:s23] =	ssyncadd.s32 $0xFFFFFFFF  }
0xa5: {  	s4 =	sld [smem:$0x0]  }
0xa6: {  	s5 =	sand.u32 $0xFFFFFFFE, s1  }
0xa7: {  	p0 =	sne.s32 s1, s5  }
0xa8: {  	s5 =	sshll.u32 @p0 s5, $0xE  }
0xa9: {  	s5 =	sadd.s32 @p0 $0x11B8D, s5;
	s6 =	sshll.u32 @p0 s4, $0x11  }
0xaa: {  	s5 =	sor.u32 @p0 s6, s5  }
0xab: {  	[sflag:s5] =	ssyncadd.remote.s32 @p0 $0x1;
	_ =	sdelay $0x1  }
0xac: {  	s5 =	simm.s32 @p0 $0x1B8D  }
0xad: {  	_ =	swait.eq @p0 [sflag:s5], $0x1  }
0xae: {  	[sflag:s5] =	ssyncadd.s32 @p0 $0xFFFFFFFF  }
0xaf: {  	s6 =	sshll.u32 @!p0 s1, $0xE  }
0xb0: {  	s6 =	sor.u32 @!p0 $0x4000, s6;
	s5 =	simm.s32 @!p0 $0x1B8D  }
0xb1: {  	s4 =	sshll.u32 @!p0 s4, $0x11;
	s6 =	sadd.s32 @!p0 $0x11B8D, s6;
	_ =	swait.eq @!p0 [sflag:s5], $0x1  }
0xb2: {  	s4 =	sor.u32 @!p0 s4, s6;
	[sflag:s5] =	ssyncadd.s32 @!p0 $0xFFFFFFFF  }
0xb3: {  	s25 =	simm.s32 $0x1B8E;
	s24 =	sld [smem:$0x3FFE];
	[sflag:s4] =	ssyncadd.remote.s32 @!p0 $0x1  }
0xb4: {  	s26 =	simm.s32 $execute0_lowered;
	[smem:$0x3FD2] =	sst s25  }
0xb5: {  	s5 =	sshll.u32 s26, $0x1;
	_ =	strace $0x8000004F;
	[dreg:$0x1] =	wrdreg $0xFFFFFFFF  }
0xb6: {  	s28 =	simm.s32 $_size_execute0_lowered;
	s3 =	sadd.s32 s3, s5;
	[dreg:$0x0] =	wrdreg $0x0  }
0xb7: {  	s5 =	sshll.u32 s28, $0x1;
	[dreg:$0x2] =	wrdreg s3  }
0xb8: {  	[dreg:$0x3] =	wrdreg s5  }
0xb9: {  	[dreg:$0x4] =	wrdreg $0xC0  }
0xba: {  	_ =	task [dreg:s22], $0x5FFFF  }
0xbb: {  	[dreg:$0x1] =	wrdreg $0xFFFFFFFF  }
0xbc: {  	[dreg:$0x0] =	wrdreg $0x60  }
0xbd: {  	[dreg:$0x2] =	wrdreg s24  }
0xbe: {  	[dreg:$0x3] =	wrdreg $0xA  }
0xbf: {  	_ =	task.clear_ibuf [dreg:s22], $0x4FFFF;
	_ =	strace $0x9000004F  }
0xc0: {  	s29 =	simm.s32 $0xA;
	_ =	strace $0x80000051  }
0xc1: {  	_ =	swait.ge [sflag:s29], $0x1  }
0xc2: {  	[sflag:s29] =	ssyncadd.s32 $0xFFFFFFFF  }
0xc3: {  	_ =	strace $0x90000051  }
0xc4: {  	_ =	sfence  }
0xc5: {  	s30 =	sld [smem:$0x0];
	_ =	sdelay $0x2  }
0xc6: {  	s31 =	sshll.u32 s1, $0xD;
	s1 =	sshrl.u32 s1, $0x2  }
0xc7: {  	s4 =	sand.u32 $0x4000, s31;
	s1 =	sadd.s32 s1, s30  }
0xc8: {  	s0 =	sor.u32 s4, s0;
	s1 =	sshll.u32 s1, $0x11  }
0xc9: {  	s0 =	sor.u32 s1, s0  }
0xca: {  	s0 =	sadd.s32 $0x8F2B, s0  }
0xcb: {  	[sflag:s0] =	ssyncadd.remote.s32 $0x1  }
0xcc: {  	_ =	sfence.sel $0xFFFF  }
0xcd: {  	[dreg:$0x0] =	wrdreg $0xFFFFFFFF;
	(pc) =	sbr.abs _section_cstart, $3  }
0xce: {  	[dreg:$0x1] =	wrdreg $0xFFFFFFFF  }
0xcf: {  	_ =	task.clear_ibuf [dreg:s22], $0x2FFFF;
	_ =	strace $0x9FFFFFFF  }
0xd0: {  	(tm) =	ssettm $0x7FFFFFFF  }
0xd1: {  	_ =	shalt  }
tec
execute0_lowered:
.L_overlay_start_1:
0x0: {  	(tag) =	ssettag $0x1  }
0x1: {  	s4 =	rddreg [dreg:$0x0]  }
0x2: {  	s0 =	rddreg [dreg:$0x1];
	s2 =	simm.s32 $0x0;
	s3 =	srdreg.scid  }
0x3: {  	s1 =	stileid.u32;
	s10 =	simm.s32 $0x0;
	[smem:$0x7FF] =	sst s2  }
0x4: {  	s5 =	sand.u32 $0x1, s3;
	s6 =	sshll.u32 s1, $0xD;
	s3 =	sadd.s32 $0x56000, s4  }
0x5: {  	s8 =	sshll.u32 s1, $0x10;
	_ =	strace $0x80000050;
	s7 =	sshll.u32 s5, $0xC  }
0x6: {  	s31 =	ssub.s32 $0x2, s5;
	s8 =	sadd.s32 s8, s4;
	s5 =	sshll.u32 s5, $0xF  }
0x7: {  	s6 =	sor.u32 s7, s6;
	s9 =	sshrl.u32 s31, $0x1;
	s5 =	sadd.s32 s5, s8  }
0x8: {  	s8 =	simm.s32 $0x80;
	s6 =	sshrl.u32 s6, $0x3;
	s7 =	ssub.s32 s31, s9  }
0x9: {  	s5 =	sadd.s32 $0x1B2000, s5;
	s9 =	simm.s32 $0x1;
	s6 =	sadd.s32 s6, s4  }
0xa: {  	s4 =	smax.u32 s7, $0x1;
	s7 =	simm.s32 $0x2;
	s6 =	sadd.s32 $0x76000, s6  }
.LBB2_1:
0xb: {  	s11 =	sadd.s32 $0x0, s6  }
0xc: {  	[tilespmem:s2], [sflag:$0x2] =	stream.linear.gather [hbm4b:s11+s2], $0x80, $0x38;
	[tilespmem:$0x2080] =	vst v63  }
0xd: {  	_ =	swait.ge [sflag:s7], $0x80  }
0xe: {  	[sflag:s7] =	ssyncset.done $0x0  }
0xf: {  	[sflag:s7] =	ssyncadd.s32 $0xFFFFFF80  }
0x10: {  	[tilespmem:s8], [sflag:$0x1] =	stream.indirect.gather [hbm4b:s3+s8], $0x40, s2, s8, $0xb8;
	[tilespmem:$0x2080] =	vst v63  }
0x11: {  	_ =	swait.ge [sflag:s9], $0x2000  }
0x12: {  	[sflag:s9] =	ssyncset.done $0x0  }
0x13: {  	[sflag:s9] =	ssyncadd.s32 $0xFFFFE000  }
0x14: {  	[hbm4b:s5+s2] =	stream.linear.scatter [tilespmem:s8], [sflag:$0x2], $0x2000, $0x38;
	[tilespmem:$0x2080] =	vst v63  }
0x15: {  	s12 =	simm.s32 $0x10;
	_ =	swait.ge [sflag:s7], $0x2000  }
0x16: {  	s13 =	simm.s32 $0x20;
	s11 =	sadd.s32 $0x400, s5;
	[sflag:s7] =	ssyncset.done $0x0  }
.LBB2_2:
0x17: {  	s14 =	sadd.s32 s12, s6  }
0x18: {  	[sflag:s7] =	ssyncadd.s32 $0xFFFFE000;
	s12 =	smov.u32 s13;
	s15 =	sadd.s32 $0x10, s13  }
0x19: {  	[tilespmem:s2], [sflag:$0x2] =	stream.linear.gather [hbm4b:s14+s2], $0x80, $0x38;
	[tilespmem:$0x2080] =	vst v63  }
0x1a: {  	p0 =	sne.s32 s13, $0x1F0;
	_ =	swait.ge [sflag:s7], $0x80  }
0x1b: {  	[sflag:s7] =	ssyncset.done $0x0  }
0x1c: {  	[sflag:s7] =	ssyncadd.s32 $0xFFFFFF80  }
0x1d: {  	[tilespmem:s8], [sflag:$0x1] =	stream.indirect.gather [hbm4b:s3+s8], $0x40, s2, s8, $0xb8;
	[tilespmem:$0x2080] =	vst v63  }
0x1e: {  	_ =	swait.ge [sflag:s9], $0x2000  }
.Ltmp0:
0x1f: {  	[sflag:s9] =	ssyncset.done $0x0;
	(pc) =	sbr.rel @p0 .LBB2_2-.Ltmp0, $4  }
0x20: {  	[sflag:s9] =	ssyncadd.s32 $0xFFFFE000  }
0x21: {  	[hbm4b:s11+s2] =	stream.linear.scatter [tilespmem:s8], [sflag:$0x2], $0x2000, $0x38;
	[tilespmem:$0x2080] =	vst v63  }
0x22: {  	_ =	swait.ge [sflag:s7], $0x2000  }
0x23: {  	s13 =	smov.u32 s15;
	s11 =	sadd.s32 $0x400, s11;
	[sflag:s7] =	ssyncset.done $0x0  }
0x24: {  	s12 =	sadd.s32 s12, s6;
	[sflag:s7] =	ssyncadd.s32 $0xFFFFE000  }
0x25: {  	[tilespmem:s2], [sflag:$0x2] =	stream.linear.gather [hbm4b:s12+s2], $0x80, $0x38;
	[tilespmem:$0x2080] =	vst v63  }
0x26: {  	_ =	swait.ge [sflag:s7], $0x80  }
0x27: {  	[sflag:s7] =	ssyncset.done $0x0  }
0x28: {  	[sflag:s7] =	ssyncadd.s32 $0xFFFFFF80  }
0x29: {  	[tilespmem:s8], [sflag:$0x1] =	stream.indirect.gather [hbm4b:s3+s8], $0x40, s2, s8, $0xb8;
	[tilespmem:$0x2080] =	vst v63  }
0x2a: {  	s10 =	sadd.s32 $0x1, s10;
	_ =	swait.ge [sflag:s9], $0x2000  }
0x2b: {  	p0 =	sne.s32 s10, s4;
	[sflag:s9] =	ssyncset.done $0x0  }
.Ltmp1:
0x2c: {  	[sflag:s9] =	ssyncadd.s32 $0xFFFFE000;
	(pc) =	sbr.rel @p0 .LBB2_1-.Ltmp1, $4  }
0x2d: {  	[hbm4b:s11+s2] =	stream.linear.scatter [tilespmem:s8], [sflag:$0x2], $0x2000, $0x38;
	[tilespmem:$0x2080] =	vst v63  }
0x2e: {  	_ =	swait.ge [sflag:s7], $0x2000  }
0x2f: {  	[sflag:s7] =	ssyncset.done $0x0  }
0x30: {  	[sflag:s7] =	ssyncadd.s32 $0xFFFFE000  }
0x31: {  	_ =	sfence.sel $0x180000  }
0x32: {  	[bflag:$0x0] =	sbarrier.arrive $0xFFFF  }
0x33: {  	p0 =	sne.s32 s1, $0x0;
	_ =	strace $0x90000050  }
0x34: {  	s0 =	sadd.s32 @!p0 $0x100000, s0;
	[bflag:$0x2] =	sbarrier.arrive $0xFFFF  }
0x35: {  	[sflag:s0] =	ssyncadd.tile.s32 @!p0 $0x1;
	_ =	shalt  }
.Lfunc_end2:
_tile_overlayer_lowered:
.L_overlay_start_2:
0x36: {  	(tag) =	ssettag $0x2  }
0x37: {  	s0 =	rddreg [dreg:$0x0];
	s2 =	stileid.u32  }
0x38: {  	s1 =	rddreg [dreg:$0x1];
	p0 =	sne.s32 s2, $0x0  }
0x39: {  	s3 =	rddreg [dreg:$0x2];
	[bflag:$0x3] =	sbarrier.arrive $0xFFFF;
	s2 =	simm.s32 @!p0 $0x1C02  }
0x3a: {  	[timem:s3], [sflag:s2] =	dma.local @!p0 [hbm:s0], s1  }
0x3b: {  	s0 =	simm.s32 @!p0 $0x2  }
0x3c: {  	_ =	swait.ge @!p0 [sflag:s0], s1  }
0x3d: {  	s1 =	ssub.s32 @!p0 $0x0, s1;
	[sflag:s0] =	ssyncset.done @!p0 $0x0  }
0x3e: {  	[sflag:s0] =	ssyncadd.s32 @!p0 s1  }
0x3f: {  	[bflag:$0x3] =	sbarrier.arrive $0xFFFF  }
0x40: {  	_ =	shalt  }

// kernel: kernel.16.cloned.1.call-start
scs
__scs_entry_jumppad:
0x0: {  	(pc) =	sbr.rel $0x88, $3  }
0x1: {  	(tag) =	ssettag $0x0;
	lr =	simm.s32 $0x1  }
0x2: {  	[smem:$0x3F8D] =	sst lr;
	_ =	strace $0xD0000000  }
0x3: {  	_ = 	snop  }
0x4: {  	_ = 	snop  }
0x5: {  	_ = 	snop  }
0x6: {  	_ = 	snop  }
0x7: {  	_ = 	snop  }
__scs_overlays_trampoline_lowered:
0x8: {  	[smem:$0x3F9C] =	sst s0  }
0x9: {  	[smem:$0x3F9D] =	sst s1  }
0xa: {  	[smem:$0x3F9E] =	sst s2  }
0xb: {  	[smem:$0x3F9F] =	sst s3  }
0xc: {  	[smem:$0x3FA0] =	sst s4  }
0xd: {  	[smem:$0x3FA1] =	sst s5  }
0xe: {  	[smem:$0x3FA2] =	sst s6  }
0xf: {  	[smem:$0x3FA3] =	sst s7  }
0x10: {  	[smem:$0x3FA4] =	sst s8  }
0x11: {  	[smem:$0x3FA5] =	sst s9;
	s0 =	simm.s32 @!p0 $0x0  }
0x12: {  	s1 =	sld [smem:$0x3F8B];
	s0 =	simm.s32 @p0 $0x1  }
0x13: {  	[smem:$0x3FA6] =	sst s0;
	s0 =	simm.s32 @!p1 $0x0  }
0x14: {  	s2 =	sld [smem:$0x3F8A];
	s0 =	simm.s32 @p1 $0x1  }
0x15: {  	[smem:$0x3FA7] =	sst s0;
	s0 =	simm.s32 @!p2 $0x0  }
0x16: {  	s3 =	sld [smem:$0x3FDB];
	s0 =	simm.s32 @p2 $0x1  }
0x17: {  	s4 =	simm.s32 $0x1BF5;
	[smem:$0x3FA9] =	sst s0  }
0x18: {  	s0 =	sld [smem:$0x3F8C];
	_ =	swait.ge [sflag:s4], $0x0  }
0x19: {  	s7 =	sld [smem:$0x3F8D]  }
0x1a: {  	s8 =	sadd.s32 $0xFFFFE003, lr  }
0x1b: {  	s9 =	sadd.s32 $0xFFFFFEF7, lr;
	s5 =	simm.s32 $0xFFFFFFFF;
	p2 =	slt.u32 s8, $0xFFFFF086  }
0x1c: {  	p1 =	slt.u32 s9, $0xF7A;
	s5 =	simm.s32 @!p2 $0x0  }
0x1d: {  	s5 =	simm.s32 @p1 $0x1;
	p0 =	seq.s32 s7, s2  }
0x1e: {  	s7 =	smul.u32 @!p0 $0xF7A, s2;
	p2 =	seq.s32 @!p0 s5, $0x0  }
0x1f: {  	s9 =	smul.u32 $0xF7A, s1;
	s8 =	simm.s32 @!p0 $0x1BF5;
	p2 =	por !p2, p0  }
0x20: {  	[sflag:s8] =	ssyncset.s32 @!p0 $0xFFFFF086;
	s6 =	sadd.s32 @!p0 s3, s7;
	s7 =	simm.s32 @!p0 $0x108  }
0x21: {  	s3 =	sadd.s32 s3, s9;
	s6 =	sadd.s32 @!p0 $0x88, s6;
	s7 =	simm.s32 @p2 $0x1082  }
0x22: {  	[simem:s7], [sflag:s8] =	dma.local @!p0 [hbm:s6], $0xF7A  }
0x23: {  	s9 =	sor.u32 $0xD0000000, s2;
	s6 =	simm.s32 $0x108;
	_ =	swait.ge @!p0 [sflag:s8], $0x0  }
0x24: {  	s3 =	sadd.s32 $0x88, s3;
	s6 =	simm.s32 @!p1 $0x1082;
	[sflag:s4] =	ssyncset.s32 $0xFFFFF086  }
0x25: {  	[simem:s6], [sflag:s4] =	dma.local [hbm:s3], $0xF7A  }
0x26: {  	[smem:$0x3F8D] =	sst s1;
	(tag) =	ssettag s2;
	_ =	strace s9  }
0x27: {  	s1 =	sld [smem:$0x3F9D]  }
0x28: {  	s2 =	sld [smem:$0x3F9E]  }
0x29: {  	s4 =	sld [smem:$0x3FA0]  }
0x2a: {  	p0 =	seq.s32 s5, $0x0;
	s5 =	sld [smem:$0x3FA1]  }
0x2b: {  	s6 =	sld [smem:$0x3FA2]  }
0x2c: {  	s7 =	sld [smem:$0x3FA3]  }
0x2d: {  	s3 =	simm.s32 $0x108;
	s8 =	sld [smem:$0x3FA4]  }
0x2e: {  	s3 =	simm.s32 @!p0 $0x1082;
	s9 =	sld [smem:$0x3FA5]  }
0x2f: {  	lr =	sadd.s32 s0, s3;
	s0 =	sld [smem:$0x3F9C]  }
0x30: {  	s3 =	sld [smem:$0x3F9F]  }
0x31: {  	[smem:$0x3FA8] =	sst s10  }
0x32: {  	s10 =	sld [smem:$0x3FA6];
	_ =	sdelay $0x3  }
0x33: {  	p0 =	seq.s32 s10, $0x1;
	s10 =	sld [smem:$0x3FA8];
	_ =	sdelay $0x3  }
0x34: {  	[smem:$0x3FA8] =	sst s10  }
0x35: {  	s10 =	sld [smem:$0x3FA7];
	_ =	sdelay $0x3  }
0x36: {  	p1 =	seq.s32 s10, $0x1;
	s10 =	sld [smem:$0x3FA8];
	_ =	sdelay $0x3  }
0x37: {  	[smem:$0x3FA8] =	sst s10  }
0x38: {  	s10 =	sld [smem:$0x3FA9]  }
0x39: {  	_ = 	snop;
	(pc) =	sbr.ind lr, $3  }
0x3a: {  	_ = 	snop  }
0x3b: {  	_ = 	snop  }
0x3c: {  	p2 =	seq.s32 s10, $0x1;
	s10 =	sld [smem:$0x3FA8]  }
0x3d: {  	_ =	shalt  }
0x3e: {  	_ =	shalt  }
0x3f: {  	_ =	shalt  }
0x40: {  	_ =	shalt  }
0x41: {  	_ =	shalt  }
0x42: {  	_ =	shalt  }
0x43: {  	_ =	shalt  }
0x44: {  	_ =	shalt  }
0x45: {  	_ =	shalt  }
0x46: {  	_ =	shalt  }
0x47: {  	_ =	shalt  }
0x48: {  	_ =	shalt  }
0x49: {  	_ =	shalt  }
0x4a: {  	_ =	shalt  }
0x4b: {  	_ =	shalt  }
0x4c: {  	_ =	shalt  }
0x4d: {  	_ =	shalt  }
0x4e: {  	_ =	shalt  }
0x4f: {  	_ =	shalt  }
0x50: {  	_ =	shalt  }
0x51: {  	_ =	shalt  }
0x52: {  	_ =	shalt  }
0x53: {  	_ =	shalt  }
0x54: {  	_ =	shalt  }
0x55: {  	_ =	shalt  }
0x56: {  	_ =	shalt  }
0x57: {  	_ =	shalt  }
0x58: {  	_ =	shalt  }
0x59: {  	_ =	shalt  }
0x5a: {  	_ =	shalt  }
0x5b: {  	_ =	shalt  }
0x5c: {  	_ =	shalt  }
0x5d: {  	_ =	shalt  }
0x5e: {  	_ =	shalt  }
0x5f: {  	_ =	shalt  }
0x60: {  	_ =	shalt  }
0x61: {  	_ =	shalt  }
0x62: {  	_ =	shalt  }
0x63: {  	_ =	shalt  }
0x64: {  	_ =	shalt  }
0x65: {  	_ =	shalt  }
0x66: {  	_ =	shalt  }
0x67: {  	_ =	shalt  }
0x68: {  	_ =	shalt  }
0x69: {  	_ =	shalt  }
0x6a: {  	_ =	shalt  }
0x6b: {  	_ =	shalt  }
0x6c: {  	_ =	shalt  }
0x6d: {  	_ =	shalt  }
0x6e: {  	_ =	shalt  }
0x6f: {  	_ =	shalt  }
0x70: {  	_ =	shalt  }
0x71: {  	_ =	shalt  }
0x72: {  	_ =	shalt  }
0x73: {  	_ =	shalt  }
0x74: {  	_ =	shalt  }
0x75: {  	_ =	shalt  }
0x76: {  	_ =	shalt  }
0x77: {  	_ =	shalt  }
0x78: {  	_ =	shalt  }
0x79: {  	_ =	shalt  }
0x7a: {  	_ =	shalt  }
0x7b: {  	_ =	shalt  }
0x7c: {  	_ =	shalt  }
0x7d: {  	_ =	shalt  }
0x7e: {  	_ =	shalt  }
0x7f: {  	_ =	shalt  }
0x80: {  	_ =	shalt  }
0x81: {  	_ =	shalt  }
0x82: {  	_ =	shalt  }
0x83: {  	_ =	shalt  }
0x84: {  	_ =	shalt  }
0x85: {  	_ =	shalt  }
0x86: {  	_ =	shalt  }
0x87: {  	_ =	shalt  }
.Lfunc_end0:
.L_simem_size_0:
called_computation.4_lowered:
.L_overlay_start_0:
0x88: {  	s2 =	sld [smem:$0x3FD9]  }
0x89: {  	s3 =	sld [smem:$0x3FFE];
	_ =	sdelay $0x1  }
0x8a: {  	s1 =	srdreg.scid  }
0x8b: {  	s0 =	sand.u32 $0x1, s1  }
0x8c: {  	s16 =	sshll.u32 s0, $0xA;
	s2 =	sadd.s32 s3, s2  }
0x8d: {  	s2 =	sadd.s32 s2, s16  }
0x8e: {  	[smem:$0x3FB4] =	sst s2  }
0x8f: {  	_ = 	snop  }
0x90: {  	(tm) =	ssettm $0x1  }
0x91: {  	s17 =	sld [smem:$0x3FFB];
	_ =	sdelay $0x3  }
0x92: {  	_ =	strace s17  }
0x93: {  	s2 =	sld [smem:$0x3FFC];
	_ =	sdelay $0x3  }
0x94: {  	_ =	strace s2  }
0x95: {  	s2 =	sld [smem:$0x3FFD];
	_ =	sdelay $0x3  }
0x96: {  	_ =	strace s2  }
0x97: {  	_ =	strace $0x8FFFFFFF  }
0x98: {  	s18 =	sld [smem:$0x3FDB];
	_ =	sdelay $0x1  }
0x99: {  	s19 =	simm.s32 $_scs_section_size  }
0x9a: {  	s4 =	simm.s32 $_size__tile_overlayer_lowered;
	s5 =	simm.s32 $_tile_overlayer_lowered  }
0x9b: {  	s22 =	simm.s32 $0x1BFF;
	s21 =	sshll.u32 s5, $0x1;
	s2 =	sadd.s32 s19, s18  }
0x9c: {  	s6 =	simm.s32 $0x0;
	s20 =	sshll.u32 s4, $0x1;
	s4 =	sadd.s32 s21, s2  }
0x9d: {  	[timem:s6], [sflag:s22] =	dma.local [hbm:s4], s20  }
0x9e: {  	_ =	swait.ge [sflag:s22], s20  }
0x9f: {  	s3 =	ssub.s32 $0x0, s20;
	[sflag:s22] =	ssyncset.done $0x0  }
0xa0: {  	[sflag:s22] =	ssyncadd.s32 s3;
	_ =	sdelay $0x1  }
0xa1: {  	s23 =	simm.s32 $0x1B8B  }
0xa2: {  	_ =	swait.ge [sflag:s23], $0x1  }
0xa3: {  	[sflag:s23] =	ssyncset.done $0x0  }
0xa4: {  	s25 =	simm.s32 $0x1B8E;
	s24 =	sld [smem:$0x3FFE];
	[sflag:s23] =	ssyncadd.s32 $0xFFFFFFFF  }
0xa5: {  	s26 =	simm.s32 $execute0_lowered;
	[smem:$0x3FD2] =	sst s25  }
0xa6: {  	s4 =	sshll.u32 s26, $0x1;
	_ =	strace $0x8000004C;
	[dreg:$0x1] =	wrdreg $0xFFFFFFFF  }
0xa7: {  	s28 =	simm.s32 $_size_execute0_lowered;
	s2 =	sadd.s32 s2, s4;
	[dreg:$0x0] =	wrdreg $0x0  }
0xa8: {  	s4 =	sshll.u32 s28, $0x1;
	[dreg:$0x2] =	wrdreg s2  }
0xa9: {  	[dreg:$0x3] =	wrdreg s4  }
0xaa: {  	[dreg:$0x4] =	wrdreg $0xC0  }
0xab: {  	_ =	task [dreg:s6], $0x5FFFF  }
0xac: {  	[dreg:$0x1] =	wrdreg $0xFFFFFFFF  }
0xad: {  	[dreg:$0x0] =	wrdreg $0x60  }
0xae: {  	[dreg:$0x2] =	wrdreg s24  }
0xaf: {  	[dreg:$0x3] =	wrdreg $0xB  }
0xb0: {  	_ =	task.clear_ibuf [dreg:s6], $0x4FFFF;
	_ =	strace $0x9000004C  }
0xb1: {  	s29 =	simm.s32 $0xB;
	_ =	strace $0x8000004E  }
0xb2: {  	_ =	swait.ge [sflag:s29], $0x1  }
0xb3: {  	[sflag:s29] =	ssyncadd.s32 $0xFFFFFFFF  }
0xb4: {  	_ =	strace $0x9000004E  }
0xb5: {  	_ =	sfence  }
0xb6: {  	s30 =	sld [smem:$0x0];
	_ =	sdelay $0x2  }
0xb7: {  	s31 =	sshll.u32 s1, $0xD;
	s1 =	sshrl.u32 s1, $0x2  }
0xb8: {  	s3 =	sand.u32 $0x4000, s31;
	s1 =	sadd.s32 s1, s30  }
0xb9: {  	s0 =	sor.u32 s3, s0;
	s1 =	sshll.u32 s1, $0x11  }
0xba: {  	s0 =	sor.u32 s1, s0  }
0xbb: {  	s0 =	sadd.s32 $0x8F2B, s0  }
0xbc: {  	[sflag:s0] =	ssyncadd.remote.s32 $0x1  }
0xbd: {  	_ =	sfence.sel $0xFFFF  }
0xbe: {  	[dreg:$0x0] =	wrdreg $0xFFFFFFFF;
	(pc) =	sbr.abs _section_cstart, $3  }
0xbf: {  	[dreg:$0x1] =	wrdreg $0xFFFFFFFF  }
0xc0: {  	_ =	task.clear_ibuf [dreg:s6], $0x2FFFF;
	_ =	strace $0x9FFFFFFF  }
0xc1: {  	(tm) =	ssettm $0x7FFFFFFF  }
tec
execute0_lowered:
.L_overlay_start_1:
0x0: {  	(tag) =	ssettag $0x1  }
0x1: {  	s4 =	rddreg [dreg:$0x0]  }
0x2: {  	s0 =	rddreg [dreg:$0x1];
	s2 =	simm.s32 $0x0;
	s3 =	srdreg.scid  }
0x3: {  	s1 =	stileid.u32;
	s10 =	simm.s32 $0x0;
	[smem:$0x7FF] =	sst s2  }
0x4: {  	s5 =	sand.u32 $0x1, s3;
	s6 =	sshll.u32 s1, $0xD;
	s3 =	sadd.s32 $0x92000, s4  }
0x5: {  	s8 =	sshll.u32 s1, $0x10;
	_ =	strace $0x8000004D;
	s7 =	sshll.u32 s5, $0xC  }
0x6: {  	s31 =	ssub.s32 $0x2, s5;
	s8 =	sadd.s32 s8, s4;
	s5 =	sshll.u32 s5, $0xF  }
0x7: {  	s6 =	sor.u32 s7, s6;
	s9 =	sshrl.u32 s31, $0x1;
	s5 =	sadd.s32 s5, s8  }
0x8: {  	s8 =	simm.s32 $0x80;
	s6 =	sshrl.u32 s6, $0x3;
	s7 =	ssub.s32 s31, s9  }
0x9: {  	s5 =	sadd.s32 $0xB2000, s5;
	s9 =	simm.s32 $0x1;
	s6 =	sadd.s32 s6, s4  }
0xa: {  	s4 =	smax.u32 s7, $0x1;
	s7 =	simm.s32 $0x2;
	s6 =	sadd.s32 $0x52000, s6  }
.LBB2_1:
0xb: {  	s11 =	sadd.s32 $0x0, s6  }
0xc: {  	[tilespmem:s2], [sflag:$0x2] =	stream.linear.gather [hbm4b:s11+s2], $0x80, $0x38;
	[tilespmem:$0x2080] =	vst v63  }
0xd: {  	_ =	swait.ge [sflag:s7], $0x80  }
0xe: {  	[sflag:s7] =	ssyncset.done $0x0  }
0xf: {  	[sflag:s7] =	ssyncadd.s32 $0xFFFFFF80  }
0x10: {  	[tilespmem:s8], [sflag:$0x1] =	stream.indirect.gather [hbm4b:s3+s8], $0x40, s2, s8, $0xb8;
	[tilespmem:$0x2080] =	vst v63  }
0x11: {  	_ =	swait.ge [sflag:s9], $0x2000  }
0x12: {  	[sflag:s9] =	ssyncset.done $0x0  }
0x13: {  	[sflag:s9] =	ssyncadd.s32 $0xFFFFE000  }
0x14: {  	[hbm4b:s5+s2] =	stream.linear.scatter [tilespmem:s8], [sflag:$0x2], $0x2000, $0x38;
	[tilespmem:$0x2080] =	vst v63  }
0x15: {  	s12 =	simm.s32 $0x10;
	_ =	swait.ge [sflag:s7], $0x2000  }
0x16: {  	s13 =	simm.s32 $0x20;
	s11 =	sadd.s32 $0x400, s5;
	[sflag:s7] =	ssyncset.done $0x0  }
.LBB2_2:
0x17: {  	s14 =	sadd.s32 s12, s6  }
0x18: {  	[sflag:s7] =	ssyncadd.s32 $0xFFFFE000;
	s12 =	smov.u32 s13;
	s15 =	sadd.s32 $0x10, s13  }
0x19: {  	[tilespmem:s2], [sflag:$0x2] =	stream.linear.gather [hbm4b:s14+s2], $0x80, $0x38;
	[tilespmem:$0x2080] =	vst v63  }
0x1a: {  	p0 =	sne.s32 s13, $0x1F0;
	_ =	swait.ge [sflag:s7], $0x80  }
0x1b: {  	[sflag:s7] =	ssyncset.done $0x0  }
0x1c: {  	[sflag:s7] =	ssyncadd.s32 $0xFFFFFF80  }
0x1d: {  	[tilespmem:s8], [sflag:$0x1] =	stream.indirect.gather [hbm4b:s3+s8], $0x40, s2, s8, $0xb8;
	[tilespmem:$0x2080] =	vst v63  }
0x1e: {  	_ =	swait.ge [sflag:s9], $0x2000  }
.Ltmp0:
0x1f: {  	[sflag:s9] =	ssyncset.done $0x0;
	(pc) =	sbr.rel @p0 .LBB2_2-.Ltmp0, $4  }
0x20: {  	[sflag:s9] =	ssyncadd.s32 $0xFFFFE000  }
0x21: {  	[hbm4b:s11+s2] =	stream.linear.scatter [tilespmem:s8], [sflag:$0x2], $0x2000, $0x38;
	[tilespmem:$0x2080] =	vst v63  }
0x22: {  	_ =	swait.ge [sflag:s7], $0x2000  }
0x23: {  	s13 =	smov.u32 s15;
	s11 =	sadd.s32 $0x400, s11;
	[sflag:s7] =	ssyncset.done $0x0  }
0x24: {  	s12 =	sadd.s32 s12, s6;
	[sflag:s7] =	ssyncadd.s32 $0xFFFFE000  }
0x25: {  	[tilespmem:s2], [sflag:$0x2] =	stream.linear.gather [hbm4b:s12+s2], $0x80, $0x38;
	[tilespmem:$0x2080] =	vst v63  }
0x26: {  	_ =	swait.ge [sflag:s7], $0x80  }
0x27: {  	[sflag:s7] =	ssyncset.done $0x0  }
0x28: {  	[sflag:s7] =	ssyncadd.s32 $0xFFFFFF80  }
0x29: {  	[tilespmem:s8], [sflag:$0x1] =	stream.indirect.gather [hbm4b:s3+s8], $0x40, s2, s8, $0xb8;
	[tilespmem:$0x2080] =	vst v63  }
0x2a: {  	s10 =	sadd.s32 $0x1, s10;
	_ =	swait.ge [sflag:s9], $0x2000  }
0x2b: {  	p0 =	sne.s32 s10, s4;
	[sflag:s9] =	ssyncset.done $0x0  }
.Ltmp1:
0x2c: {  	[sflag:s9] =	ssyncadd.s32 $0xFFFFE000;
	(pc) =	sbr.rel @p0 .LBB2_1-.Ltmp1, $4  }
0x2d: {  	[hbm4b:s11+s2] =	stream.linear.scatter [tilespmem:s8], [sflag:$0x2], $0x2000, $0x38;
	[tilespmem:$0x2080] =	vst v63  }
0x2e: {  	_ =	swait.ge [sflag:s7], $0x2000  }
0x2f: {  	[sflag:s7] =	ssyncset.done $0x0  }
0x30: {  	[sflag:s7] =	ssyncadd.s32 $0xFFFFE000  }
0x31: {  	_ =	sfence.sel $0x180000  }
0x32: {  	[bflag:$0x0] =	sbarrier.arrive $0xFFFF  }
0x33: {  	p0 =	sne.s32 s1, $0x0;
	_ =	strace $0x9000004D  }
0x34: {  	s0 =	sadd.s32 @!p0 $0x100000, s0;
	[bflag:$0x2] =	sbarrier.arrive $0xFFFF  }
0x35: {  	[sflag:s0] =	ssyncadd.tile.s32 @!p0 $0x1;
	_ =	shalt  }
.Lfunc_end2:
_tile_overlayer_lowered:
.L_overlay_start_2:
0x36: {  	(tag) =	ssettag $0x2  }
0x37: {  	s0 =	rddreg [dreg:$0x0];
	s2 =	stileid.u32  }
0x38: {  	s1 =	rddreg [dreg:$0x1];
	p0 =	sne.s32 s2, $0x0  }
0x39: {  	s3 =	rddreg [dreg:$0x2];
	[bflag:$0x3] =	sbarrier.arrive $0xFFFF;
	s2 =	simm.s32 @!p0 $0x1C02  }
0x3a: {  	[timem:s3], [sflag:s2] =	dma.local @!p0 [hbm:s0], s1  }
0x3b: {  	s0 =	simm.s32 @!p0 $0x2  }
0x3c: {  	_ =	swait.ge @!p0 [sflag:s0], s1  }
0x3d: {  	s1 =	ssub.s32 @!p0 $0x0, s1;
	[sflag:s0] =	ssyncset.done @!p0 $0x0  }
0x3e: {  	[sflag:s0] =	ssyncadd.s32 @!p0 s1  }
0x3f: {  	[bflag:$0x3] =	sbarrier.arrive $0xFFFF  }
0x40: {  	_ =	shalt  }

</sc_bundles>
